<compile_context>
chip_gen: v7x
topology: tpu7x:2x2x1
jax: 0.10.2.dev20260603
libtpu: 0.0.44.dev20260713+nightly
codegen_flags: <defaults>
</compile_context>

<pallas_src>
import functools

import jax
import jax.numpy as jnp
from jax import lax
from jax.experimental import pallas as pl
from jax.experimental.pallas import tpu as pltpu
from jax.experimental.pallas import tpu_sc as plsc

_B, _G, _D = 32, 8192, 3
_K = 4915
_L = 16
_NCHUNK = _G // _L
_NBIN = 256
_HSTRIDE = _NBIN + 1
_H = _G // 2

_mesh = plsc.VectorSubcoreMesh(core_axis_name="c", subcore_axis_name="s")


@functools.partial(
    pl.kernel,
    mesh=_mesh,
    compiler_params=pltpu.CompilerParams(
        needs_layout_passes=False,
        use_tc_tiling_on_sc=True,
        skip_device_barrier=True,
    ),
    out_type=jax.ShapeDtypeStruct((_B, _G), jnp.int32),
    scratch_types=[
        pltpu.VMEM((_G,), jnp.float32),
        pltpu.VMEM((_G,), jnp.float32),
        pltpu.VMEM((_G,), jnp.float32),
        pltpu.VMEM((_B,), jnp.int32),
        pltpu.VMEM((_G,), jnp.int32),
        pltpu.VMEM((_L * _HSTRIDE,), jnp.int32),
        pltpu.VMEM((_G,), jnp.int32),
        pltpu.VMEM((_L,), jnp.float32),
        pltpu.VMEM((_L,), jnp.float32),
        pltpu.VMEM((_L,), jnp.float32),
        pltpu.SemaphoreType.DMA,
        pltpu.SemaphoreType.DMA,
        pltpu.SemaphoreType.DMA,
    ],
)
def _sc_mask(centers_hbm, cidx_hbm, out_hbm, xv, yv, zv, cidx_v, keys_v,
             hist_v, mask_v, qxv, qyv, qzv, sem0, sem1, semq):
    b = lax.axis_index("s") * 2 + lax.axis_index("c")
    h0 = [
        pltpu.async_copy(centers_hbm.at[c, b, pl.ds(0, _H)],
                         r.at[pl.ds(0, _H)], sem0)
        for c, r in enumerate((xv, yv, zv))
    ]
    h1 = [
        pltpu.async_copy(centers_hbm.at[c, b, pl.ds(_H, _H)],
                         r.at[pl.ds(_H, _H)], sem1)
        for c, r in enumerate((xv, yv, zv))
    ]
    pltpu.sync_copy(cidx_hbm, cidx_v)

    lane = lax.iota(jnp.int32, _L)
    zeros = jnp.zeros((_L,), jnp.int32)
    ones = jnp.ones((_L,), jnp.int32)
    lane_base = lane * _HSTRIDE

    bvec = jnp.full((_L,), b, jnp.int32)
    qi = plsc.load_gather(cidx_v, [bvec])
    qbase = (qi[0] // _L) * _L
    qcopies = [
        pltpu.async_copy(centers_hbm.at[c, b, pl.ds(qbase, _L)], r, semq)
        for c, r in enumerate((qxv, qyv, qzv))
    ]

    def zero_hist():
        @plsc.parallel_loop(0, _HSTRIDE, unroll=8)
        def _(i):
            hist_v[pl.ds(i * _L, _L)] = zeros

    zero_hist()

    for c in qcopies:
        c.wait()
    qoff = qi - qbase
    qx = plsc.load_gather(qxv, [qoff])
    qy = plsc.load_gather(qyv, [qoff])
    qz = plsc.load_gather(qzv, [qoff])

    def d2_range(lo, hi):
        @plsc.parallel_loop(lo, hi, unroll=8)
        def _(i):
            x = xv[pl.ds(i * _L, _L)]
            y = yv[pl.ds(i * _L, _L)]
            z = zv[pl.ds(i * _L, _L)]
            dx = x - qx
            dy = y - qy
            dz = z - qz
            d2 = dx * dx + dy * dy + dz * dz
            key = plsc.bitcast(d2, jnp.int32)
            keys_v[pl.ds(i * _L, _L)] = key
            bin_ = lax.shift_right_logical(key, 24)
            plsc.addupdate_scatter(hist_v, [lane_base + bin_], ones)

    for c in h0:
        c.wait()
    d2_range(0, _NCHUNK // 2)
    for c in h1:
        c.wait()
    d2_range(_NCHUNK // 2, _NCHUNK)

    def scan_select(need):
        def chunk(c, carry):
            cum_before, t_acc, ce_acc, cnt_acc = carry
            tot = zeros
            for l in range(_L):
                tot = tot + hist_v[pl.ds(l * _HSTRIDE + c * _L, _L)]
                hist_v[pl.ds(l * _HSTRIDE + c * _L, _L)] = zeros
            cumi = plsc.cumsum(tot) + cum_before
            cume = cumi - tot
            sel = (cume < need) & (cumi >= need)
            bin_ids = c * _L + lane
            t_acc = t_acc + jnp.where(sel, bin_ids, 0)
            ce_acc = ce_acc + jnp.where(sel, cume, 0)
            cnt_acc = cnt_acc + jnp.where(sel, tot, 0)
            cum_before = cum_before + jnp.sum(tot)
            return cum_before, t_acc, ce_acc, cnt_acc

        init = (jnp.int32(0), zeros, zeros, zeros)
        _, t, ce, cnt = lax.fori_loop(0, _NBIN // _L, chunk, init)
        return jnp.sum(t), jnp.sum(ce), jnp.sum(cnt)

    t, ce, cnt = scan_select(jnp.int32(_K))
    prefix = t
    count_less = ce

    for shift in (16, 8, 0):
        @plsc.parallel_loop(0, _NCHUNK, unroll=8)
        def _(i, shift=shift, prefix=prefix):
            key = keys_v[pl.ds(i * _L, _L)]
            active = lax.shift_right_logical(key, shift + 8) == prefix
            bin_ = lax.shift_right_logical(key, shift) & (_NBIN - 1)
            plsc.addupdate_scatter(hist_v, [lane_base + bin_], ones,
                                   mask=active)

        t, ce, cnt = scan_select(jnp.int32(_K) - count_less)
        prefix = (prefix << 8) | t
        count_less = count_less + ce

    kth_key = prefix
    rem = jnp.int32(_K) - count_less

    def write_simple(_):
        @plsc.parallel_loop(0, _NCHUNK, unroll=8)
        def _(i):
            key = keys_v[pl.ds(i * _L, _L)]
            mask_v[pl.ds(i * _L, _L)] = jnp.where(key <= kth_key, 1, 0)

        return jnp.int32(0)

    def write_ties(_):
        def body(i, carry):
            key = keys_v[pl.ds(i * _L, _L)]
            lt = key < kth_key
            eq = key == kth_key
            eqi = jnp.where(eq, 1, 0)
            cum = plsc.cumsum(eqi)
            tie_rank = carry + cum - 1
            inc = lt | (eq & (tie_rank < rem))
            mask_v[pl.ds(i * _L, _L)] = jnp.where(inc, 1, 0)
            return carry + jnp.sum(eqi)

        lax.fori_loop(0, _NCHUNK, body, jnp.int32(0))
        return jnp.int32(0)

    lax.cond(cnt == rem, write_simple, write_ties, jnp.int32(0))

    pltpu.sync_copy(mask_v, out_hbm.at[b])


def kernel(centers, center_idx):
    planes = jnp.transpose(centers, (2, 0, 1))
    return _sc_mask(planes, center_idx).astype(bool)

# --- scband reference (transcript-rebuilt; emitter-appended) ---
"""Pipeline reference for scband-pointcloud-masking-19404662243992 (READ-ONLY COPY).

The authoritative reference and input builder live on the scoring server;
editing this copy changes nothing except your own understanding.
"""

import jax, jax.numpy as jnp
import numpy as np

B, G, D = 32, 8192, 3
RATIO = 0.6
NUM_MASK = int(RATIO * G)


def setup_inputs(seed: int = 0) -> dict:
    key = jax.random.key(seed)
    k1, k2 = jax.random.split(key)
    centers = jax.random.normal(k1, (B, G, D), dtype=jnp.float32)
    center_idx = jax.random.randint(k2, (B,), 0, G, dtype=jnp.int32)
    return {"centers": centers, "center_idx": center_idx}


def reference(centers, center_idx):
    # _mask_center_block: pick one random center per cloud (index supplied as
    # center_idx for determinism), find its NUM_MASK nearest neighbors among
    # all G centers (knn_points, squared-L2), scatter 1.0 at those indices.
    batch_ar = jnp.arange(B)
    sel = centers[batch_ar, center_idx]            # [B, D] query point per cloud
    diff = centers - sel[:, None, :]               # [B, G, D]
    d2 = jnp.sum(diff * diff, axis=-1)             # [B, G] squared distances
    _, knn_idx = jax.lax.top_k(-d2, NUM_MASK)      # K nearest (smallest d2)
    mask = jnp.zeros((B, G), dtype=jnp.float32)
    mask = mask.at[batch_ar[:, None], knn_idx].set(1.0)
    return mask.astype(bool)

if __name__ == "__main__":
    import jax
    _d = setup_inputs()
    print(jax.jit(kernel)(*tuple(_d.values())))

</pallas_src>

<mosaic_0001>
#map = affine_map<(d0, d1) -> (0, 0, 0)>
#map1 = affine_map<(d0, d1) -> (0)>
#map2 = affine_map<(d0, d1) -> (0, 0)>
module attributes {stable_mosaic.version = 14 : i64} {
  func.func @_sc_mask(%arg0: i32, %arg1: i32, %arg2: memref<3x32x8192xf32, #tpu.memory_space<hbm>>, %arg3: memref<32xi32, #tpu.memory_space<hbm>>, %arg4: memref<32x8192xi32, #tpu.memory_space<hbm>>, %arg5: memref<8192xf32, #tpu.memory_space<vmem>>, %arg6: memref<8192xf32, #tpu.memory_space<vmem>>, %arg7: memref<8192xf32, #tpu.memory_space<vmem>>, %arg8: memref<32xi32, #tpu.memory_space<vmem>>, %arg9: memref<8192xi32, #tpu.memory_space<vmem>>, %arg10: memref<4112xi32, #tpu.memory_space<vmem>>, %arg11: memref<8192xi32, #tpu.memory_space<vmem>>, %arg12: memref<16xf32, #tpu.memory_space<vmem>>, %arg13: memref<16xf32, #tpu.memory_space<vmem>>, %arg14: memref<16xf32, #tpu.memory_space<vmem>>, %arg15: memref<!tpu.dma_semaphore, #tpu.memory_space<semaphore_mem>>, %arg16: memref<!tpu.dma_semaphore, #tpu.memory_space<semaphore_mem>>, %arg17: memref<!tpu.dma_semaphore, #tpu.memory_space<semaphore_mem>>) attributes {dimension_semantics = [#tpu.dimension_semantics<core_parallel>, #tpu.dimension_semantics<subcore_parallel>], iteration_bounds = array<i64: 2, 16>, scalar_prefetch = 0 : i64, scratch_operands = 13 : i64, tpu.core_type = #tpu.core_type<sc_vector_subcore>, window_params = [{transform_indices = #map}, {transform_indices = #map1}, {transform_indices = #map2}]} {
    %mul3A = arith.constant 2 : i32
    %mul3A_0 = arith.muli %arg1, %mul3A : i32
    %add3A = arith.addi %mul3A_0, %arg0 : i32
    %dma_start3A = arith.constant 0 : i32
    %dma_start3A_1 = arith.constant 0 : i32
    %dma_start3A_2 = tpu.memref_slice %arg5[%dma_start3A_1] : memref<8192xf32, #tpu.memory_space<vmem>> -> memref<4096xf32, #tpu.memory_space<vmem>>
    %dma_start3A_3 = arith.constant 0 : i32
    %dma_start3A_4 = tpu.memref_slice %arg2[%dma_start3A, %add3A, %dma_start3A_3] : memref<3x32x8192xf32, #tpu.memory_space<hbm>> -> memref<1x1x4096xf32, #tpu.memory_space<hbm>>
    %dma_start3A_5 = tpu.memref_squeeze %dma_start3A_4 : memref<1x1x4096xf32, #tpu.memory_space<hbm>> -> memref<4096xf32, #tpu.memory_space<hbm>>
    %dma_start3A_6 = arith.constant 0 : i32
    %dma_start3A_7 = tpu.memref_slice %arg5[%dma_start3A_6] : memref<8192xf32, #tpu.memory_space<vmem>> -> memref<4096xf32, #tpu.memory_space<vmem>>
    %dma_start3A_8 = arith.constant 0 : i32
    %dma_start3A_9 = tpu.memref_slice %arg2[%dma_start3A, %add3A, %dma_start3A_8] : memref<3x32x8192xf32, #tpu.memory_space<hbm>> -> memref<1x1x4096xf32, #tpu.memory_space<hbm>>
    %dma_start3A_10 = tpu.memref_squeeze %dma_start3A_9 : memref<1x1x4096xf32, #tpu.memory_space<hbm>> -> memref<4096xf32, #tpu.memory_space<hbm>>
    tpu.enqueue_dma source(%dma_start3A_10 : memref<4096xf32, #tpu.memory_space<hbm>>) target(%dma_start3A_7 : memref<4096xf32, #tpu.memory_space<vmem>>) target_semaphore(%arg15 : memref<!tpu.dma_semaphore, #tpu.memory_space<semaphore_mem>>)
    %dma_start3A_11 = arith.constant 1 : i32
    %dma_start3A_12 = arith.constant 0 : i32
    %dma_start3A_13 = tpu.memref_slice %arg6[%dma_start3A_12] : memref<8192xf32, #tpu.memory_space<vmem>> -> memref<4096xf32, #tpu.memory_space<vmem>>
    %dma_start3A_14 = arith.constant 0 : i32
    %dma_start3A_15 = tpu.memref_slice %arg2[%dma_start3A_11, %add3A, %dma_start3A_14] : memref<3x32x8192xf32, #tpu.memory_space<hbm>> -> memref<1x1x4096xf32, #tpu.memory_space<hbm>>
    %dma_start3A_16 = tpu.memref_squeeze %dma_start3A_15 : memref<1x1x4096xf32, #tpu.memory_space<hbm>> -> memref<4096xf32, #tpu.memory_space<hbm>>
    %dma_start3A_17 = arith.constant 0 : i32
    %dma_start3A_18 = tpu.memref_slice %arg6[%dma_start3A_17] : memref<8192xf32, #tpu.memory_space<vmem>> -> memref<4096xf32, #tpu.memory_space<vmem>>
    %dma_start3A_19 = arith.constant 0 : i32
    %dma_start3A_20 = tpu.memref_slice %arg2[%dma_start3A_11, %add3A, %dma_start3A_19] : memref<3x32x8192xf32, #tpu.memory_space<hbm>> -> memref<1x1x4096xf32, #tpu.memory_space<hbm>>
    %dma_start3A_21 = tpu.memref_squeeze %dma_start3A_20 : memref<1x1x4096xf32, #tpu.memory_space<hbm>> -> memref<4096xf32, #tpu.memory_space<hbm>>
    tpu.enqueue_dma source(%dma_start3A_21 : memref<4096xf32, #tpu.memory_space<hbm>>) target(%dma_start3A_18 : memref<4096xf32, #tpu.memory_space<vmem>>) target_semaphore(%arg15 : memref<!tpu.dma_semaphore, #tpu.memory_space<semaphore_mem>>)
    %dma_start3A_22 = arith.constant 2 : i32
    %dma_start3A_23 = arith.constant 0 : i32
    %dma_start3A_24 = tpu.memref_slice %arg7[%dma_start3A_23] : memref<8192xf32, #tpu.memory_space<vmem>> -> memref<4096xf32, #tpu.memory_space<vmem>>
    %dma_start3A_25 = arith.constant 0 : i32
    %dma_start3A_26 = tpu.memref_slice %arg2[%dma_start3A_22, %add3A, %dma_start3A_25] : memref<3x32x8192xf32, #tpu.memory_space<hbm>> -> memref<1x1x4096xf32, #tpu.memory_space<hbm>>
    %dma_start3A_27 = tpu.memref_squeeze %dma_start3A_26 : memref<1x1x4096xf32, #tpu.memory_space<hbm>> -> memref<4096xf32, #tpu.memory_space<hbm>>
    %dma_start3A_28 = arith.constant 0 : i32
    %dma_start3A_29 = tpu.memref_slice %arg7[%dma_start3A_28] : memref<8192xf32, #tpu.memory_space<vmem>> -> memref<4096xf32, #tpu.memory_space<vmem>>
    %dma_start3A_30 = arith.constant 0 : i32
    %dma_start3A_31 = tpu.memref_slice %arg2[%dma_start3A_22, %add3A, %dma_start3A_30] : memref<3x32x8192xf32, #tpu.memory_space<hbm>> -> memref<1x1x4096xf32, #tpu.memory_space<hbm>>
    %dma_start3A_32 = tpu.memref_squeeze %dma_start3A_31 : memref<1x1x4096xf32, #tpu.memory_space<hbm>> -> memref<4096xf32, #tpu.memory_space<hbm>>
    tpu.enqueue_dma source(%dma_start3A_32 : memref<4096xf32, #tpu.memory_space<hbm>>) target(%dma_start3A_29 : memref<4096xf32, #tpu.memory_space<vmem>>) target_semaphore(%arg15 : memref<!tpu.dma_semaphore, #tpu.memory_space<semaphore_mem>>)
    %dma_start3A_33 = arith.constant 0 : i32
    %dma_start3A_34 = arith.constant 4096 : i32
    %dma_start3A_35 = tpu.memref_slice %arg5[%dma_start3A_34] : memref<8192xf32, #tpu.memory_space<vmem>> -> memref<4096xf32, #tpu.memory_space<vmem>>
    %dma_start3A_36 = arith.constant 4096 : i32
    %dma_start3A_37 = tpu.memref_slice %arg2[%dma_start3A_33, %add3A, %dma_start3A_36] : memref<3x32x8192xf32, #tpu.memory_space<hbm>> -> memref<1x1x4096xf32, #tpu.memory_space<hbm>>
    %dma_start3A_38 = tpu.memref_squeeze %dma_start3A_37 : memref<1x1x4096xf32, #tpu.memory_space<hbm>> -> memref<4096xf32, #tpu.memory_space<hbm>>
    %dma_start3A_39 = arith.constant 4096 : i32
    %dma_start3A_40 = tpu.memref_slice %arg5[%dma_start3A_39] : memref<8192xf32, #tpu.memory_space<vmem>> -> memref<4096xf32, #tpu.memory_space<vmem>>
    %dma_start3A_41 = arith.constant 4096 : i32
    %dma_start3A_42 = tpu.memref_slice %arg2[%dma_start3A_33, %add3A, %dma_start3A_41] : memref<3x32x8192xf32, #tpu.memory_space<hbm>> -> memref<1x1x4096xf32, #tpu.memory_space<hbm>>
    %dma_start3A_43 = tpu.memref_squeeze %dma_start3A_42 : memref<1x1x4096xf32, #tpu.memory_space<hbm>> -> memref<4096xf32, #tpu.memory_space<hbm>>
    tpu.enqueue_dma source(%dma_start3A_43 : memref<4096xf32, #tpu.memory_space<hbm>>) target(%dma_start3A_40 : memref<4096xf32, #tpu.memory_space<vmem>>) target_semaphore(%arg16 : memref<!tpu.dma_semaphore, #tpu.memory_space<semaphore_mem>>)
    %dma_start3A_44 = arith.constant 1 : i32
    %dma_start3A_45 = arith.constant 4096 : i32
    %dma_start3A_46 = tpu.memref_slice %arg6[%dma_start3A_45] : memref<8192xf32, #tpu.memory_space<vmem>> -> memref<4096xf32, #tpu.memory_space<vmem>>
    %dma_start3A_47 = arith.constant 4096 : i32
    %dma_start3A_48 = tpu.memref_slice %arg2[%dma_start3A_44, %add3A, %dma_start3A_47] : memref<3x32x8192xf32, #tpu.memory_space<hbm>> -> memref<1x1x4096xf32, #tpu.memory_space<hbm>>
    %dma_start3A_49 = tpu.memref_squeeze %dma_start3A_48 : memref<1x1x4096xf32, #tpu.memory_space<hbm>> -> memref<4096xf32, #tpu.memory_space<hbm>>
    %dma_start3A_50 = arith.constant 4096 : i32
    %dma_start3A_51 = tpu.memref_slice %arg6[%dma_start3A_50] : memref<8192xf32, #tpu.memory_space<vmem>> -> memref<4096xf32, #tpu.memory_space<vmem>>
    %dma_start3A_52 = arith.constant 4096 : i32
    %dma_start3A_53 = tpu.memref_slice %arg2[%dma_start3A_44, %add3A, %dma_start3A_52] : memref<3x32x8192xf32, #tpu.memory_space<hbm>> -> memref<1x1x4096xf32, #tpu.memory_space<hbm>>
    %dma_start3A_54 = tpu.memref_squeeze %dma_start3A_53 : memref<1x1x4096xf32, #tpu.memory_space<hbm>> -> memref<4096xf32, #tpu.memory_space<hbm>>
    tpu.enqueue_dma source(%dma_start3A_54 : memref<4096xf32, #tpu.memory_space<hbm>>) target(%dma_start3A_51 : memref<4096xf32, #tpu.memory_space<vmem>>) target_semaphore(%arg16 : memref<!tpu.dma_semaphore, #tpu.memory_space<semaphore_mem>>)
    %dma_start3A_55 = arith.constant 2 : i32
    %dma_start3A_56 = arith.constant 4096 : i32
    %dma_start3A_57 = tpu.memref_slice %arg7[%dma_start3A_56] : memref<8192xf32, #tpu.memory_space<vmem>> -> memref<4096xf32, #tpu.memory_space<vmem>>
    %dma_start3A_58 = arith.constant 4096 : i32
    %dma_start3A_59 = tpu.memref_slice %arg2[%dma_start3A_55, %add3A, %dma_start3A_58] : memref<3x32x8192xf32, #tpu.memory_space<hbm>> -> memref<1x1x4096xf32, #tpu.memory_space<hbm>>
    %dma_start3A_60 = tpu.memref_squeeze %dma_start3A_59 : memref<1x1x4096xf32, #tpu.memory_space<hbm>> -> memref<4096xf32, #tpu.memory_space<hbm>>
    %dma_start3A_61 = arith.constant 4096 : i32
    %dma_start3A_62 = tpu.memref_slice %arg7[%dma_start3A_61] : memref<8192xf32, #tpu.memory_space<vmem>> -> memref<4096xf32, #tpu.memory_space<vmem>>
    %dma_start3A_63 = arith.constant 4096 : i32
    %dma_start3A_64 = tpu.memref_slice %arg2[%dma_start3A_55, %add3A, %dma_start3A_63] : memref<3x32x8192xf32, #tpu.memory_space<hbm>> -> memref<1x1x4096xf32, #tpu.memory_space<hbm>>
    %dma_start3A_65 = tpu.memref_squeeze %dma_start3A_64 : memref<1x1x4096xf32, #tpu.memory_space<hbm>> -> memref<4096xf32, #tpu.memory_space<hbm>>
    tpu.enqueue_dma source(%dma_start3A_65 : memref<4096xf32, #tpu.memory_space<hbm>>) target(%dma_start3A_62 : memref<4096xf32, #tpu.memory_space<vmem>>) target_semaphore(%arg16 : memref<!tpu.dma_semaphore, #tpu.memory_space<semaphore_mem>>)
    "tpu.region"() ({
      %run_scoped3A = tpu.sem_alloc : memref<!tpu.dma_semaphore, #tpu.memory_space<semaphore_mem>>
      tpu.enqueue_dma source(%arg3 : memref<32xi32, #tpu.memory_space<hbm>>) target(%arg8 : memref<32xi32, #tpu.memory_space<vmem>>) target_semaphore(%run_scoped3A : memref<!tpu.dma_semaphore, #tpu.memory_space<semaphore_mem>>)
      tpu.wait_dma2 semaphore(%run_scoped3A : memref<!tpu.dma_semaphore, #tpu.memory_space<semaphore_mem>>) src(%arg3 : memref<32xi32, #tpu.memory_space<hbm>>) dst(%arg8 : memref<32xi32, #tpu.memory_space<vmem>>)
      tpu.yield
    }) : () -> ()
    %iota3A = tpu.iota {dimensions = array<i32: 0>} : vector<16xi32>
    %broadcast_in_dim3A = arith.constant 0 : i32
    %broadcast_in_dim3A_66 = vector.broadcast %broadcast_in_dim3A : i32 to vector<16xi32>
    %broadcast_in_dim3A_67 = arith.constant 1 : i32
    %broadcast_in_dim3A_68 = vector.broadcast %broadcast_in_dim3A_67 : i32 to vector<16xi32>
    %mul3A_69 = arith.constant 257 : i32
    %mul3A_70 = vector.broadcast %mul3A_69 : i32 to vector<16xi32>
    %mul3A_71 = arith.muli %iota3A, %mul3A_70 : vector<16xi32>
    %broadcast_in_dim3A_72 = vector.broadcast %add3A : i32 to vector<16xi32>
    %gather3A = tpu.vector_load_idx %arg8[%broadcast_in_dim3A_72] : memref<32xi32, #tpu.memory_space<vmem>>[vector<16xi32>], vector<16xi32>,
    %slice3A = vector.extract_strided_slice %gather3A {offsets = [0], sizes = [1], strides = [1]} : vector<16xi32> to vector<1xi32>
    %squeeze3A = vector.extract %slice3A[0] : i32 from vector<1xi32>
    %jit3A = arith.constant 16 : i32
    %div3A = arith.divsi %squeeze3A, %jit3A : i32
    %sign3A = arith.constant 0 : i32
    %sign3A_73 = arith.cmpi sgt, %squeeze3A, %sign3A : i32
    %sign3A_74 = arith.extui %sign3A_73 : i1 to i32
    %sign3A_75 = arith.constant 0 : i32
    %sign3A_76 = arith.cmpi slt, %squeeze3A, %sign3A_75 : i32
    %sign3A_77 = arith.extui %sign3A_76 : i1 to i32
    %sign3A_78 = arith.subi %sign3A_74, %sign3A_77 : i32
    %sign3A_79 = arith.constant 0 : i32
    %sign3A_80 = arith.cmpi sgt, %jit3A, %sign3A_79 : i32
    %sign3A_81 = arith.extui %sign3A_80 : i1 to i32
    %sign3A_82 = arith.constant 0 : i32
    %sign3A_83 = arith.cmpi slt, %jit3A, %sign3A_82 : i32
    %sign3A_84 = arith.extui %sign3A_83 : i1 to i32
    %sign3A_85 = arith.subi %sign3A_81, %sign3A_84 : i32
    %ne3A = arith.cmpi ne, %sign3A_78, %sign3A_85 : i32
    %rem3A = arith.remsi %squeeze3A, %jit3A : i32
    %ne3A_86 = arith.constant 0 : i32
    %ne3A_87 = arith.cmpi ne, %rem3A, %ne3A_86 : i32
    %and3A = arith.andi %ne3A, %ne3A_87 : i1
    %sub3A = arith.constant 1 : i32
    %sub3A_88 = arith.subi %div3A, %sub3A : i32
    %select_n3A = arith.select %and3A, %sub3A_88, %div3A : i32
    %mul3A_89 = arith.constant 16 : i32
    %mul3A_90 = arith.muli %select_n3A, %mul3A_89 : i32
    %dma_start3A_91 = arith.constant 0 : i32
    %dma_start3A_92 = tpu.memref_slice %arg2[%dma_start3A_91, %add3A, %mul3A_90] : memref<3x32x8192xf32, #tpu.memory_space<hbm>> -> memref<1x1x16xf32, #tpu.memory_space<hbm>>
    %dma_start3A_93 = tpu.memref_squeeze %dma_start3A_92 : memref<1x1x16xf32, #tpu.memory_space<hbm>> -> memref<16xf32, #tpu.memory_space<hbm>>
    %dma_start3A_94 = tpu.memref_slice %arg2[%dma_start3A_91, %add3A, %mul3A_90] : memref<3x32x8192xf32, #tpu.memory_space<hbm>> -> memref<1x1x16xf32, #tpu.memory_space<hbm>>
    %dma_start3A_95 = tpu.memref_squeeze %dma_start3A_94 : memref<1x1x16xf32, #tpu.memory_space<hbm>> -> memref<16xf32, #tpu.memory_space<hbm>>
    tpu.enqueue_dma source(%dma_start3A_95 : memref<16xf32, #tpu.memory_space<hbm>>) target(%arg12 : memref<16xf32, #tpu.memory_space<vmem>>) target_semaphore(%arg17 : memref<!tpu.dma_semaphore, #tpu.memory_space<semaphore_mem>>)
    %dma_start3A_96 = arith.constant 1 : i32
    %dma_start3A_97 = tpu.memref_slice %arg2[%dma_start3A_96, %add3A, %mul3A_90] : memref<3x32x8192xf32, #tpu.memory_space<hbm>> -> memref<1x1x16xf32, #tpu.memory_space<hbm>>
    %dma_start3A_98 = tpu.memref_squeeze %dma_start3A_97 : memref<1x1x16xf32, #tpu.memory_space<hbm>> -> memref<16xf32, #tpu.memory_space<hbm>>
    %dma_start3A_99 = tpu.memref_slice %arg2[%dma_start3A_96, %add3A, %mul3A_90] : memref<3x32x8192xf32, #tpu.memory_space<hbm>> -> memref<1x1x16xf32, #tpu.memory_space<hbm>>
    %dma_start3A_100 = tpu.memref_squeeze %dma_start3A_99 : memref<1x1x16xf32, #tpu.memory_space<hbm>> -> memref<16xf32, #tpu.memory_space<hbm>>
    tpu.enqueue_dma source(%dma_start3A_100 : memref<16xf32, #tpu.memory_space<hbm>>) target(%arg13 : memref<16xf32, #tpu.memory_space<vmem>>) target_semaphore(%arg17 : memref<!tpu.dma_semaphore, #tpu.memory_space<semaphore_mem>>)
    %dma_start3A_101 = arith.constant 2 : i32
    %dma_start3A_102 = tpu.memref_slice %arg2[%dma_start3A_101, %add3A, %mul3A_90] : memref<3x32x8192xf32, #tpu.memory_space<hbm>> -> memref<1x1x16xf32, #tpu.memory_space<hbm>>
    %dma_start3A_103 = tpu.memref_squeeze %dma_start3A_102 : memref<1x1x16xf32, #tpu.memory_space<hbm>> -> memref<16xf32, #tpu.memory_space<hbm>>
    %dma_start3A_104 = tpu.memref_slice %arg2[%dma_start3A_101, %add3A, %mul3A_90] : memref<3x32x8192xf32, #tpu.memory_space<hbm>> -> memref<1x1x16xf32, #tpu.memory_space<hbm>>
    %dma_start3A_105 = tpu.memref_squeeze %dma_start3A_104 : memref<1x1x16xf32, #tpu.memory_space<hbm>> -> memref<16xf32, #tpu.memory_space<hbm>>
    tpu.enqueue_dma source(%dma_start3A_105 : memref<16xf32, #tpu.memory_space<hbm>>) target(%arg14 : memref<16xf32, #tpu.memory_space<vmem>>) target_semaphore(%arg17 : memref<!tpu.dma_semaphore, #tpu.memory_space<semaphore_mem>>)
    %parallel_loop3A = arith.constant 0 : i32
    %parallel_loop3A_106 = arith.constant 257 : i32
    %parallel_loop3A_107 = arith.constant 1 : i32
    scf.for %parallel_loop3A_304 = %parallel_loop3A to %parallel_loop3A_106 step %parallel_loop3A_107  : i32 {
      %parallel_loop3A_305 = arith.constant 16 : i32
      %parallel_loop3A_306 = arith.muli %parallel_loop3A_304, %parallel_loop3A_305 : i32
      %parallel_loop3A_307 = arith.index_cast %parallel_loop3A_306 : i32 to index
      %parallel_loop3A_308 = tpu.vector_load %arg10[%parallel_loop3A_307] {strides = array<i32>} : memref<4112xi32, #tpu.memory_space<vmem>>, vector<16xi32>,
      tpu.vector_store %arg10[%parallel_loop3A_307], %broadcast_in_dim3A_66 {strides = array<i32>} : memref<4112xi32, #tpu.memory_space<vmem>>, vector<16xi32>,
    } {sc.loop_unroll_factor = 8 : i64, sc.parallel_access}
    %dma_wait3A = arith.constant 0 : i32
    %dma_wait3A_108 = tpu.memref_slice %arg2[%dma_wait3A, %add3A, %mul3A_90] : memref<3x32x8192xf32, #tpu.memory_space<hbm>> -> memref<1x1x16xf32, #tpu.memory_space<hbm>>
    %dma_wait3A_109 = tpu.memref_squeeze %dma_wait3A_108 : memref<1x1x16xf32, #tpu.memory_space<hbm>> -> memref<16xf32, #tpu.memory_space<hbm>>
    %dma_wait3A_110 = tpu.memref_slice %arg2[%dma_wait3A, %add3A, %mul3A_90] : memref<3x32x8192xf32, #tpu.memory_space<hbm>> -> memref<1x1x16xf32, #tpu.memory_space<hbm>>
    %dma_wait3A_111 = tpu.memref_squeeze %dma_wait3A_110 : memref<1x1x16xf32, #tpu.memory_space<hbm>> -> memref<16xf32, #tpu.memory_space<hbm>>
    tpu.wait_dma2 semaphore(%arg17 : memref<!tpu.dma_semaphore, #tpu.memory_space<semaphore_mem>>) src(%dma_wait3A_111 : memref<16xf32, #tpu.memory_space<hbm>>) dst(%arg12 : memref<16xf32, #tpu.memory_space<vmem>>)
    %dma_wait3A_112 = arith.constant 1 : i32
    %dma_wait3A_113 = tpu.memref_slice %arg2[%dma_wait3A_112, %add3A, %mul3A_90] : memref<3x32x8192xf32, #tpu.memory_space<hbm>> -> memref<1x1x16xf32, #tpu.memory_space<hbm>>
    %dma_wait3A_114 = tpu.memref_squeeze %dma_wait3A_113 : memref<1x1x16xf32, #tpu.memory_space<hbm>> -> memref<16xf32, #tpu.memory_space<hbm>>
    %dma_wait3A_115 = tpu.memref_slice %arg2[%dma_wait3A_112, %add3A, %mul3A_90] : memref<3x32x8192xf32, #tpu.memory_space<hbm>> -> memref<1x1x16xf32, #tpu.memory_space<hbm>>
    %dma_wait3A_116 = tpu.memref_squeeze %dma_wait3A_115 : memref<1x1x16xf32, #tpu.memory_space<hbm>> -> memref<16xf32, #tpu.memory_space<hbm>>
    tpu.wait_dma2 semaphore(%arg17 : memref<!tpu.dma_semaphore, #tpu.memory_space<semaphore_mem>>) src(%dma_wait3A_116 : memref<16xf32, #tpu.memory_space<hbm>>) dst(%arg13 : memref<16xf32, #tpu.memory_space<vmem>>)
    %dma_wait3A_117 = arith.constant 2 : i32
    %dma_wait3A_118 = tpu.memref_slice %arg2[%dma_wait3A_117, %add3A, %mul3A_90] : memref<3x32x8192xf32, #tpu.memory_space<hbm>> -> memref<1x1x16xf32, #tpu.memory_space<hbm>>
    %dma_wait3A_119 = tpu.memref_squeeze %dma_wait3A_118 : memref<1x1x16xf32, #tpu.memory_space<hbm>> -> memref<16xf32, #tpu.memory_space<hbm>>
    %dma_wait3A_120 = tpu.memref_slice %arg2[%dma_wait3A_117, %add3A, %mul3A_90] : memref<3x32x8192xf32, #tpu.memory_space<hbm>> -> memref<1x1x16xf32, #tpu.memory_space<hbm>>
    %dma_wait3A_121 = tpu.memref_squeeze %dma_wait3A_120 : memref<1x1x16xf32, #tpu.memory_space<hbm>> -> memref<16xf32, #tpu.memory_space<hbm>>
    tpu.wait_dma2 semaphore(%arg17 : memref<!tpu.dma_semaphore, #tpu.memory_space<semaphore_mem>>) src(%dma_wait3A_121 : memref<16xf32, #tpu.memory_space<hbm>>) dst(%arg14 : memref<16xf32, #tpu.memory_space<vmem>>)
    %sub3A_122 = vector.broadcast %mul3A_90 : i32 to vector<16xi32>
    %sub3A_123 = arith.subi %gather3A, %sub3A_122 : vector<16xi32>
    %gather3A_124 = tpu.vector_load_idx %arg12[%sub3A_123] : memref<16xf32, #tpu.memory_space<vmem>>[vector<16xi32>], vector<16xf32>,
    %gather3A_125 = tpu.vector_load_idx %arg13[%sub3A_123] : memref<16xf32, #tpu.memory_space<vmem>>[vector<16xi32>], vector<16xf32>,
    %gather3A_126 = tpu.vector_load_idx %arg14[%sub3A_123] : memref<16xf32, #tpu.memory_space<vmem>>[vector<16xi32>], vector<16xf32>,
    %dma_wait3A_127 = arith.constant 0 : i32
    %dma_wait3A_128 = arith.constant 0 : i32
    %dma_wait3A_129 = tpu.memref_slice %arg5[%dma_wait3A_128] : memref<8192xf32, #tpu.memory_space<vmem>> -> memref<4096xf32, #tpu.memory_space<vmem>>
    %dma_wait3A_130 = arith.constant 0 : i32
    %dma_wait3A_131 = tpu.memref_slice %arg2[%dma_wait3A_127, %add3A, %dma_wait3A_130] : memref<3x32x8192xf32, #tpu.memory_space<hbm>> -> memref<1x1x4096xf32, #tpu.memory_space<hbm>>
    %dma_wait3A_132 = tpu.memref_squeeze %dma_wait3A_131 : memref<1x1x4096xf32, #tpu.memory_space<hbm>> -> memref<4096xf32, #tpu.memory_space<hbm>>
    %dma_wait3A_133 = arith.constant 0 : i32
    %dma_wait3A_134 = tpu.memref_slice %arg5[%dma_wait3A_133] : memref<8192xf32, #tpu.memory_space<vmem>> -> memref<4096xf32, #tpu.memory_space<vmem>>
    %dma_wait3A_135 = arith.constant 0 : i32
    %dma_wait3A_136 = tpu.memref_slice %arg2[%dma_wait3A_127, %add3A, %dma_wait3A_135] : memref<3x32x8192xf32, #tpu.memory_space<hbm>> -> memref<1x1x4096xf32, #tpu.memory_space<hbm>>
    %dma_wait3A_137 = tpu.memref_squeeze %dma_wait3A_136 : memref<1x1x4096xf32, #tpu.memory_space<hbm>> -> memref<4096xf32, #tpu.memory_space<hbm>>
    tpu.wait_dma2 semaphore(%arg15 : memref<!tpu.dma_semaphore, #tpu.memory_space<semaphore_mem>>) src(%dma_wait3A_137 : memref<4096xf32, #tpu.memory_space<hbm>>) dst(%dma_wait3A_134 : memref<4096xf32, #tpu.memory_space<vmem>>)
    %dma_wait3A_138 = arith.constant 1 : i32
    %dma_wait3A_139 = arith.constant 0 : i32
    %dma_wait3A_140 = tpu.memref_slice %arg6[%dma_wait3A_139] : memref<8192xf32, #tpu.memory_space<vmem>> -> memref<4096xf32, #tpu.memory_space<vmem>>
    %dma_wait3A_141 = arith.constant 0 : i32
    %dma_wait3A_142 = tpu.memref_slice %arg2[%dma_wait3A_138, %add3A, %dma_wait3A_141] : memref<3x32x8192xf32, #tpu.memory_space<hbm>> -> memref<1x1x4096xf32, #tpu.memory_space<hbm>>
    %dma_wait3A_143 = tpu.memref_squeeze %dma_wait3A_142 : memref<1x1x4096xf32, #tpu.memory_space<hbm>> -> memref<4096xf32, #tpu.memory_space<hbm>>
    %dma_wait3A_144 = arith.constant 0 : i32
    %dma_wait3A_145 = tpu.memref_slice %arg6[%dma_wait3A_144] : memref<8192xf32, #tpu.memory_space<vmem>> -> memref<4096xf32, #tpu.memory_space<vmem>>
    %dma_wait3A_146 = arith.constant 0 : i32
    %dma_wait3A_147 = tpu.memref_slice %arg2[%dma_wait3A_138, %add3A, %dma_wait3A_146] : memref<3x32x8192xf32, #tpu.memory_space<hbm>> -> memref<1x1x4096xf32, #tpu.memory_space<hbm>>
    %dma_wait3A_148 = tpu.memref_squeeze %dma_wait3A_147 : memref<1x1x4096xf32, #tpu.memory_space<hbm>> -> memref<4096xf32, #tpu.memory_space<hbm>>
    tpu.wait_dma2 semaphore(%arg15 : memref<!tpu.dma_semaphore, #tpu.memory_space<semaphore_mem>>) src(%dma_wait3A_148 : memref<4096xf32, #tpu.memory_space<hbm>>) dst(%dma_wait3A_145 : memref<4096xf32, #tpu.memory_space<vmem>>)
    %dma_wait3A_149 = arith.constant 2 : i32
    %dma_wait3A_150 = arith.constant 0 : i32
    %dma_wait3A_151 = tpu.memref_slice %arg7[%dma_wait3A_150] : memref<8192xf32, #tpu.memory_space<vmem>> -> memref<4096xf32, #tpu.memory_space<vmem>>
    %dma_wait3A_152 = arith.constant 0 : i32
    %dma_wait3A_153 = tpu.memref_slice %arg2[%dma_wait3A_149, %add3A, %dma_wait3A_152] : memref<3x32x8192xf32, #tpu.memory_space<hbm>> -> memref<1x1x4096xf32, #tpu.memory_space<hbm>>
    %dma_wait3A_154 = tpu.memref_squeeze %dma_wait3A_153 : memref<1x1x4096xf32, #tpu.memory_space<hbm>> -> memref<4096xf32, #tpu.memory_space<hbm>>
    %dma_wait3A_155 = arith.constant 0 : i32
    %dma_wait3A_156 = tpu.memref_slice %arg7[%dma_wait3A_155] : memref<8192xf32, #tpu.memory_space<vmem>> -> memref<4096xf32, #tpu.memory_space<vmem>>
    %dma_wait3A_157 = arith.constant 0 : i32
    %dma_wait3A_158 = tpu.memref_slice %arg2[%dma_wait3A_149, %add3A, %dma_wait3A_157] : memref<3x32x8192xf32, #tpu.memory_space<hbm>> -> memref<1x1x4096xf32, #tpu.memory_space<hbm>>
    %dma_wait3A_159 = tpu.memref_squeeze %dma_wait3A_158 : memref<1x1x4096xf32, #tpu.memory_space<hbm>> -> memref<4096xf32, #tpu.memory_space<hbm>>
    tpu.wait_dma2 semaphore(%arg15 : memref<!tpu.dma_semaphore, #tpu.memory_space<semaphore_mem>>) src(%dma_wait3A_159 : memref<4096xf32, #tpu.memory_space<hbm>>) dst(%dma_wait3A_156 : memref<4096xf32, #tpu.memory_space<vmem>>)
    %parallel_loop3A_160 = arith.constant 0 : i32
    %parallel_loop3A_161 = arith.constant 256 : i32
    %parallel_loop3A_162 = arith.constant 1 : i32
    scf.for %parallel_loop3A_304 = %parallel_loop3A_160 to %parallel_loop3A_161 step %parallel_loop3A_162  : i32 {
      %parallel_loop3A_305 = arith.constant 16 : i32
      %parallel_loop3A_306 = arith.muli %parallel_loop3A_304, %parallel_loop3A_305 : i32
      %parallel_loop3A_307 = arith.index_cast %parallel_loop3A_306 : i32 to index
      %parallel_loop3A_308 = tpu.vector_load %arg5[%parallel_loop3A_307] {strides = array<i32>} : memref<8192xf32, #tpu.memory_space<vmem>>, vector<16xf32>,
      %parallel_loop3A_309 = arith.constant 16 : i32
      %parallel_loop3A_310 = arith.muli %parallel_loop3A_304, %parallel_loop3A_309 : i32
      %parallel_loop3A_311 = arith.index_cast %parallel_loop3A_310 : i32 to index
      %parallel_loop3A_312 = tpu.vector_load %arg6[%parallel_loop3A_311] {strides = array<i32>} : memref<8192xf32, #tpu.memory_space<vmem>>, vector<16xf32>,
      %parallel_loop3A_313 = arith.constant 16 : i32
      %parallel_loop3A_314 = arith.muli %parallel_loop3A_304, %parallel_loop3A_313 : i32
      %parallel_loop3A_315 = arith.index_cast %parallel_loop3A_314 : i32 to index
      %parallel_loop3A_316 = tpu.vector_load %arg7[%parallel_loop3A_315] {strides = array<i32>} : memref<8192xf32, #tpu.memory_space<vmem>>, vector<16xf32>,
      %parallel_loop3A_317 = arith.subf %parallel_loop3A_308, %gather3A_124 : vector<16xf32>
      %parallel_loop3A_318 = arith.subf %parallel_loop3A_312, %gather3A_125 : vector<16xf32>
      %parallel_loop3A_319 = arith.subf %parallel_loop3A_316, %gather3A_126 : vector<16xf32>
      %parallel_loop3A_320 = arith.mulf %parallel_loop3A_317, %parallel_loop3A_317 : vector<16xf32>
      %parallel_loop3A_321 = arith.mulf %parallel_loop3A_318, %parallel_loop3A_318 : vector<16xf32>
      %parallel_loop3A_322 = arith.addf %parallel_loop3A_320, %parallel_loop3A_321 : vector<16xf32>
      %parallel_loop3A_323 = arith.mulf %parallel_loop3A_319, %parallel_loop3A_319 : vector<16xf32>
      %parallel_loop3A_324 = arith.addf %parallel_loop3A_322, %parallel_loop3A_323 : vector<16xf32>
      %parallel_loop3A_325 = vector.bitcast %parallel_loop3A_324 : vector<16xf32> to vector<16xi32>
      %parallel_loop3A_326 = arith.constant 16 : i32
      %parallel_loop3A_327 = arith.muli %parallel_loop3A_304, %parallel_loop3A_326 : i32
      %parallel_loop3A_328 = arith.index_cast %parallel_loop3A_327 : i32 to index
      %parallel_loop3A_329 = tpu.vector_load %arg9[%parallel_loop3A_328] {strides = array<i32>} : memref<8192xi32, #tpu.memory_space<vmem>>, vector<16xi32>,
      tpu.vector_store %arg9[%parallel_loop3A_328], %parallel_loop3A_325 {strides = array<i32>} : memref<8192xi32, #tpu.memory_space<vmem>>, vector<16xi32>,
      %parallel_loop3A_330 = arith.constant 24 : i32
      %parallel_loop3A_331 = vector.broadcast %parallel_loop3A_330 : i32 to vector<16xi32>
      %parallel_loop3A_332 = arith.shrui %parallel_loop3A_325, %parallel_loop3A_331 : vector<16xi32>
      %parallel_loop3A_333 = arith.addi %mul3A_71, %parallel_loop3A_332 : vector<16xi32>
      tpu.vector_store_idx %arg10[%parallel_loop3A_333], %broadcast_in_dim3A_68 {add = true} : memref<4112xi32, #tpu.memory_space<vmem>>[vector<16xi32>], vector<16xi32>,
    } {sc.loop_unroll_factor = 8 : i64, sc.parallel_access}
    %dma_wait3A_163 = arith.constant 0 : i32
    %dma_wait3A_164 = arith.constant 4096 : i32
    %dma_wait3A_165 = tpu.memref_slice %arg5[%dma_wait3A_164] : memref<8192xf32, #tpu.memory_space<vmem>> -> memref<4096xf32, #tpu.memory_space<vmem>>
    %dma_wait3A_166 = arith.constant 4096 : i32
    %dma_wait3A_167 = tpu.memref_slice %arg2[%dma_wait3A_163, %add3A, %dma_wait3A_166] : memref<3x32x8192xf32, #tpu.memory_space<hbm>> -> memref<1x1x4096xf32, #tpu.memory_space<hbm>>
    %dma_wait3A_168 = tpu.memref_squeeze %dma_wait3A_167 : memref<1x1x4096xf32, #tpu.memory_space<hbm>> -> memref<4096xf32, #tpu.memory_space<hbm>>
    %dma_wait3A_169 = arith.constant 4096 : i32
    %dma_wait3A_170 = tpu.memref_slice %arg5[%dma_wait3A_169] : memref<8192xf32, #tpu.memory_space<vmem>> -> memref<4096xf32, #tpu.memory_space<vmem>>
    %dma_wait3A_171 = arith.constant 4096 : i32
    %dma_wait3A_172 = tpu.memref_slice %arg2[%dma_wait3A_163, %add3A, %dma_wait3A_171] : memref<3x32x8192xf32, #tpu.memory_space<hbm>> -> memref<1x1x4096xf32, #tpu.memory_space<hbm>>
    %dma_wait3A_173 = tpu.memref_squeeze %dma_wait3A_172 : memref<1x1x4096xf32, #tpu.memory_space<hbm>> -> memref<4096xf32, #tpu.memory_space<hbm>>
    tpu.wait_dma2 semaphore(%arg16 : memref<!tpu.dma_semaphore, #tpu.memory_space<semaphore_mem>>) src(%dma_wait3A_173 : memref<4096xf32, #tpu.memory_space<hbm>>) dst(%dma_wait3A_170 : memref<4096xf32, #tpu.memory_space<vmem>>)
    %dma_wait3A_174 = arith.constant 1 : i32
    %dma_wait3A_175 = arith.constant 4096 : i32
    %dma_wait3A_176 = tpu.memref_slice %arg6[%dma_wait3A_175] : memref<8192xf32, #tpu.memory_space<vmem>> -> memref<4096xf32, #tpu.memory_space<vmem>>
    %dma_wait3A_177 = arith.constant 4096 : i32
    %dma_wait3A_178 = tpu.memref_slice %arg2[%dma_wait3A_174, %add3A, %dma_wait3A_177] : memref<3x32x8192xf32, #tpu.memory_space<hbm>> -> memref<1x1x4096xf32, #tpu.memory_space<hbm>>
    %dma_wait3A_179 = tpu.memref_squeeze %dma_wait3A_178 : memref<1x1x4096xf32, #tpu.memory_space<hbm>> -> memref<4096xf32, #tpu.memory_space<hbm>>
    %dma_wait3A_180 = arith.constant 4096 : i32
    %dma_wait3A_181 = tpu.memref_slice %arg6[%dma_wait3A_180] : memref<8192xf32, #tpu.memory_space<vmem>> -> memref<4096xf32, #tpu.memory_space<vmem>>
    %dma_wait3A_182 = arith.constant 4096 : i32
    %dma_wait3A_183 = tpu.memref_slice %arg2[%dma_wait3A_174, %add3A, %dma_wait3A_182] : memref<3x32x8192xf32, #tpu.memory_space<hbm>> -> memref<1x1x4096xf32, #tpu.memory_space<hbm>>
    %dma_wait3A_184 = tpu.memref_squeeze %dma_wait3A_183 : memref<1x1x4096xf32, #tpu.memory_space<hbm>> -> memref<4096xf32, #tpu.memory_space<hbm>>
    tpu.wait_dma2 semaphore(%arg16 : memref<!tpu.dma_semaphore, #tpu.memory_space<semaphore_mem>>) src(%dma_wait3A_184 : memref<4096xf32, #tpu.memory_space<hbm>>) dst(%dma_wait3A_181 : memref<4096xf32, #tpu.memory_space<vmem>>)
    %dma_wait3A_185 = arith.constant 2 : i32
    %dma_wait3A_186 = arith.constant 4096 : i32
    %dma_wait3A_187 = tpu.memref_slice %arg7[%dma_wait3A_186] : memref<8192xf32, #tpu.memory_space<vmem>> -> memref<4096xf32, #tpu.memory_space<vmem>>
    %dma_wait3A_188 = arith.constant 4096 : i32
    %dma_wait3A_189 = tpu.memref_slice %arg2[%dma_wait3A_185, %add3A, %dma_wait3A_188] : memref<3x32x8192xf32, #tpu.memory_space<hbm>> -> memref<1x1x4096xf32, #tpu.memory_space<hbm>>
    %dma_wait3A_190 = tpu.memref_squeeze %dma_wait3A_189 : memref<1x1x4096xf32, #tpu.memory_space<hbm>> -> memref<4096xf32, #tpu.memory_space<hbm>>
    %dma_wait3A_191 = arith.constant 4096 : i32
    %dma_wait3A_192 = tpu.memref_slice %arg7[%dma_wait3A_191] : memref<8192xf32, #tpu.memory_space<vmem>> -> memref<4096xf32, #tpu.memory_space<vmem>>
    %dma_wait3A_193 = arith.constant 4096 : i32
    %dma_wait3A_194 = tpu.memref_slice %arg2[%dma_wait3A_185, %add3A, %dma_wait3A_193] : memref<3x32x8192xf32, #tpu.memory_space<hbm>> -> memref<1x1x4096xf32, #tpu.memory_space<hbm>>
    %dma_wait3A_195 = tpu.memref_squeeze %dma_wait3A_194 : memref<1x1x4096xf32, #tpu.memory_space<hbm>> -> memref<4096xf32, #tpu.memory_space<hbm>>
    tpu.wait_dma2 semaphore(%arg16 : memref<!tpu.dma_semaphore, #tpu.memory_space<semaphore_mem>>) src(%dma_wait3A_195 : memref<4096xf32, #tpu.memory_space<hbm>>) dst(%dma_wait3A_192 : memref<4096xf32, #tpu.memory_space<vmem>>)
    %parallel_loop3A_196 = arith.constant 256 : i32
    %parallel_loop3A_197 = arith.constant 512 : i32
    %parallel_loop3A_198 = arith.constant 1 : i32
    scf.for %parallel_loop3A_304 = %parallel_loop3A_196 to %parallel_loop3A_197 step %parallel_loop3A_198  : i32 {
      %parallel_loop3A_305 = arith.constant 16 : i32
      %parallel_loop3A_306 = arith.muli %parallel_loop3A_304, %parallel_loop3A_305 : i32
      %parallel_loop3A_307 = arith.index_cast %parallel_loop3A_306 : i32 to index
      %parallel_loop3A_308 = tpu.vector_load %arg5[%parallel_loop3A_307] {strides = array<i32>} : memref<8192xf32, #tpu.memory_space<vmem>>, vector<16xf32>,
      %parallel_loop3A_309 = arith.constant 16 : i32
      %parallel_loop3A_310 = arith.muli %parallel_loop3A_304, %parallel_loop3A_309 : i32
      %parallel_loop3A_311 = arith.index_cast %parallel_loop3A_310 : i32 to index
      %parallel_loop3A_312 = tpu.vector_load %arg6[%parallel_loop3A_311] {strides = array<i32>} : memref<8192xf32, #tpu.memory_space<vmem>>, vector<16xf32>,
      %parallel_loop3A_313 = arith.constant 16 : i32
      %parallel_loop3A_314 = arith.muli %parallel_loop3A_304, %parallel_loop3A_313 : i32
      %parallel_loop3A_315 = arith.index_cast %parallel_loop3A_314 : i32 to index
      %parallel_loop3A_316 = tpu.vector_load %arg7[%parallel_loop3A_315] {strides = array<i32>} : memref<8192xf32, #tpu.memory_space<vmem>>, vector<16xf32>,
      %parallel_loop3A_317 = arith.subf %parallel_loop3A_308, %gather3A_124 : vector<16xf32>
      %parallel_loop3A_318 = arith.subf %parallel_loop3A_312, %gather3A_125 : vector<16xf32>
      %parallel_loop3A_319 = arith.subf %parallel_loop3A_316, %gather3A_126 : vector<16xf32>
      %parallel_loop3A_320 = arith.mulf %parallel_loop3A_317, %parallel_loop3A_317 : vector<16xf32>
      %parallel_loop3A_321 = arith.mulf %parallel_loop3A_318, %parallel_loop3A_318 : vector<16xf32>
      %parallel_loop3A_322 = arith.addf %parallel_loop3A_320, %parallel_loop3A_321 : vector<16xf32>
      %parallel_loop3A_323 = arith.mulf %parallel_loop3A_319, %parallel_loop3A_319 : vector<16xf32>
      %parallel_loop3A_324 = arith.addf %parallel_loop3A_322, %parallel_loop3A_323 : vector<16xf32>
      %parallel_loop3A_325 = vector.bitcast %parallel_loop3A_324 : vector<16xf32> to vector<16xi32>
      %parallel_loop3A_326 = arith.constant 16 : i32
      %parallel_loop3A_327 = arith.muli %parallel_loop3A_304, %parallel_loop3A_326 : i32
      %parallel_loop3A_328 = arith.index_cast %parallel_loop3A_327 : i32 to index
      %parallel_loop3A_329 = tpu.vector_load %arg9[%parallel_loop3A_328] {strides = array<i32>} : memref<8192xi32, #tpu.memory_space<vmem>>, vector<16xi32>,
      tpu.vector_store %arg9[%parallel_loop3A_328], %parallel_loop3A_325 {strides = array<i32>} : memref<8192xi32, #tpu.memory_space<vmem>>, vector<16xi32>,
      %parallel_loop3A_330 = arith.constant 24 : i32
      %parallel_loop3A_331 = vector.broadcast %parallel_loop3A_330 : i32 to vector<16xi32>
      %parallel_loop3A_332 = arith.shrui %parallel_loop3A_325, %parallel_loop3A_331 : vector<16xi32>
      %parallel_loop3A_333 = arith.addi %mul3A_71, %parallel_loop3A_332 : vector<16xi32>
      tpu.vector_store_idx %arg10[%parallel_loop3A_333], %broadcast_in_dim3A_68 {add = true} : memref<4112xi32, #tpu.memory_space<vmem>>[vector<16xi32>], vector<16xi32>,
    } {sc.loop_unroll_factor = 8 : i64, sc.parallel_access}
    %scan3A = arith.constant 4915 : i32
    %scan3A_199 = arith.constant 0 : i32
    %scan3A_200 = arith.constant 0 : i32
    %scan3A_201 = arith.constant 16 : i32
    %scan3A_202 = arith.addi %scan3A_200, %scan3A_201 : i32
    %scan3A_203 = arith.constant 1 : i32
    %scan3A_204:4 = scf.for %scan3A_304 = %scan3A_200 to %scan3A_202 step %scan3A_203 iter_args(%scan3A_305 = %scan3A_199, %scan3A_306 = %broadcast_in_dim3A_66, %scan3A_307 = %broadcast_in_dim3A_66, %scan3A_308 = %broadcast_in_dim3A_66) -> (i32, vector<16xi32>, vector<16xi32>, vector<16xi32>)  : i32 {
      %mul3A_309 = arith.constant 16 : i32
      %mul3A_310 = arith.muli %scan3A_304, %mul3A_309 : i32
      %add3A_311 = arith.constant 0 : i32
      %add3A_312 = arith.addi %add3A_311, %mul3A_310 : i32
      %get3A = arith.index_cast %add3A_312 : i32 to index
      %get3A_313 = tpu.vector_load %arg10[%get3A] {strides = array<i32>} : memref<4112xi32, #tpu.memory_space<vmem>>, vector<16xi32>,
      %add3A_314 = arith.addi %broadcast_in_dim3A_66, %get3A_313 : vector<16xi32>
      %mul3A_315 = arith.constant 16 : i32
      %mul3A_316 = arith.muli %scan3A_304, %mul3A_315 : i32
      %add3A_317 = arith.constant 0 : i32
      %add3A_318 = arith.addi %add3A_317, %mul3A_316 : i32
      %swap3A = arith.index_cast %add3A_318 : i32 to index
      %swap3A_319 = tpu.vector_load %arg10[%swap3A] {strides = array<i32>} : memref<4112xi32, #tpu.memory_space<vmem>>, vector<16xi32>,
      tpu.vector_store %arg10[%swap3A], %broadcast_in_dim3A_66 {strides = array<i32>} : memref<4112xi32, #tpu.memory_space<vmem>>, vector<16xi32>,
      %mul3A_320 = arith.constant 16 : i32
      %mul3A_321 = arith.muli %scan3A_304, %mul3A_320 : i32
      %add3A_322 = arith.constant 257 : i32
      %add3A_323 = arith.addi %add3A_322, %mul3A_321 : i32
      %get3A_324 = arith.index_cast %add3A_323 : i32 to index
      %get3A_325 = tpu.vector_load %arg10[%get3A_324] {strides = array<i32>} : memref<4112xi32, #tpu.memory_space<vmem>>, vector<16xi32>,
      %add3A_326 = arith.addi %add3A_314, %get3A_325 : vector<16xi32>
      %mul3A_327 = arith.constant 16 : i32
      %mul3A_328 = arith.muli %scan3A_304, %mul3A_327 : i32
      %add3A_329 = arith.constant 257 : i32
      %add3A_330 = arith.addi %add3A_329, %mul3A_328 : i32
      %swap3A_331 = arith.index_cast %add3A_330 : i32 to index
      %swap3A_332 = tpu.vector_load %arg10[%swap3A_331] {strides = array<i32>} : memref<4112xi32, #tpu.memory_space<vmem>>, vector<16xi32>,
      tpu.vector_store %arg10[%swap3A_331], %broadcast_in_dim3A_66 {strides = array<i32>} : memref<4112xi32, #tpu.memory_space<vmem>>, vector<16xi32>,
      %mul3A_333 = arith.constant 16 : i32
      %mul3A_334 = arith.muli %scan3A_304, %mul3A_333 : i32
      %add3A_335 = arith.constant 514 : i32
      %add3A_336 = arith.addi %add3A_335, %mul3A_334 : i32
      %get3A_337 = arith.index_cast %add3A_336 : i32 to index
      %get3A_338 = tpu.vector_load %arg10[%get3A_337] {strides = array<i32>} : memref<4112xi32, #tpu.memory_space<vmem>>, vector<16xi32>,
      %add3A_339 = arith.addi %add3A_326, %get3A_338 : vector<16xi32>
      %mul3A_340 = arith.constant 16 : i32
      %mul3A_341 = arith.muli %scan3A_304, %mul3A_340 : i32
      %add3A_342 = arith.constant 514 : i32
      %add3A_343 = arith.addi %add3A_342, %mul3A_341 : i32
      %swap3A_344 = arith.index_cast %add3A_343 : i32 to index
      %swap3A_345 = tpu.vector_load %arg10[%swap3A_344] {strides = array<i32>} : memref<4112xi32, #tpu.memory_space<vmem>>, vector<16xi32>,
      tpu.vector_store %arg10[%swap3A_344], %broadcast_in_dim3A_66 {strides = array<i32>} : memref<4112xi32, #tpu.memory_space<vmem>>, vector<16xi32>,
      %mul3A_346 = arith.constant 16 : i32
      %mul3A_347 = arith.muli %scan3A_304, %mul3A_346 : i32
      %add3A_348 = arith.constant 771 : i32
      %add3A_349 = arith.addi %add3A_348, %mul3A_347 : i32
      %get3A_350 = arith.index_cast %add3A_349 : i32 to index
      %get3A_351 = tpu.vector_load %arg10[%get3A_350] {strides = array<i32>} : memref<4112xi32, #tpu.memory_space<vmem>>, vector<16xi32>,
      %add3A_352 = arith.addi %add3A_339, %get3A_351 : vector<16xi32>
      %mul3A_353 = arith.constant 16 : i32
      %mul3A_354 = arith.muli %scan3A_304, %mul3A_353 : i32
      %add3A_355 = arith.constant 771 : i32
      %add3A_356 = arith.addi %add3A_355, %mul3A_354 : i32
      %swap3A_357 = arith.index_cast %add3A_356 : i32 to index
      %swap3A_358 = tpu.vector_load %arg10[%swap3A_357] {strides = array<i32>} : memref<4112xi32, #tpu.memory_space<vmem>>, vector<16xi32>,
      tpu.vector_store %arg10[%swap3A_357], %broadcast_in_dim3A_66 {strides = array<i32>} : memref<4112xi32, #tpu.memory_space<vmem>>, vector<16xi32>,
      %mul3A_359 = arith.constant 16 : i32
      %mul3A_360 = arith.muli %scan3A_304, %mul3A_359 : i32
      %add3A_361 = arith.constant 1028 : i32
      %add3A_362 = arith.addi %add3A_361, %mul3A_360 : i32
      %get3A_363 = arith.index_cast %add3A_362 : i32 to index
      %get3A_364 = tpu.vector_load %arg10[%get3A_363] {strides = array<i32>} : memref<4112xi32, #tpu.memory_space<vmem>>, vector<16xi32>,
      %add3A_365 = arith.addi %add3A_352, %get3A_364 : vector<16xi32>
      %mul3A_366 = arith.constant 16 : i32
      %mul3A_367 = arith.muli %scan3A_304, %mul3A_366 : i32
      %add3A_368 = arith.constant 1028 : i32
      %add3A_369 = arith.addi %add3A_368, %mul3A_367 : i32
      %swap3A_370 = arith.index_cast %add3A_369 : i32 to index
      %swap3A_371 = tpu.vector_load %arg10[%swap3A_370] {strides = array<i32>} : memref<4112xi32, #tpu.memory_space<vmem>>, vector<16xi32>,
      tpu.vector_store %arg10[%swap3A_370], %broadcast_in_dim3A_66 {strides = array<i32>} : memref<4112xi32, #tpu.memory_space<vmem>>, vector<16xi32>,
      %mul3A_372 = arith.constant 16 : i32
      %mul3A_373 = arith.muli %scan3A_304, %mul3A_372 : i32
      %add3A_374 = arith.constant 1285 : i32
      %add3A_375 = arith.addi %add3A_374, %mul3A_373 : i32
      %get3A_376 = arith.index_cast %add3A_375 : i32 to index
      %get3A_377 = tpu.vector_load %arg10[%get3A_376] {strides = array<i32>} : memref<4112xi32, #tpu.memory_space<vmem>>, vector<16xi32>,
      %add3A_378 = arith.addi %add3A_365, %get3A_377 : vector<16xi32>
      %mul3A_379 = arith.constant 16 : i32
      %mul3A_380 = arith.muli %scan3A_304, %mul3A_379 : i32
      %add3A_381 = arith.constant 1285 : i32
      %add3A_382 = arith.addi %add3A_381, %mul3A_380 : i32
      %swap3A_383 = arith.index_cast %add3A_382 : i32 to index
      %swap3A_384 = tpu.vector_load %arg10[%swap3A_383] {strides = array<i32>} : memref<4112xi32, #tpu.memory_space<vmem>>, vector<16xi32>,
      tpu.vector_store %arg10[%swap3A_383], %broadcast_in_dim3A_66 {strides = array<i32>} : memref<4112xi32, #tpu.memory_space<vmem>>, vector<16xi32>,
      %mul3A_385 = arith.constant 16 : i32
      %mul3A_386 = arith.muli %scan3A_304, %mul3A_385 : i32
      %add3A_387 = arith.constant 1542 : i32
      %add3A_388 = arith.addi %add3A_387, %mul3A_386 : i32
      %get3A_389 = arith.index_cast %add3A_388 : i32 to index
      %get3A_390 = tpu.vector_load %arg10[%get3A_389] {strides = array<i32>} : memref<4112xi32, #tpu.memory_space<vmem>>, vector<16xi32>,
      %add3A_391 = arith.addi %add3A_378, %get3A_390 : vector<16xi32>
      %mul3A_392 = arith.constant 16 : i32
      %mul3A_393 = arith.muli %scan3A_304, %mul3A_392 : i32
      %add3A_394 = arith.constant 1542 : i32
      %add3A_395 = arith.addi %add3A_394, %mul3A_393 : i32
      %swap3A_396 = arith.index_cast %add3A_395 : i32 to index
      %swap3A_397 = tpu.vector_load %arg10[%swap3A_396] {strides = array<i32>} : memref<4112xi32, #tpu.memory_space<vmem>>, vector<16xi32>,
      tpu.vector_store %arg10[%swap3A_396], %broadcast_in_dim3A_66 {strides = array<i32>} : memref<4112xi32, #tpu.memory_space<vmem>>, vector<16xi32>,
      %mul3A_398 = arith.constant 16 : i32
      %mul3A_399 = arith.muli %scan3A_304, %mul3A_398 : i32
      %add3A_400 = arith.constant 1799 : i32
      %add3A_401 = arith.addi %add3A_400, %mul3A_399 : i32
      %get3A_402 = arith.index_cast %add3A_401 : i32 to index
      %get3A_403 = tpu.vector_load %arg10[%get3A_402] {strides = array<i32>} : memref<4112xi32, #tpu.memory_space<vmem>>, vector<16xi32>,
      %add3A_404 = arith.addi %add3A_391, %get3A_403 : vector<16xi32>
      %mul3A_405 = arith.constant 16 : i32
      %mul3A_406 = arith.muli %scan3A_304, %mul3A_405 : i32
      %add3A_407 = arith.constant 1799 : i32
      %add3A_408 = arith.addi %add3A_407, %mul3A_406 : i32
      %swap3A_409 = arith.index_cast %add3A_408 : i32 to index
      %swap3A_410 = tpu.vector_load %arg10[%swap3A_409] {strides = array<i32>} : memref<4112xi32, #tpu.memory_space<vmem>>, vector<16xi32>,
      tpu.vector_store %arg10[%swap3A_409], %broadcast_in_dim3A_66 {strides = array<i32>} : memref<4112xi32, #tpu.memory_space<vmem>>, vector<16xi32>,
      %mul3A_411 = arith.constant 16 : i32
      %mul3A_412 = arith.muli %scan3A_304, %mul3A_411 : i32
      %add3A_413 = arith.constant 2056 : i32
      %add3A_414 = arith.addi %add3A_413, %mul3A_412 : i32
      %get3A_415 = arith.index_cast %add3A_414 : i32 to index
      %get3A_416 = tpu.vector_load %arg10[%get3A_415] {strides = array<i32>} : memref<4112xi32, #tpu.memory_space<vmem>>, vector<16xi32>,
      %add3A_417 = arith.addi %add3A_404, %get3A_416 : vector<16xi32>
      %mul3A_418 = arith.constant 16 : i32
      %mul3A_419 = arith.muli %scan3A_304, %mul3A_418 : i32
      %add3A_420 = arith.constant 2056 : i32
      %add3A_421 = arith.addi %add3A_420, %mul3A_419 : i32
      %swap3A_422 = arith.index_cast %add3A_421 : i32 to index
      %swap3A_423 = tpu.vector_load %arg10[%swap3A_422] {strides = array<i32>} : memref<4112xi32, #tpu.memory_space<vmem>>, vector<16xi32>,
      tpu.vector_store %arg10[%swap3A_422], %broadcast_in_dim3A_66 {strides = array<i32>} : memref<4112xi32, #tpu.memory_space<vmem>>, vector<16xi32>,
      %mul3A_424 = arith.constant 16 : i32
      %mul3A_425 = arith.muli %scan3A_304, %mul3A_424 : i32
      %add3A_426 = arith.constant 2313 : i32
      %add3A_427 = arith.addi %add3A_426, %mul3A_425 : i32
      %get3A_428 = arith.index_cast %add3A_427 : i32 to index
      %get3A_429 = tpu.vector_load %arg10[%get3A_428] {strides = array<i32>} : memref<4112xi32, #tpu.memory_space<vmem>>, vector<16xi32>,
      %add3A_430 = arith.addi %add3A_417, %get3A_429 : vector<16xi32>
      %mul3A_431 = arith.constant 16 : i32
      %mul3A_432 = arith.muli %scan3A_304, %mul3A_431 : i32
      %add3A_433 = arith.constant 2313 : i32
      %add3A_434 = arith.addi %add3A_433, %mul3A_432 : i32
      %swap3A_435 = arith.index_cast %add3A_434 : i32 to index
      %swap3A_436 = tpu.vector_load %arg10[%swap3A_435] {strides = array<i32>} : memref<4112xi32, #tpu.memory_space<vmem>>, vector<16xi32>,
      tpu.vector_store %arg10[%swap3A_435], %broadcast_in_dim3A_66 {strides = array<i32>} : memref<4112xi32, #tpu.memory_space<vmem>>, vector<16xi32>,
      %mul3A_437 = arith.constant 16 : i32
      %mul3A_438 = arith.muli %scan3A_304, %mul3A_437 : i32
      %add3A_439 = arith.constant 2570 : i32
      %add3A_440 = arith.addi %add3A_439, %mul3A_438 : i32
      %get3A_441 = arith.index_cast %add3A_440 : i32 to index
      %get3A_442 = tpu.vector_load %arg10[%get3A_441] {strides = array<i32>} : memref<4112xi32, #tpu.memory_space<vmem>>, vector<16xi32>,
      %add3A_443 = arith.addi %add3A_430, %get3A_442 : vector<16xi32>
      %mul3A_444 = arith.constant 16 : i32
      %mul3A_445 = arith.muli %scan3A_304, %mul3A_444 : i32
      %add3A_446 = arith.constant 2570 : i32
      %add3A_447 = arith.addi %add3A_446, %mul3A_445 : i32
      %swap3A_448 = arith.index_cast %add3A_447 : i32 to index
      %swap3A_449 = tpu.vector_load %arg10[%swap3A_448] {strides = array<i32>} : memref<4112xi32, #tpu.memory_space<vmem>>, vector<16xi32>,
      tpu.vector_store %arg10[%swap3A_448], %broadcast_in_dim3A_66 {strides = array<i32>} : memref<4112xi32, #tpu.memory_space<vmem>>, vector<16xi32>,
      %mul3A_450 = arith.constant 16 : i32
      %mul3A_451 = arith.muli %scan3A_304, %mul3A_450 : i32
      %add3A_452 = arith.constant 2827 : i32
      %add3A_453 = arith.addi %add3A_452, %mul3A_451 : i32
      %get3A_454 = arith.index_cast %add3A_453 : i32 to index
      %get3A_455 = tpu.vector_load %arg10[%get3A_454] {strides = array<i32>} : memref<4112xi32, #tpu.memory_space<vmem>>, vector<16xi32>,
      %add3A_456 = arith.addi %add3A_443, %get3A_455 : vector<16xi32>
      %mul3A_457 = arith.constant 16 : i32
      %mul3A_458 = arith.muli %scan3A_304, %mul3A_457 : i32
      %add3A_459 = arith.constant 2827 : i32
      %add3A_460 = arith.addi %add3A_459, %mul3A_458 : i32
      %swap3A_461 = arith.index_cast %add3A_460 : i32 to index
      %swap3A_462 = tpu.vector_load %arg10[%swap3A_461] {strides = array<i32>} : memref<4112xi32, #tpu.memory_space<vmem>>, vector<16xi32>,
      tpu.vector_store %arg10[%swap3A_461], %broadcast_in_dim3A_66 {strides = array<i32>} : memref<4112xi32, #tpu.memory_space<vmem>>, vector<16xi32>,
      %mul3A_463 = arith.constant 16 : i32
      %mul3A_464 = arith.muli %scan3A_304, %mul3A_463 : i32
      %add3A_465 = arith.constant 3084 : i32
      %add3A_466 = arith.addi %add3A_465, %mul3A_464 : i32
      %get3A_467 = arith.index_cast %add3A_466 : i32 to index
      %get3A_468 = tpu.vector_load %arg10[%get3A_467] {strides = array<i32>} : memref<4112xi32, #tpu.memory_space<vmem>>, vector<16xi32>,
      %add3A_469 = arith.addi %add3A_456, %get3A_468 : vector<16xi32>
      %mul3A_470 = arith.constant 16 : i32
      %mul3A_471 = arith.muli %scan3A_304, %mul3A_470 : i32
      %add3A_472 = arith.constant 3084 : i32
      %add3A_473 = arith.addi %add3A_472, %mul3A_471 : i32
      %swap3A_474 = arith.index_cast %add3A_473 : i32 to index
      %swap3A_475 = tpu.vector_load %arg10[%swap3A_474] {strides = array<i32>} : memref<4112xi32, #tpu.memory_space<vmem>>, vector<16xi32>,
      tpu.vector_store %arg10[%swap3A_474], %broadcast_in_dim3A_66 {strides = array<i32>} : memref<4112xi32, #tpu.memory_space<vmem>>, vector<16xi32>,
      %mul3A_476 = arith.constant 16 : i32
      %mul3A_477 = arith.muli %scan3A_304, %mul3A_476 : i32
      %add3A_478 = arith.constant 3341 : i32
      %add3A_479 = arith.addi %add3A_478, %mul3A_477 : i32
      %get3A_480 = arith.index_cast %add3A_479 : i32 to index
      %get3A_481 = tpu.vector_load %arg10[%get3A_480] {strides = array<i32>} : memref<4112xi32, #tpu.memory_space<vmem>>, vector<16xi32>,
      %add3A_482 = arith.addi %add3A_469, %get3A_481 : vector<16xi32>
      %mul3A_483 = arith.constant 16 : i32
      %mul3A_484 = arith.muli %scan3A_304, %mul3A_483 : i32
      %add3A_485 = arith.constant 3341 : i32
      %add3A_486 = arith.addi %add3A_485, %mul3A_484 : i32
      %swap3A_487 = arith.index_cast %add3A_486 : i32 to index
      %swap3A_488 = tpu.vector_load %arg10[%swap3A_487] {strides = array<i32>} : memref<4112xi32, #tpu.memory_space<vmem>>, vector<16xi32>,
      tpu.vector_store %arg10[%swap3A_487], %broadcast_in_dim3A_66 {strides = array<i32>} : memref<4112xi32, #tpu.memory_space<vmem>>, vector<16xi32>,
      %mul3A_489 = arith.constant 16 : i32
      %mul3A_490 = arith.muli %scan3A_304, %mul3A_489 : i32
      %add3A_491 = arith.constant 3598 : i32
      %add3A_492 = arith.addi %add3A_491, %mul3A_490 : i32
      %get3A_493 = arith.index_cast %add3A_492 : i32 to index
      %get3A_494 = tpu.vector_load %arg10[%get3A_493] {strides = array<i32>} : memref<4112xi32, #tpu.memory_space<vmem>>, vector<16xi32>,
      %add3A_495 = arith.addi %add3A_482, %get3A_494 : vector<16xi32>
      %mul3A_496 = arith.constant 16 : i32
      %mul3A_497 = arith.muli %scan3A_304, %mul3A_496 : i32
      %add3A_498 = arith.constant 3598 : i32
      %add3A_499 = arith.addi %add3A_498, %mul3A_497 : i32
      %swap3A_500 = arith.index_cast %add3A_499 : i32 to index
      %swap3A_501 = tpu.vector_load %arg10[%swap3A_500] {strides = array<i32>} : memref<4112xi32, #tpu.memory_space<vmem>>, vector<16xi32>,
      tpu.vector_store %arg10[%swap3A_500], %broadcast_in_dim3A_66 {strides = array<i32>} : memref<4112xi32, #tpu.memory_space<vmem>>, vector<16xi32>,
      %mul3A_502 = arith.constant 16 : i32
      %mul3A_503 = arith.muli %scan3A_304, %mul3A_502 : i32
      %add3A_504 = arith.constant 3855 : i32
      %add3A_505 = arith.addi %add3A_504, %mul3A_503 : i32
      %get3A_506 = arith.index_cast %add3A_505 : i32 to index
      %get3A_507 = tpu.vector_load %arg10[%get3A_506] {strides = array<i32>} : memref<4112xi32, #tpu.memory_space<vmem>>, vector<16xi32>,
      %add3A_508 = arith.addi %add3A_495, %get3A_507 : vector<16xi32>
      %mul3A_509 = arith.constant 16 : i32
      %mul3A_510 = arith.muli %scan3A_304, %mul3A_509 : i32
      %add3A_511 = arith.constant 3855 : i32
      %add3A_512 = arith.addi %add3A_511, %mul3A_510 : i32
      %swap3A_513 = arith.index_cast %add3A_512 : i32 to index
      %swap3A_514 = tpu.vector_load %arg10[%swap3A_513] {strides = array<i32>} : memref<4112xi32, #tpu.memory_space<vmem>>, vector<16xi32>,
      tpu.vector_store %arg10[%swap3A_513], %broadcast_in_dim3A_66 {strides = array<i32>} : memref<4112xi32, #tpu.memory_space<vmem>>, vector<16xi32>,
      %broadcast_in_dim3A_515 = arith.constant true
      %broadcast_in_dim3A_516 = vector.broadcast %broadcast_in_dim3A_515 : i1 to vector<16xi1>
      %masked_cumsum3A = tpu.scan <sum>, %add3A_508 masked %broadcast_in_dim3A_516 : vector<16xi32>, vector<16xi1> -> vector<16xi32>
      %add3A_517 = vector.broadcast %scan3A_305 : i32 to vector<16xi32>
      %add3A_518 = arith.addi %masked_cumsum3A, %add3A_517 : vector<16xi32>
      %sub3A_519 = arith.subi %add3A_518, %add3A_508 : vector<16xi32>
      %lt3A = vector.broadcast %scan3A : i32 to vector<16xi32>
      %lt3A_520 = arith.cmpi slt, %sub3A_519, %lt3A : vector<16xi32>
      %ge3A = vector.broadcast %scan3A : i32 to vector<16xi32>
      %ge3A_521 = arith.cmpi sge, %add3A_518, %ge3A : vector<16xi32>
      %and3A_522 = arith.andi %lt3A_520, %ge3A_521 : vector<16xi1>
      %mul3A_523 = arith.constant 16 : i32
      %mul3A_524 = arith.muli %scan3A_304, %mul3A_523 : i32
      %add3A_525 = vector.broadcast %mul3A_524 : i32 to vector<16xi32>
      %add3A_526 = arith.addi %add3A_525, %iota3A : vector<16xi32>
      %jit3A_527 = arith.constant 0 : i32
      %broadcast_in_dim3A_528 = vector.broadcast %jit3A_527 : i32 to vector<16xi32>
      %select_n3A_529 = arith.select %and3A_522, %add3A_526, %broadcast_in_dim3A_528 : vector<16xi1>, vector<16xi32>
      %add3A_530 = arith.addi %scan3A_306, %select_n3A_529 : vector<16xi32>
      %jit3A_531 = arith.constant 0 : i32
      %broadcast_in_dim3A_532 = vector.broadcast %jit3A_531 : i32 to vector<16xi32>
      %select_n3A_533 = arith.select %and3A_522, %sub3A_519, %broadcast_in_dim3A_532 : vector<16xi1>, vector<16xi32>
      %add3A_534 = arith.addi %scan3A_307, %select_n3A_533 : vector<16xi32>
      %jit3A_535 = arith.constant 0 : i32
      %broadcast_in_dim3A_536 = vector.broadcast %jit3A_535 : i32 to vector<16xi32>
      %select_n3A_537 = arith.select %and3A_522, %add3A_508, %broadcast_in_dim3A_536 : vector<16xi1>, vector<16xi32>
      %add3A_538 = arith.addi %scan3A_308, %select_n3A_537 : vector<16xi32>
      %reduce_sum3A_539 = arith.constant true
      %reduce_sum3A_540 = vector.broadcast %reduce_sum3A_539 : i1 to vector<16xi1>
      %reduce_sum3A_541 = tpu.scan <sum>, %add3A_508 masked %reduce_sum3A_540 : vector<16xi32>, vector<16xi1> -> vector<16xi32>
      %reduce_sum3A_542 = vector.extract %reduce_sum3A_541[15] : i32 from vector<16xi32>
      %add3A_543 = arith.addi %scan3A_305, %reduce_sum3A_542 : i32
      scf.yield %add3A_543, %add3A_530, %add3A_534, %add3A_538 : i32, vector<16xi32>, vector<16xi32>, vector<16xi32>
    }
    %scan3A_205 = arith.constant 16 : i32
    %reduce_sum3A = arith.constant true
    %reduce_sum3A_206 = vector.broadcast %reduce_sum3A : i1 to vector<16xi1>
    %reduce_sum3A_207 = tpu.scan <sum>, %scan3A_204#1 masked %reduce_sum3A_206 : vector<16xi32>, vector<16xi1> -> vector<16xi32>
    %reduce_sum3A_208 = vector.extract %reduce_sum3A_207[15] : i32 from vector<16xi32>
    %reduce_sum3A_209 = arith.constant true
    %reduce_sum3A_210 = vector.broadcast %reduce_sum3A_209 : i1 to vector<16xi1>
    %reduce_sum3A_211 = tpu.scan <sum>, %scan3A_204#2 masked %reduce_sum3A_210 : vector<16xi32>, vector<16xi1> -> vector<16xi32>
    %reduce_sum3A_212 = vector.extract %reduce_sum3A_211[15] : i32 from vector<16xi32>
    %reduce_sum3A_213 = arith.constant true
    %reduce_sum3A_214 = vector.broadcast %reduce_sum3A_213 : i1 to vector<16xi1>
    %reduce_sum3A_215 = tpu.scan <sum>, %scan3A_204#3 masked %reduce_sum3A_214 : vector<16xi32>, vector<16xi1> -> vector<16xi32>
    %reduce_sum3A_216 = vector.extract %reduce_sum3A_215[15] : i32 from vector<16xi32>
    %parallel_loop3A_217 = arith.constant 0 : i32
    %parallel_loop3A_218 = arith.constant 512 : i32
    %parallel_loop3A_219 = arith.constant 1 : i32
    scf.for %parallel_loop3A_304 = %parallel_loop3A_217 to %parallel_loop3A_218 step %parallel_loop3A_219  : i32 {
      %parallel_loop3A_305 = arith.constant 16 : i32
      %parallel_loop3A_306 = arith.muli %parallel_loop3A_304, %parallel_loop3A_305 : i32
      %parallel_loop3A_307 = arith.index_cast %parallel_loop3A_306 : i32 to index
      %parallel_loop3A_308 = tpu.vector_load %arg9[%parallel_loop3A_307] {strides = array<i32>} : memref<8192xi32, #tpu.memory_space<vmem>>, vector<16xi32>,
      %parallel_loop3A_309 = arith.constant 24 : i32
      %parallel_loop3A_310 = vector.broadcast %parallel_loop3A_309 : i32 to vector<16xi32>
      %parallel_loop3A_311 = arith.shrui %parallel_loop3A_308, %parallel_loop3A_310 : vector<16xi32>
      %parallel_loop3A_312 = vector.broadcast %reduce_sum3A_208 : i32 to vector<16xi32>
      %parallel_loop3A_313 = arith.cmpi eq, %parallel_loop3A_311, %parallel_loop3A_312 : vector<16xi32>
      %parallel_loop3A_314 = arith.constant 16 : i32
      %parallel_loop3A_315 = vector.broadcast %parallel_loop3A_314 : i32 to vector<16xi32>
      %parallel_loop3A_316 = arith.shrui %parallel_loop3A_308, %parallel_loop3A_315 : vector<16xi32>
      %parallel_loop3A_317 = arith.constant 255 : i32
      %parallel_loop3A_318 = vector.broadcast %parallel_loop3A_317 : i32 to vector<16xi32>
      %parallel_loop3A_319 = arith.andi %parallel_loop3A_316, %parallel_loop3A_318 : vector<16xi32>
      %parallel_loop3A_320 = arith.addi %mul3A_71, %parallel_loop3A_319 : vector<16xi32>
      tpu.vector_store_idx %arg10[%parallel_loop3A_320], %broadcast_in_dim3A_68 masked %parallel_loop3A_313 {add = true} : memref<4112xi32, #tpu.memory_space<vmem>>[vector<16xi32>], vector<16xi32>, vector<16xi1>
    } {sc.loop_unroll_factor = 8 : i64, sc.parallel_access}
    %sub3A_220 = arith.constant 4915 : i32
    %sub3A_221 = arith.subi %sub3A_220, %reduce_sum3A_212 : i32
    %scan3A_222 = arith.constant 0 : i32
    %scan3A_223 = arith.constant 0 : i32
    %scan3A_224 = arith.constant 16 : i32
    %scan3A_225 = arith.addi %scan3A_223, %scan3A_224 : i32
    %scan3A_226 = arith.constant 1 : i32
    %scan3A_227:4 = scf.for %scan3A_304 = %scan3A_223 to %scan3A_225 step %scan3A_226 iter_args(%scan3A_305 = %scan3A_222, %scan3A_306 = %broadcast_in_dim3A_66, %scan3A_307 = %broadcast_in_dim3A_66, %scan3A_308 = %broadcast_in_dim3A_66) -> (i32, vector<16xi32>, vector<16xi32>, vector<16xi32>)  : i32 {
      %mul3A_309 = arith.constant 16 : i32
      %mul3A_310 = arith.muli %scan3A_304, %mul3A_309 : i32
      %add3A_311 = arith.constant 0 : i32
      %add3A_312 = arith.addi %add3A_311, %mul3A_310 : i32
      %get3A = arith.index_cast %add3A_312 : i32 to index
      %get3A_313 = tpu.vector_load %arg10[%get3A] {strides = array<i32>} : memref<4112xi32, #tpu.memory_space<vmem>>, vector<16xi32>,
      %add3A_314 = arith.addi %broadcast_in_dim3A_66, %get3A_313 : vector<16xi32>
      %mul3A_315 = arith.constant 16 : i32
      %mul3A_316 = arith.muli %scan3A_304, %mul3A_315 : i32
      %add3A_317 = arith.constant 0 : i32
      %add3A_318 = arith.addi %add3A_317, %mul3A_316 : i32
      %swap3A = arith.index_cast %add3A_318 : i32 to index
      %swap3A_319 = tpu.vector_load %arg10[%swap3A] {strides = array<i32>} : memref<4112xi32, #tpu.memory_space<vmem>>, vector<16xi32>,
      tpu.vector_store %arg10[%swap3A], %broadcast_in_dim3A_66 {strides = array<i32>} : memref<4112xi32, #tpu.memory_space<vmem>>, vector<16xi32>,
      %mul3A_320 = arith.constant 16 : i32
      %mul3A_321 = arith.muli %scan3A_304, %mul3A_320 : i32
      %add3A_322 = arith.constant 257 : i32
      %add3A_323 = arith.addi %add3A_322, %mul3A_321 : i32
      %get3A_324 = arith.index_cast %add3A_323 : i32 to index
      %get3A_325 = tpu.vector_load %arg10[%get3A_324] {strides = array<i32>} : memref<4112xi32, #tpu.memory_space<vmem>>, vector<16xi32>,
      %add3A_326 = arith.addi %add3A_314, %get3A_325 : vector<16xi32>
      %mul3A_327 = arith.constant 16 : i32
      %mul3A_328 = arith.muli %scan3A_304, %mul3A_327 : i32
      %add3A_329 = arith.constant 257 : i32
      %add3A_330 = arith.addi %add3A_329, %mul3A_328 : i32
      %swap3A_331 = arith.index_cast %add3A_330 : i32 to index
      %swap3A_332 = tpu.vector_load %arg10[%swap3A_331] {strides = array<i32>} : memref<4112xi32, #tpu.memory_space<vmem>>, vector<16xi32>,
      tpu.vector_store %arg10[%swap3A_331], %broadcast_in_dim3A_66 {strides = array<i32>} : memref<4112xi32, #tpu.memory_space<vmem>>, vector<16xi32>,
      %mul3A_333 = arith.constant 16 : i32
      %mul3A_334 = arith.muli %scan3A_304, %mul3A_333 : i32
      %add3A_335 = arith.constant 514 : i32
      %add3A_336 = arith.addi %add3A_335, %mul3A_334 : i32
      %get3A_337 = arith.index_cast %add3A_336 : i32 to index
      %get3A_338 = tpu.vector_load %arg10[%get3A_337] {strides = array<i32>} : memref<4112xi32, #tpu.memory_space<vmem>>, vector<16xi32>,
      %add3A_339 = arith.addi %add3A_326, %get3A_338 : vector<16xi32>
      %mul3A_340 = arith.constant 16 : i32
      %mul3A_341 = arith.muli %scan3A_304, %mul3A_340 : i32
      %add3A_342 = arith.constant 514 : i32
      %add3A_343 = arith.addi %add3A_342, %mul3A_341 : i32
      %swap3A_344 = arith.index_cast %add3A_343 : i32 to index
      %swap3A_345 = tpu.vector_load %arg10[%swap3A_344] {strides = array<i32>} : memref<4112xi32, #tpu.memory_space<vmem>>, vector<16xi32>,
      tpu.vector_store %arg10[%swap3A_344], %broadcast_in_dim3A_66 {strides = array<i32>} : memref<4112xi32, #tpu.memory_space<vmem>>, vector<16xi32>,
      %mul3A_346 = arith.constant 16 : i32
      %mul3A_347 = arith.muli %scan3A_304, %mul3A_346 : i32
      %add3A_348 = arith.constant 771 : i32
      %add3A_349 = arith.addi %add3A_348, %mul3A_347 : i32
      %get3A_350 = arith.index_cast %add3A_349 : i32 to index
      %get3A_351 = tpu.vector_load %arg10[%get3A_350] {strides = array<i32>} : memref<4112xi32, #tpu.memory_space<vmem>>, vector<16xi32>,
      %add3A_352 = arith.addi %add3A_339, %get3A_351 : vector<16xi32>
      %mul3A_353 = arith.constant 16 : i32
      %mul3A_354 = arith.muli %scan3A_304, %mul3A_353 : i32
      %add3A_355 = arith.constant 771 : i32
      %add3A_356 = arith.addi %add3A_355, %mul3A_354 : i32
      %swap3A_357 = arith.index_cast %add3A_356 : i32 to index
      %swap3A_358 = tpu.vector_load %arg10[%swap3A_357] {strides = array<i32>} : memref<4112xi32, #tpu.memory_space<vmem>>, vector<16xi32>,
      tpu.vector_store %arg10[%swap3A_357], %broadcast_in_dim3A_66 {strides = array<i32>} : memref<4112xi32, #tpu.memory_space<vmem>>, vector<16xi32>,
      %mul3A_359 = arith.constant 16 : i32
      %mul3A_360 = arith.muli %scan3A_304, %mul3A_359 : i32
      %add3A_361 = arith.constant 1028 : i32
      %add3A_362 = arith.addi %add3A_361, %mul3A_360 : i32
      %get3A_363 = arith.index_cast %add3A_362 : i32 to index
      %get3A_364 = tpu.vector_load %arg10[%get3A_363] {strides = array<i32>} : memref<4112xi32, #tpu.memory_space<vmem>>, vector<16xi32>,
      %add3A_365 = arith.addi %add3A_352, %get3A_364 : vector<16xi32>
      %mul3A_366 = arith.constant 16 : i32
      %mul3A_367 = arith.muli %scan3A_304, %mul3A_366 : i32
      %add3A_368 = arith.constant 1028 : i32
      %add3A_369 = arith.addi %add3A_368, %mul3A_367 : i32
      %swap3A_370 = arith.index_cast %add3A_369 : i32 to index
      %swap3A_371 = tpu.vector_load %arg10[%swap3A_370] {strides = array<i32>} : memref<4112xi32, #tpu.memory_space<vmem>>, vector<16xi32>,
      tpu.vector_store %arg10[%swap3A_370], %broadcast_in_dim3A_66 {strides = array<i32>} : memref<4112xi32, #tpu.memory_space<vmem>>, vector<16xi32>,
      %mul3A_372 = arith.constant 16 : i32
      %mul3A_373 = arith.muli %scan3A_304, %mul3A_372 : i32
      %add3A_374 = arith.constant 1285 : i32
      %add3A_375 = arith.addi %add3A_374, %mul3A_373 : i32
      %get3A_376 = arith.index_cast %add3A_375 : i32 to index
      %get3A_377 = tpu.vector_load %arg10[%get3A_376] {strides = array<i32>} : memref<4112xi32, #tpu.memory_space<vmem>>, vector<16xi32>,
      %add3A_378 = arith.addi %add3A_365, %get3A_377 : vector<16xi32>
      %mul3A_379 = arith.constant 16 : i32
      %mul3A_380 = arith.muli %scan3A_304, %mul3A_379 : i32
      %add3A_381 = arith.constant 1285 : i32
      %add3A_382 = arith.addi %add3A_381, %mul3A_380 : i32
      %swap3A_383 = arith.index_cast %add3A_382 : i32 to index
      %swap3A_384 = tpu.vector_load %arg10[%swap3A_383] {strides = array<i32>} : memref<4112xi32, #tpu.memory_space<vmem>>, vector<16xi32>,
      tpu.vector_store %arg10[%swap3A_383], %broadcast_in_dim3A_66 {strides = array<i32>} : memref<4112xi32, #tpu.memory_space<vmem>>, vector<16xi32>,
      %mul3A_385 = arith.constant 16 : i32
      %mul3A_386 = arith.muli %scan3A_304, %mul3A_385 : i32
      %add3A_387 = arith.constant 1542 : i32
      %add3A_388 = arith.addi %add3A_387, %mul3A_386 : i32
      %get3A_389 = arith.index_cast %add3A_388 : i32 to index
      %get3A_390 = tpu.vector_load %arg10[%get3A_389] {strides = array<i32>} : memref<4112xi32, #tpu.memory_space<vmem>>, vector<16xi32>,
      %add3A_391 = arith.addi %add3A_378, %get3A_390 : vector<16xi32>
      %mul3A_392 = arith.constant 16 : i32
      %mul3A_393 = arith.muli %scan3A_304, %mul3A_392 : i32
      %add3A_394 = arith.constant 1542 : i32
      %add3A_395 = arith.addi %add3A_394, %mul3A_393 : i32
      %swap3A_396 = arith.index_cast %add3A_395 : i32 to index
      %swap3A_397 = tpu.vector_load %arg10[%swap3A_396] {strides = array<i32>} : memref<4112xi32, #tpu.memory_space<vmem>>, vector<16xi32>,
      tpu.vector_store %arg10[%swap3A_396], %broadcast_in_dim3A_66 {strides = array<i32>} : memref<4112xi32, #tpu.memory_space<vmem>>, vector<16xi32>,
      %mul3A_398 = arith.constant 16 : i32
      %mul3A_399 = arith.muli %scan3A_304, %mul3A_398 : i32
      %add3A_400 = arith.constant 1799 : i32
      %add3A_401 = arith.addi %add3A_400, %mul3A_399 : i32
      %get3A_402 = arith.index_cast %add3A_401 : i32 to index
      %get3A_403 = tpu.vector_load %arg10[%get3A_402] {strides = array<i32>} : memref<4112xi32, #tpu.memory_space<vmem>>, vector<16xi32>,
      %add3A_404 = arith.addi %add3A_391, %get3A_403 : vector<16xi32>
      %mul3A_405 = arith.constant 16 : i32
      %mul3A_406 = arith.muli %scan3A_304, %mul3A_405 : i32
      %add3A_407 = arith.constant 1799 : i32
      %add3A_408 = arith.addi %add3A_407, %mul3A_406 : i32
      %swap3A_409 = arith.index_cast %add3A_408 : i32 to index
      %swap3A_410 = tpu.vector_load %arg10[%swap3A_409] {strides = array<i32>} : memref<4112xi32, #tpu.memory_space<vmem>>, vector<16xi32>,
      tpu.vector_store %arg10[%swap3A_409], %broadcast_in_dim3A_66 {strides = array<i32>} : memref<4112xi32, #tpu.memory_space<vmem>>, vector<16xi32>,
      %mul3A_411 = arith.constant 16 : i32
      %mul3A_412 = arith.muli %scan3A_304, %mul3A_411 : i32
      %add3A_413 = arith.constant 2056 : i32
      %add3A_414 = arith.addi %add3A_413, %mul3A_412 : i32
      %get3A_415 = arith.index_cast %add3A_414 : i32 to index
      %get3A_416 = tpu.vector_load %arg10[%get3A_415] {strides = array<i32>} : memref<4112xi32, #tpu.memory_space<vmem>>, vector<16xi32>,
      %add3A_417 = arith.addi %add3A_404, %get3A_416 : vector<16xi32>
      %mul3A_418 = arith.constant 16 : i32
      %mul3A_419 = arith.muli %scan3A_304, %mul3A_418 : i32
      %add3A_420 = arith.constant 2056 : i32
      %add3A_421 = arith.addi %add3A_420, %mul3A_419 : i32
      %swap3A_422 = arith.index_cast %add3A_421 : i32 to index
      %swap3A_423 = tpu.vector_load %arg10[%swap3A_422] {strides = array<i32>} : memref<4112xi32, #tpu.memory_space<vmem>>, vector<16xi32>,
      tpu.vector_store %arg10[%swap3A_422], %broadcast_in_dim3A_66 {strides = array<i32>} : memref<4112xi32, #tpu.memory_space<vmem>>, vector<16xi32>,
      %mul3A_424 = arith.constant 16 : i32
      %mul3A_425 = arith.muli %scan3A_304, %mul3A_424 : i32
      %add3A_426 = arith.constant 2313 : i32
      %add3A_427 = arith.addi %add3A_426, %mul3A_425 : i32
      %get3A_428 = arith.index_cast %add3A_427 : i32 to index
      %get3A_429 = tpu.vector_load %arg10[%get3A_428] {strides = array<i32>} : memref<4112xi32, #tpu.memory_space<vmem>>, vector<16xi32>,
      %add3A_430 = arith.addi %add3A_417, %get3A_429 : vector<16xi32>
      %mul3A_431 = arith.constant 16 : i32
      %mul3A_432 = arith.muli %scan3A_304, %mul3A_431 : i32
      %add3A_433 = arith.constant 2313 : i32
      %add3A_434 = arith.addi %add3A_433, %mul3A_432 : i32
      %swap3A_435 = arith.index_cast %add3A_434 : i32 to index
      %swap3A_436 = tpu.vector_load %arg10[%swap3A_435] {strides = array<i32>} : memref<4112xi32, #tpu.memory_space<vmem>>, vector<16xi32>,
      tpu.vector_store %arg10[%swap3A_435], %broadcast_in_dim3A_66 {strides = array<i32>} : memref<4112xi32, #tpu.memory_space<vmem>>, vector<16xi32>,
      %mul3A_437 = arith.constant 16 : i32
      %mul3A_438 = arith.muli %scan3A_304, %mul3A_437 : i32
      %add3A_439 = arith.constant 2570 : i32
      %add3A_440 = arith.addi %add3A_439, %mul3A_438 : i32
      %get3A_441 = arith.index_cast %add3A_440 : i32 to index
      %get3A_442 = tpu.vector_load %arg10[%get3A_441] {strides = array<i32>} : memref<4112xi32, #tpu.memory_space<vmem>>, vector<16xi32>,
      %add3A_443 = arith.addi %add3A_430, %get3A_442 : vector<16xi32>
      %mul3A_444 = arith.constant 16 : i32
      %mul3A_445 = arith.muli %scan3A_304, %mul3A_444 : i32
      %add3A_446 = arith.constant 2570 : i32
      %add3A_447 = arith.addi %add3A_446, %mul3A_445 : i32
      %swap3A_448 = arith.index_cast %add3A_447 : i32 to index
      %swap3A_449 = tpu.vector_load %arg10[%swap3A_448] {strides = array<i32>} : memref<4112xi32, #tpu.memory_space<vmem>>, vector<16xi32>,
      tpu.vector_store %arg10[%swap3A_448], %broadcast_in_dim3A_66 {strides = array<i32>} : memref<4112xi32, #tpu.memory_space<vmem>>, vector<16xi32>,
      %mul3A_450 = arith.constant 16 : i32
      %mul3A_451 = arith.muli %scan3A_304, %mul3A_450 : i32
      %add3A_452 = arith.constant 2827 : i32
      %add3A_453 = arith.addi %add3A_452, %mul3A_451 : i32
      %get3A_454 = arith.index_cast %add3A_453 : i32 to index
      %get3A_455 = tpu.vector_load %arg10[%get3A_454] {strides = array<i32>} : memref<4112xi32, #tpu.memory_space<vmem>>, vector<16xi32>,
      %add3A_456 = arith.addi %add3A_443, %get3A_455 : vector<16xi32>
      %mul3A_457 = arith.constant 16 : i32
      %mul3A_458 = arith.muli %scan3A_304, %mul3A_457 : i32
      %add3A_459 = arith.constant 2827 : i32
      %add3A_460 = arith.addi %add3A_459, %mul3A_458 : i32
      %swap3A_461 = arith.index_cast %add3A_460 : i32 to index
      %swap3A_462 = tpu.vector_load %arg10[%swap3A_461] {strides = array<i32>} : memref<4112xi32, #tpu.memory_space<vmem>>, vector<16xi32>,
      tpu.vector_store %arg10[%swap3A_461], %broadcast_in_dim3A_66 {strides = array<i32>} : memref<4112xi32, #tpu.memory_space<vmem>>, vector<16xi32>,
      %mul3A_463 = arith.constant 16 : i32
      %mul3A_464 = arith.muli %scan3A_304, %mul3A_463 : i32
      %add3A_465 = arith.constant 3084 : i32
      %add3A_466 = arith.addi %add3A_465, %mul3A_464 : i32
      %get3A_467 = arith.index_cast %add3A_466 : i32 to index
      %get3A_468 = tpu.vector_load %arg10[%get3A_467] {strides = array<i32>} : memref<4112xi32, #tpu.memory_space<vmem>>, vector<16xi32>,
      %add3A_469 = arith.addi %add3A_456, %get3A_468 : vector<16xi32>
      %mul3A_470 = arith.constant 16 : i32
      %mul3A_471 = arith.muli %scan3A_304, %mul3A_470 : i32
      %add3A_472 = arith.constant 3084 : i32
      %add3A_473 = arith.addi %add3A_472, %mul3A_471 : i32
      %swap3A_474 = arith.index_cast %add3A_473 : i32 to index
      %swap3A_475 = tpu.vector_load %arg10[%swap3A_474] {strides = array<i32>} : memref<4112xi32, #tpu.memory_space<vmem>>, vector<16xi32>,
      tpu.vector_store %arg10[%swap3A_474], %broadcast_in_dim3A_66 {strides = array<i32>} : memref<4112xi32, #tpu.memory_space<vmem>>, vector<16xi32>,
      %mul3A_476 = arith.constant 16 : i32
      %mul3A_477 = arith.muli %scan3A_304, %mul3A_476 : i32
      %add3A_478 = arith.constant 3341 : i32
      %add3A_479 = arith.addi %add3A_478, %mul3A_477 : i32
      %get3A_480 = arith.index_cast %add3A_479 : i32 to index
      %get3A_481 = tpu.vector_load %arg10[%get3A_480] {strides = array<i32>} : memref<4112xi32, #tpu.memory_space<vmem>>, vector<16xi32>,
      %add3A_482 = arith.addi %add3A_469, %get3A_481 : vector<16xi32>
      %mul3A_483 = arith.constant 16 : i32
      %mul3A_484 = arith.muli %scan3A_304, %mul3A_483 : i32
      %add3A_485 = arith.constant 3341 : i32
      %add3A_486 = arith.addi %add3A_485, %mul3A_484 : i32
      %swap3A_487 = arith.index_cast %add3A_486 : i32 to index
      %swap3A_488 = tpu.vector_load %arg10[%swap3A_487] {strides = array<i32>} : memref<4112xi32, #tpu.memory_space<vmem>>, vector<16xi32>,
      tpu.vector_store %arg10[%swap3A_487], %broadcast_in_dim3A_66 {strides = array<i32>} : memref<4112xi32, #tpu.memory_space<vmem>>, vector<16xi32>,
      %mul3A_489 = arith.constant 16 : i32
      %mul3A_490 = arith.muli %scan3A_304, %mul3A_489 : i32
      %add3A_491 = arith.constant 3598 : i32
      %add3A_492 = arith.addi %add3A_491, %mul3A_490 : i32
      %get3A_493 = arith.index_cast %add3A_492 : i32 to index
      %get3A_494 = tpu.vector_load %arg10[%get3A_493] {strides = array<i32>} : memref<4112xi32, #tpu.memory_space<vmem>>, vector<16xi32>,
      %add3A_495 = arith.addi %add3A_482, %get3A_494 : vector<16xi32>
      %mul3A_496 = arith.constant 16 : i32
      %mul3A_497 = arith.muli %scan3A_304, %mul3A_496 : i32
      %add3A_498 = arith.constant 3598 : i32
      %add3A_499 = arith.addi %add3A_498, %mul3A_497 : i32
      %swap3A_500 = arith.index_cast %add3A_499 : i32 to index
      %swap3A_501 = tpu.vector_load %arg10[%swap3A_500] {strides = array<i32>} : memref<4112xi32, #tpu.memory_space<vmem>>, vector<16xi32>,
      tpu.vector_store %arg10[%swap3A_500], %broadcast_in_dim3A_66 {strides = array<i32>} : memref<4112xi32, #tpu.memory_space<vmem>>, vector<16xi32>,
      %mul3A_502 = arith.constant 16 : i32
      %mul3A_503 = arith.muli %scan3A_304, %mul3A_502 : i32
      %add3A_504 = arith.constant 3855 : i32
      %add3A_505 = arith.addi %add3A_504, %mul3A_503 : i32
      %get3A_506 = arith.index_cast %add3A_505 : i32 to index
      %get3A_507 = tpu.vector_load %arg10[%get3A_506] {strides = array<i32>} : memref<4112xi32, #tpu.memory_space<vmem>>, vector<16xi32>,
      %add3A_508 = arith.addi %add3A_495, %get3A_507 : vector<16xi32>
      %mul3A_509 = arith.constant 16 : i32
      %mul3A_510 = arith.muli %scan3A_304, %mul3A_509 : i32
      %add3A_511 = arith.constant 3855 : i32
      %add3A_512 = arith.addi %add3A_511, %mul3A_510 : i32
      %swap3A_513 = arith.index_cast %add3A_512 : i32 to index
      %swap3A_514 = tpu.vector_load %arg10[%swap3A_513] {strides = array<i32>} : memref<4112xi32, #tpu.memory_space<vmem>>, vector<16xi32>,
      tpu.vector_store %arg10[%swap3A_513], %broadcast_in_dim3A_66 {strides = array<i32>} : memref<4112xi32, #tpu.memory_space<vmem>>, vector<16xi32>,
      %broadcast_in_dim3A_515 = arith.constant true
      %broadcast_in_dim3A_516 = vector.broadcast %broadcast_in_dim3A_515 : i1 to vector<16xi1>
      %masked_cumsum3A = tpu.scan <sum>, %add3A_508 masked %broadcast_in_dim3A_516 : vector<16xi32>, vector<16xi1> -> vector<16xi32>
      %add3A_517 = vector.broadcast %scan3A_305 : i32 to vector<16xi32>
      %add3A_518 = arith.addi %masked_cumsum3A, %add3A_517 : vector<16xi32>
      %sub3A_519 = arith.subi %add3A_518, %add3A_508 : vector<16xi32>
      %lt3A = vector.broadcast %sub3A_221 : i32 to vector<16xi32>
      %lt3A_520 = arith.cmpi slt, %sub3A_519, %lt3A : vector<16xi32>
      %ge3A = vector.broadcast %sub3A_221 : i32 to vector<16xi32>
      %ge3A_521 = arith.cmpi sge, %add3A_518, %ge3A : vector<16xi32>
      %and3A_522 = arith.andi %lt3A_520, %ge3A_521 : vector<16xi1>
      %mul3A_523 = arith.constant 16 : i32
      %mul3A_524 = arith.muli %scan3A_304, %mul3A_523 : i32
      %add3A_525 = vector.broadcast %mul3A_524 : i32 to vector<16xi32>
      %add3A_526 = arith.addi %add3A_525, %iota3A : vector<16xi32>
      %jit3A_527 = arith.constant 0 : i32
      %broadcast_in_dim3A_528 = vector.broadcast %jit3A_527 : i32 to vector<16xi32>
      %select_n3A_529 = arith.select %and3A_522, %add3A_526, %broadcast_in_dim3A_528 : vector<16xi1>, vector<16xi32>
      %add3A_530 = arith.addi %scan3A_306, %select_n3A_529 : vector<16xi32>
      %jit3A_531 = arith.constant 0 : i32
      %broadcast_in_dim3A_532 = vector.broadcast %jit3A_531 : i32 to vector<16xi32>
      %select_n3A_533 = arith.select %and3A_522, %sub3A_519, %broadcast_in_dim3A_532 : vector<16xi1>, vector<16xi32>
      %add3A_534 = arith.addi %scan3A_307, %select_n3A_533 : vector<16xi32>
      %jit3A_535 = arith.constant 0 : i32
      %broadcast_in_dim3A_536 = vector.broadcast %jit3A_535 : i32 to vector<16xi32>
      %select_n3A_537 = arith.select %and3A_522, %add3A_508, %broadcast_in_dim3A_536 : vector<16xi1>, vector<16xi32>
      %add3A_538 = arith.addi %scan3A_308, %select_n3A_537 : vector<16xi32>
      %reduce_sum3A_539 = arith.constant true
      %reduce_sum3A_540 = vector.broadcast %reduce_sum3A_539 : i1 to vector<16xi1>
      %reduce_sum3A_541 = tpu.scan <sum>, %add3A_508 masked %reduce_sum3A_540 : vector<16xi32>, vector<16xi1> -> vector<16xi32>
      %reduce_sum3A_542 = vector.extract %reduce_sum3A_541[15] : i32 from vector<16xi32>
      %add3A_543 = arith.addi %scan3A_305, %reduce_sum3A_542 : i32
      scf.yield %add3A_543, %add3A_530, %add3A_534, %add3A_538 : i32, vector<16xi32>, vector<16xi32>, vector<16xi32>
    }
    %scan3A_228 = arith.constant 16 : i32
    %reduce_sum3A_229 = arith.constant true
    %reduce_sum3A_230 = vector.broadcast %reduce_sum3A_229 : i1 to vector<16xi1>
    %reduce_sum3A_231 = tpu.scan <sum>, %scan3A_227#1 masked %reduce_sum3A_230 : vector<16xi32>, vector<16xi1> -> vector<16xi32>
    %reduce_sum3A_232 = vector.extract %reduce_sum3A_231[15] : i32 from vector<16xi32>
    %reduce_sum3A_233 = arith.constant true
    %reduce_sum3A_234 = vector.broadcast %reduce_sum3A_233 : i1 to vector<16xi1>
    %reduce_sum3A_235 = tpu.scan <sum>, %scan3A_227#2 masked %reduce_sum3A_234 : vector<16xi32>, vector<16xi1> -> vector<16xi32>
    %reduce_sum3A_236 = vector.extract %reduce_sum3A_235[15] : i32 from vector<16xi32>
    %reduce_sum3A_237 = arith.constant true
    %reduce_sum3A_238 = vector.broadcast %reduce_sum3A_237 : i1 to vector<16xi1>
    %reduce_sum3A_239 = tpu.scan <sum>, %scan3A_227#3 masked %reduce_sum3A_238 : vector<16xi32>, vector<16xi1> -> vector<16xi32>
    %reduce_sum3A_240 = vector.extract %reduce_sum3A_239[15] : i32 from vector<16xi32>
    %shift_left3A = arith.constant 8 : i32
    %shift_left3A_241 = arith.shli %reduce_sum3A_208, %shift_left3A : i32
    %or3A = arith.ori %shift_left3A_241, %reduce_sum3A_232 : i32
    %add3A_242 = arith.addi %reduce_sum3A_212, %reduce_sum3A_236 : i32
    %parallel_loop3A_243 = arith.constant 0 : i32
    %parallel_loop3A_244 = arith.constant 512 : i32
    %parallel_loop3A_245 = arith.constant 1 : i32
    scf.for %parallel_loop3A_304 = %parallel_loop3A_243 to %parallel_loop3A_244 step %parallel_loop3A_245  : i32 {
      %parallel_loop3A_305 = arith.constant 16 : i32
      %parallel_loop3A_306 = arith.muli %parallel_loop3A_304, %parallel_loop3A_305 : i32
      %parallel_loop3A_307 = arith.index_cast %parallel_loop3A_306 : i32 to index
      %parallel_loop3A_308 = tpu.vector_load %arg9[%parallel_loop3A_307] {strides = array<i32>} : memref<8192xi32, #tpu.memory_space<vmem>>, vector<16xi32>,
      %parallel_loop3A_309 = arith.constant 16 : i32
      %parallel_loop3A_310 = vector.broadcast %parallel_loop3A_309 : i32 to vector<16xi32>
      %parallel_loop3A_311 = arith.shrui %parallel_loop3A_308, %parallel_loop3A_310 : vector<16xi32>
      %parallel_loop3A_312 = vector.broadcast %or3A : i32 to vector<16xi32>
      %parallel_loop3A_313 = arith.cmpi eq, %parallel_loop3A_311, %parallel_loop3A_312 : vector<16xi32>
      %parallel_loop3A_314 = arith.constant 8 : i32
      %parallel_loop3A_315 = vector.broadcast %parallel_loop3A_314 : i32 to vector<16xi32>
      %parallel_loop3A_316 = arith.shrui %parallel_loop3A_308, %parallel_loop3A_315 : vector<16xi32>
      %parallel_loop3A_317 = arith.constant 255 : i32
      %parallel_loop3A_318 = vector.broadcast %parallel_loop3A_317 : i32 to vector<16xi32>
      %parallel_loop3A_319 = arith.andi %parallel_loop3A_316, %parallel_loop3A_318 : vector<16xi32>
      %parallel_loop3A_320 = arith.addi %mul3A_71, %parallel_loop3A_319 : vector<16xi32>
      tpu.vector_store_idx %arg10[%parallel_loop3A_320], %broadcast_in_dim3A_68 masked %parallel_loop3A_313 {add = true} : memref<4112xi32, #tpu.memory_space<vmem>>[vector<16xi32>], vector<16xi32>, vector<16xi1>
    } {sc.loop_unroll_factor = 8 : i64, sc.parallel_access}
    %sub3A_246 = arith.constant 4915 : i32
    %sub3A_247 = arith.subi %sub3A_246, %add3A_242 : i32
    %scan3A_248 = arith.constant 0 : i32
    %scan3A_249 = arith.constant 0 : i32
    %scan3A_250 = arith.constant 16 : i32
    %scan3A_251 = arith.addi %scan3A_249, %scan3A_250 : i32
    %scan3A_252 = arith.constant 1 : i32
    %scan3A_253:4 = scf.for %scan3A_304 = %scan3A_249 to %scan3A_251 step %scan3A_252 iter_args(%scan3A_305 = %scan3A_248, %scan3A_306 = %broadcast_in_dim3A_66, %scan3A_307 = %broadcast_in_dim3A_66, %scan3A_308 = %broadcast_in_dim3A_66) -> (i32, vector<16xi32>, vector<16xi32>, vector<16xi32>)  : i32 {
      %mul3A_309 = arith.constant 16 : i32
      %mul3A_310 = arith.muli %scan3A_304, %mul3A_309 : i32
      %add3A_311 = arith.constant 0 : i32
      %add3A_312 = arith.addi %add3A_311, %mul3A_310 : i32
      %get3A = arith.index_cast %add3A_312 : i32 to index
      %get3A_313 = tpu.vector_load %arg10[%get3A] {strides = array<i32>} : memref<4112xi32, #tpu.memory_space<vmem>>, vector<16xi32>,
      %add3A_314 = arith.addi %broadcast_in_dim3A_66, %get3A_313 : vector<16xi32>
      %mul3A_315 = arith.constant 16 : i32
      %mul3A_316 = arith.muli %scan3A_304, %mul3A_315 : i32
      %add3A_317 = arith.constant 0 : i32
      %add3A_318 = arith.addi %add3A_317, %mul3A_316 : i32
      %swap3A = arith.index_cast %add3A_318 : i32 to index
      %swap3A_319 = tpu.vector_load %arg10[%swap3A] {strides = array<i32>} : memref<4112xi32, #tpu.memory_space<vmem>>, vector<16xi32>,
      tpu.vector_store %arg10[%swap3A], %broadcast_in_dim3A_66 {strides = array<i32>} : memref<4112xi32, #tpu.memory_space<vmem>>, vector<16xi32>,
      %mul3A_320 = arith.constant 16 : i32
      %mul3A_321 = arith.muli %scan3A_304, %mul3A_320 : i32
      %add3A_322 = arith.constant 257 : i32
      %add3A_323 = arith.addi %add3A_322, %mul3A_321 : i32
      %get3A_324 = arith.index_cast %add3A_323 : i32 to index
      %get3A_325 = tpu.vector_load %arg10[%get3A_324] {strides = array<i32>} : memref<4112xi32, #tpu.memory_space<vmem>>, vector<16xi32>,
      %add3A_326 = arith.addi %add3A_314, %get3A_325 : vector<16xi32>
      %mul3A_327 = arith.constant 16 : i32
      %mul3A_328 = arith.muli %scan3A_304, %mul3A_327 : i32
      %add3A_329 = arith.constant 257 : i32
      %add3A_330 = arith.addi %add3A_329, %mul3A_328 : i32
      %swap3A_331 = arith.index_cast %add3A_330 : i32 to index
      %swap3A_332 = tpu.vector_load %arg10[%swap3A_331] {strides = array<i32>} : memref<4112xi32, #tpu.memory_space<vmem>>, vector<16xi32>,
      tpu.vector_store %arg10[%swap3A_331], %broadcast_in_dim3A_66 {strides = array<i32>} : memref<4112xi32, #tpu.memory_space<vmem>>, vector<16xi32>,
      %mul3A_333 = arith.constant 16 : i32
      %mul3A_334 = arith.muli %scan3A_304, %mul3A_333 : i32
      %add3A_335 = arith.constant 514 : i32
      %add3A_336 = arith.addi %add3A_335, %mul3A_334 : i32
      %get3A_337 = arith.index_cast %add3A_336 : i32 to index
      %get3A_338 = tpu.vector_load %arg10[%get3A_337] {strides = array<i32>} : memref<4112xi32, #tpu.memory_space<vmem>>, vector<16xi32>,
      %add3A_339 = arith.addi %add3A_326, %get3A_338 : vector<16xi32>
      %mul3A_340 = arith.constant 16 : i32
      %mul3A_341 = arith.muli %scan3A_304, %mul3A_340 : i32
      %add3A_342 = arith.constant 514 : i32
      %add3A_343 = arith.addi %add3A_342, %mul3A_341 : i32
      %swap3A_344 = arith.index_cast %add3A_343 : i32 to index
      %swap3A_345 = tpu.vector_load %arg10[%swap3A_344] {strides = array<i32>} : memref<4112xi32, #tpu.memory_space<vmem>>, vector<16xi32>,
      tpu.vector_store %arg10[%swap3A_344], %broadcast_in_dim3A_66 {strides = array<i32>} : memref<4112xi32, #tpu.memory_space<vmem>>, vector<16xi32>,
      %mul3A_346 = arith.constant 16 : i32
      %mul3A_347 = arith.muli %scan3A_304, %mul3A_346 : i32
      %add3A_348 = arith.constant 771 : i32
      %add3A_349 = arith.addi %add3A_348, %mul3A_347 : i32
      %get3A_350 = arith.index_cast %add3A_349 : i32 to index
      %get3A_351 = tpu.vector_load %arg10[%get3A_350] {strides = array<i32>} : memref<4112xi32, #tpu.memory_space<vmem>>, vector<16xi32>,
      %add3A_352 = arith.addi %add3A_339, %get3A_351 : vector<16xi32>
      %mul3A_353 = arith.constant 16 : i32
      %mul3A_354 = arith.muli %scan3A_304, %mul3A_353 : i32
      %add3A_355 = arith.constant 771 : i32
      %add3A_356 = arith.addi %add3A_355, %mul3A_354 : i32
      %swap3A_357 = arith.index_cast %add3A_356 : i32 to index
      %swap3A_358 = tpu.vector_load %arg10[%swap3A_357] {strides = array<i32>} : memref<4112xi32, #tpu.memory_space<vmem>>, vector<16xi32>,
      tpu.vector_store %arg10[%swap3A_357], %broadcast_in_dim3A_66 {strides = array<i32>} : memref<4112xi32, #tpu.memory_space<vmem>>, vector<16xi32>,
      %mul3A_359 = arith.constant 16 : i32
      %mul3A_360 = arith.muli %scan3A_304, %mul3A_359 : i32
      %add3A_361 = arith.constant 1028 : i32
      %add3A_362 = arith.addi %add3A_361, %mul3A_360 : i32
      %get3A_363 = arith.index_cast %add3A_362 : i32 to index
      %get3A_364 = tpu.vector_load %arg10[%get3A_363] {strides = array<i32>} : memref<4112xi32, #tpu.memory_space<vmem>>, vector<16xi32>,
      %add3A_365 = arith.addi %add3A_352, %get3A_364 : vector<16xi32>
      %mul3A_366 = arith.constant 16 : i32
      %mul3A_367 = arith.muli %scan3A_304, %mul3A_366 : i32
      %add3A_368 = arith.constant 1028 : i32
      %add3A_369 = arith.addi %add3A_368, %mul3A_367 : i32
      %swap3A_370 = arith.index_cast %add3A_369 : i32 to index
      %swap3A_371 = tpu.vector_load %arg10[%swap3A_370] {strides = array<i32>} : memref<4112xi32, #tpu.memory_space<vmem>>, vector<16xi32>,
      tpu.vector_store %arg10[%swap3A_370], %broadcast_in_dim3A_66 {strides = array<i32>} : memref<4112xi32, #tpu.memory_space<vmem>>, vector<16xi32>,
      %mul3A_372 = arith.constant 16 : i32
      %mul3A_373 = arith.muli %scan3A_304, %mul3A_372 : i32
      %add3A_374 = arith.constant 1285 : i32
      %add3A_375 = arith.addi %add3A_374, %mul3A_373 : i32
      %get3A_376 = arith.index_cast %add3A_375 : i32 to index
      %get3A_377 = tpu.vector_load %arg10[%get3A_376] {strides = array<i32>} : memref<4112xi32, #tpu.memory_space<vmem>>, vector<16xi32>,
      %add3A_378 = arith.addi %add3A_365, %get3A_377 : vector<16xi32>
      %mul3A_379 = arith.constant 16 : i32
      %mul3A_380 = arith.muli %scan3A_304, %mul3A_379 : i32
      %add3A_381 = arith.constant 1285 : i32
      %add3A_382 = arith.addi %add3A_381, %mul3A_380 : i32
      %swap3A_383 = arith.index_cast %add3A_382 : i32 to index
      %swap3A_384 = tpu.vector_load %arg10[%swap3A_383] {strides = array<i32>} : memref<4112xi32, #tpu.memory_space<vmem>>, vector<16xi32>,
      tpu.vector_store %arg10[%swap3A_383], %broadcast_in_dim3A_66 {strides = array<i32>} : memref<4112xi32, #tpu.memory_space<vmem>>, vector<16xi32>,
      %mul3A_385 = arith.constant 16 : i32
      %mul3A_386 = arith.muli %scan3A_304, %mul3A_385 : i32
      %add3A_387 = arith.constant 1542 : i32
      %add3A_388 = arith.addi %add3A_387, %mul3A_386 : i32
      %get3A_389 = arith.index_cast %add3A_388 : i32 to index
      %get3A_390 = tpu.vector_load %arg10[%get3A_389] {strides = array<i32>} : memref<4112xi32, #tpu.memory_space<vmem>>, vector<16xi32>,
      %add3A_391 = arith.addi %add3A_378, %get3A_390 : vector<16xi32>
      %mul3A_392 = arith.constant 16 : i32
      %mul3A_393 = arith.muli %scan3A_304, %mul3A_392 : i32
      %add3A_394 = arith.constant 1542 : i32
      %add3A_395 = arith.addi %add3A_394, %mul3A_393 : i32
      %swap3A_396 = arith.index_cast %add3A_395 : i32 to index
      %swap3A_397 = tpu.vector_load %arg10[%swap3A_396] {strides = array<i32>} : memref<4112xi32, #tpu.memory_space<vmem>>, vector<16xi32>,
      tpu.vector_store %arg10[%swap3A_396], %broadcast_in_dim3A_66 {strides = array<i32>} : memref<4112xi32, #tpu.memory_space<vmem>>, vector<16xi32>,
      %mul3A_398 = arith.constant 16 : i32
      %mul3A_399 = arith.muli %scan3A_304, %mul3A_398 : i32
      %add3A_400 = arith.constant 1799 : i32
      %add3A_401 = arith.addi %add3A_400, %mul3A_399 : i32
      %get3A_402 = arith.index_cast %add3A_401 : i32 to index
      %get3A_403 = tpu.vector_load %arg10[%get3A_402] {strides = array<i32>} : memref<4112xi32, #tpu.memory_space<vmem>>, vector<16xi32>,
      %add3A_404 = arith.addi %add3A_391, %get3A_403 : vector<16xi32>
      %mul3A_405 = arith.constant 16 : i32
      %mul3A_406 = arith.muli %scan3A_304, %mul3A_405 : i32
      %add3A_407 = arith.constant 1799 : i32
      %add3A_408 = arith.addi %add3A_407, %mul3A_406 : i32
      %swap3A_409 = arith.index_cast %add3A_408 : i32 to index
      %swap3A_410 = tpu.vector_load %arg10[%swap3A_409] {strides = array<i32>} : memref<4112xi32, #tpu.memory_space<vmem>>, vector<16xi32>,
      tpu.vector_store %arg10[%swap3A_409], %broadcast_in_dim3A_66 {strides = array<i32>} : memref<4112xi32, #tpu.memory_space<vmem>>, vector<16xi32>,
      %mul3A_411 = arith.constant 16 : i32
      %mul3A_412 = arith.muli %scan3A_304, %mul3A_411 : i32
      %add3A_413 = arith.constant 2056 : i32
      %add3A_414 = arith.addi %add3A_413, %mul3A_412 : i32
      %get3A_415 = arith.index_cast %add3A_414 : i32 to index
      %get3A_416 = tpu.vector_load %arg10[%get3A_415] {strides = array<i32>} : memref<4112xi32, #tpu.memory_space<vmem>>, vector<16xi32>,
      %add3A_417 = arith.addi %add3A_404, %get3A_416 : vector<16xi32>
      %mul3A_418 = arith.constant 16 : i32
      %mul3A_419 = arith.muli %scan3A_304, %mul3A_418 : i32
      %add3A_420 = arith.constant 2056 : i32
      %add3A_421 = arith.addi %add3A_420, %mul3A_419 : i32
      %swap3A_422 = arith.index_cast %add3A_421 : i32 to index
      %swap3A_423 = tpu.vector_load %arg10[%swap3A_422] {strides = array<i32>} : memref<4112xi32, #tpu.memory_space<vmem>>, vector<16xi32>,
      tpu.vector_store %arg10[%swap3A_422], %broadcast_in_dim3A_66 {strides = array<i32>} : memref<4112xi32, #tpu.memory_space<vmem>>, vector<16xi32>,
      %mul3A_424 = arith.constant 16 : i32
      %mul3A_425 = arith.muli %scan3A_304, %mul3A_424 : i32
      %add3A_426 = arith.constant 2313 : i32
      %add3A_427 = arith.addi %add3A_426, %mul3A_425 : i32
      %get3A_428 = arith.index_cast %add3A_427 : i32 to index
      %get3A_429 = tpu.vector_load %arg10[%get3A_428] {strides = array<i32>} : memref<4112xi32, #tpu.memory_space<vmem>>, vector<16xi32>,
      %add3A_430 = arith.addi %add3A_417, %get3A_429 : vector<16xi32>
      %mul3A_431 = arith.constant 16 : i32
      %mul3A_432 = arith.muli %scan3A_304, %mul3A_431 : i32
      %add3A_433 = arith.constant 2313 : i32
      %add3A_434 = arith.addi %add3A_433, %mul3A_432 : i32
      %swap3A_435 = arith.index_cast %add3A_434 : i32 to index
      %swap3A_436 = tpu.vector_load %arg10[%swap3A_435] {strides = array<i32>} : memref<4112xi32, #tpu.memory_space<vmem>>, vector<16xi32>,
      tpu.vector_store %arg10[%swap3A_435], %broadcast_in_dim3A_66 {strides = array<i32>} : memref<4112xi32, #tpu.memory_space<vmem>>, vector<16xi32>,
      %mul3A_437 = arith.constant 16 : i32
      %mul3A_438 = arith.muli %scan3A_304, %mul3A_437 : i32
      %add3A_439 = arith.constant 2570 : i32
      %add3A_440 = arith.addi %add3A_439, %mul3A_438 : i32
      %get3A_441 = arith.index_cast %add3A_440 : i32 to index
      %get3A_442 = tpu.vector_load %arg10[%get3A_441] {strides = array<i32>} : memref<4112xi32, #tpu.memory_space<vmem>>, vector<16xi32>,
      %add3A_443 = arith.addi %add3A_430, %get3A_442 : vector<16xi32>
      %mul3A_444 = arith.constant 16 : i32
      %mul3A_445 = arith.muli %scan3A_304, %mul3A_444 : i32
      %add3A_446 = arith.constant 2570 : i32
      %add3A_447 = arith.addi %add3A_446, %mul3A_445 : i32
      %swap3A_448 = arith.index_cast %add3A_447 : i32 to index
      %swap3A_449 = tpu.vector_load %arg10[%swap3A_448] {strides = array<i32>} : memref<4112xi32, #tpu.memory_space<vmem>>, vector<16xi32>,
      tpu.vector_store %arg10[%swap3A_448], %broadcast_in_dim3A_66 {strides = array<i32>} : memref<4112xi32, #tpu.memory_space<vmem>>, vector<16xi32>,
      %mul3A_450 = arith.constant 16 : i32
      %mul3A_451 = arith.muli %scan3A_304, %mul3A_450 : i32
      %add3A_452 = arith.constant 2827 : i32
      %add3A_453 = arith.addi %add3A_452, %mul3A_451 : i32
      %get3A_454 = arith.index_cast %add3A_453 : i32 to index
      %get3A_455 = tpu.vector_load %arg10[%get3A_454] {strides = array<i32>} : memref<4112xi32, #tpu.memory_space<vmem>>, vector<16xi32>,
      %add3A_456 = arith.addi %add3A_443, %get3A_455 : vector<16xi32>
      %mul3A_457 = arith.constant 16 : i32
      %mul3A_458 = arith.muli %scan3A_304, %mul3A_457 : i32
      %add3A_459 = arith.constant 2827 : i32
      %add3A_460 = arith.addi %add3A_459, %mul3A_458 : i32
      %swap3A_461 = arith.index_cast %add3A_460 : i32 to index
      %swap3A_462 = tpu.vector_load %arg10[%swap3A_461] {strides = array<i32>} : memref<4112xi32, #tpu.memory_space<vmem>>, vector<16xi32>,
      tpu.vector_store %arg10[%swap3A_461], %broadcast_in_dim3A_66 {strides = array<i32>} : memref<4112xi32, #tpu.memory_space<vmem>>, vector<16xi32>,
      %mul3A_463 = arith.constant 16 : i32
      %mul3A_464 = arith.muli %scan3A_304, %mul3A_463 : i32
      %add3A_465 = arith.constant 3084 : i32
      %add3A_466 = arith.addi %add3A_465, %mul3A_464 : i32
      %get3A_467 = arith.index_cast %add3A_466 : i32 to index
      %get3A_468 = tpu.vector_load %arg10[%get3A_467] {strides = array<i32>} : memref<4112xi32, #tpu.memory_space<vmem>>, vector<16xi32>,
      %add3A_469 = arith.addi %add3A_456, %get3A_468 : vector<16xi32>
      %mul3A_470 = arith.constant 16 : i32
      %mul3A_471 = arith.muli %scan3A_304, %mul3A_470 : i32
      %add3A_472 = arith.constant 3084 : i32
      %add3A_473 = arith.addi %add3A_472, %mul3A_471 : i32
      %swap3A_474 = arith.index_cast %add3A_473 : i32 to index
      %swap3A_475 = tpu.vector_load %arg10[%swap3A_474] {strides = array<i32>} : memref<4112xi32, #tpu.memory_space<vmem>>, vector<16xi32>,
      tpu.vector_store %arg10[%swap3A_474], %broadcast_in_dim3A_66 {strides = array<i32>} : memref<4112xi32, #tpu.memory_space<vmem>>, vector<16xi32>,
      %mul3A_476 = arith.constant 16 : i32
      %mul3A_477 = arith.muli %scan3A_304, %mul3A_476 : i32
      %add3A_478 = arith.constant 3341 : i32
      %add3A_479 = arith.addi %add3A_478, %mul3A_477 : i32
      %get3A_480 = arith.index_cast %add3A_479 : i32 to index
      %get3A_481 = tpu.vector_load %arg10[%get3A_480] {strides = array<i32>} : memref<4112xi32, #tpu.memory_space<vmem>>, vector<16xi32>,
      %add3A_482 = arith.addi %add3A_469, %get3A_481 : vector<16xi32>
      %mul3A_483 = arith.constant 16 : i32
      %mul3A_484 = arith.muli %scan3A_304, %mul3A_483 : i32
      %add3A_485 = arith.constant 3341 : i32
      %add3A_486 = arith.addi %add3A_485, %mul3A_484 : i32
      %swap3A_487 = arith.index_cast %add3A_486 : i32 to index
      %swap3A_488 = tpu.vector_load %arg10[%swap3A_487] {strides = array<i32>} : memref<4112xi32, #tpu.memory_space<vmem>>, vector<16xi32>,
      tpu.vector_store %arg10[%swap3A_487], %broadcast_in_dim3A_66 {strides = array<i32>} : memref<4112xi32, #tpu.memory_space<vmem>>, vector<16xi32>,
      %mul3A_489 = arith.constant 16 : i32
      %mul3A_490 = arith.muli %scan3A_304, %mul3A_489 : i32
      %add3A_491 = arith.constant 3598 : i32
      %add3A_492 = arith.addi %add3A_491, %mul3A_490 : i32
      %get3A_493 = arith.index_cast %add3A_492 : i32 to index
      %get3A_494 = tpu.vector_load %arg10[%get3A_493] {strides = array<i32>} : memref<4112xi32, #tpu.memory_space<vmem>>, vector<16xi32>,
      %add3A_495 = arith.addi %add3A_482, %get3A_494 : vector<16xi32>
      %mul3A_496 = arith.constant 16 : i32
      %mul3A_497 = arith.muli %scan3A_304, %mul3A_496 : i32
      %add3A_498 = arith.constant 3598 : i32
      %add3A_499 = arith.addi %add3A_498, %mul3A_497 : i32
      %swap3A_500 = arith.index_cast %add3A_499 : i32 to index
      %swap3A_501 = tpu.vector_load %arg10[%swap3A_500] {strides = array<i32>} : memref<4112xi32, #tpu.memory_space<vmem>>, vector<16xi32>,
      tpu.vector_store %arg10[%swap3A_500], %broadcast_in_dim3A_66 {strides = array<i32>} : memref<4112xi32, #tpu.memory_space<vmem>>, vector<16xi32>,
      %mul3A_502 = arith.constant 16 : i32
      %mul3A_503 = arith.muli %scan3A_304, %mul3A_502 : i32
      %add3A_504 = arith.constant 3855 : i32
      %add3A_505 = arith.addi %add3A_504, %mul3A_503 : i32
      %get3A_506 = arith.index_cast %add3A_505 : i32 to index
      %get3A_507 = tpu.vector_load %arg10[%get3A_506] {strides = array<i32>} : memref<4112xi32, #tpu.memory_space<vmem>>, vector<16xi32>,
      %add3A_508 = arith.addi %add3A_495, %get3A_507 : vector<16xi32>
      %mul3A_509 = arith.constant 16 : i32
      %mul3A_510 = arith.muli %scan3A_304, %mul3A_509 : i32
      %add3A_511 = arith.constant 3855 : i32
      %add3A_512 = arith.addi %add3A_511, %mul3A_510 : i32
      %swap3A_513 = arith.index_cast %add3A_512 : i32 to index
      %swap3A_514 = tpu.vector_load %arg10[%swap3A_513] {strides = array<i32>} : memref<4112xi32, #tpu.memory_space<vmem>>, vector<16xi32>,
      tpu.vector_store %arg10[%swap3A_513], %broadcast_in_dim3A_66 {strides = array<i32>} : memref<4112xi32, #tpu.memory_space<vmem>>, vector<16xi32>,
      %broadcast_in_dim3A_515 = arith.constant true
      %broadcast_in_dim3A_516 = vector.broadcast %broadcast_in_dim3A_515 : i1 to vector<16xi1>
      %masked_cumsum3A = tpu.scan <sum>, %add3A_508 masked %broadcast_in_dim3A_516 : vector<16xi32>, vector<16xi1> -> vector<16xi32>
      %add3A_517 = vector.broadcast %scan3A_305 : i32 to vector<16xi32>
      %add3A_518 = arith.addi %masked_cumsum3A, %add3A_517 : vector<16xi32>
      %sub3A_519 = arith.subi %add3A_518, %add3A_508 : vector<16xi32>
      %lt3A = vector.broadcast %sub3A_247 : i32 to vector<16xi32>
      %lt3A_520 = arith.cmpi slt, %sub3A_519, %lt3A : vector<16xi32>
      %ge3A = vector.broadcast %sub3A_247 : i32 to vector<16xi32>
      %ge3A_521 = arith.cmpi sge, %add3A_518, %ge3A : vector<16xi32>
      %and3A_522 = arith.andi %lt3A_520, %ge3A_521 : vector<16xi1>
      %mul3A_523 = arith.constant 16 : i32
      %mul3A_524 = arith.muli %scan3A_304, %mul3A_523 : i32
      %add3A_525 = vector.broadcast %mul3A_524 : i32 to vector<16xi32>
      %add3A_526 = arith.addi %add3A_525, %iota3A : vector<16xi32>
      %jit3A_527 = arith.constant 0 : i32
      %broadcast_in_dim3A_528 = vector.broadcast %jit3A_527 : i32 to vector<16xi32>
      %select_n3A_529 = arith.select %and3A_522, %add3A_526, %broadcast_in_dim3A_528 : vector<16xi1>, vector<16xi32>
      %add3A_530 = arith.addi %scan3A_306, %select_n3A_529 : vector<16xi32>
      %jit3A_531 = arith.constant 0 : i32
      %broadcast_in_dim3A_532 = vector.broadcast %jit3A_531 : i32 to vector<16xi32>
      %select_n3A_533 = arith.select %and3A_522, %sub3A_519, %broadcast_in_dim3A_532 : vector<16xi1>, vector<16xi32>
      %add3A_534 = arith.addi %scan3A_307, %select_n3A_533 : vector<16xi32>
      %jit3A_535 = arith.constant 0 : i32
      %broadcast_in_dim3A_536 = vector.broadcast %jit3A_535 : i32 to vector<16xi32>
      %select_n3A_537 = arith.select %and3A_522, %add3A_508, %broadcast_in_dim3A_536 : vector<16xi1>, vector<16xi32>
      %add3A_538 = arith.addi %scan3A_308, %select_n3A_537 : vector<16xi32>
      %reduce_sum3A_539 = arith.constant true
      %reduce_sum3A_540 = vector.broadcast %reduce_sum3A_539 : i1 to vector<16xi1>
      %reduce_sum3A_541 = tpu.scan <sum>, %add3A_508 masked %reduce_sum3A_540 : vector<16xi32>, vector<16xi1> -> vector<16xi32>
      %reduce_sum3A_542 = vector.extract %reduce_sum3A_541[15] : i32 from vector<16xi32>
      %add3A_543 = arith.addi %scan3A_305, %reduce_sum3A_542 : i32
      scf.yield %add3A_543, %add3A_530, %add3A_534, %add3A_538 : i32, vector<16xi32>, vector<16xi32>, vector<16xi32>
    }
    %scan3A_254 = arith.constant 16 : i32
    %reduce_sum3A_255 = arith.constant true
    %reduce_sum3A_256 = vector.broadcast %reduce_sum3A_255 : i1 to vector<16xi1>
    %reduce_sum3A_257 = tpu.scan <sum>, %scan3A_253#1 masked %reduce_sum3A_256 : vector<16xi32>, vector<16xi1> -> vector<16xi32>
    %reduce_sum3A_258 = vector.extract %reduce_sum3A_257[15] : i32 from vector<16xi32>
    %reduce_sum3A_259 = arith.constant true
    %reduce_sum3A_260 = vector.broadcast %reduce_sum3A_259 : i1 to vector<16xi1>
    %reduce_sum3A_261 = tpu.scan <sum>, %scan3A_253#2 masked %reduce_sum3A_260 : vector<16xi32>, vector<16xi1> -> vector<16xi32>
    %reduce_sum3A_262 = vector.extract %reduce_sum3A_261[15] : i32 from vector<16xi32>
    %reduce_sum3A_263 = arith.constant true
    %reduce_sum3A_264 = vector.broadcast %reduce_sum3A_263 : i1 to vector<16xi1>
    %reduce_sum3A_265 = tpu.scan <sum>, %scan3A_253#3 masked %reduce_sum3A_264 : vector<16xi32>, vector<16xi1> -> vector<16xi32>
    %reduce_sum3A_266 = vector.extract %reduce_sum3A_265[15] : i32 from vector<16xi32>
    %shift_left3A_267 = arith.constant 8 : i32
    %shift_left3A_268 = arith.shli %or3A, %shift_left3A_267 : i32
    %or3A_269 = arith.ori %shift_left3A_268, %reduce_sum3A_258 : i32
    %add3A_270 = arith.addi %add3A_242, %reduce_sum3A_262 : i32
    %parallel_loop3A_271 = arith.constant 0 : i32
    %parallel_loop3A_272 = arith.constant 512 : i32
    %parallel_loop3A_273 = arith.constant 1 : i32
    scf.for %parallel_loop3A_304 = %parallel_loop3A_271 to %parallel_loop3A_272 step %parallel_loop3A_273  : i32 {
      %parallel_loop3A_305 = arith.constant 16 : i32
      %parallel_loop3A_306 = arith.muli %parallel_loop3A_304, %parallel_loop3A_305 : i32
      %parallel_loop3A_307 = arith.index_cast %parallel_loop3A_306 : i32 to index
      %parallel_loop3A_308 = tpu.vector_load %arg9[%parallel_loop3A_307] {strides = array<i32>} : memref<8192xi32, #tpu.memory_space<vmem>>, vector<16xi32>,
      %parallel_loop3A_309 = arith.constant 8 : i32
      %parallel_loop3A_310 = vector.broadcast %parallel_loop3A_309 : i32 to vector<16xi32>
      %parallel_loop3A_311 = arith.shrui %parallel_loop3A_308, %parallel_loop3A_310 : vector<16xi32>
      %parallel_loop3A_312 = vector.broadcast %or3A_269 : i32 to vector<16xi32>
      %parallel_loop3A_313 = arith.cmpi eq, %parallel_loop3A_311, %parallel_loop3A_312 : vector<16xi32>
      %parallel_loop3A_314 = arith.constant 0 : i32
      %parallel_loop3A_315 = vector.broadcast %parallel_loop3A_314 : i32 to vector<16xi32>
      %parallel_loop3A_316 = arith.shrui %parallel_loop3A_308, %parallel_loop3A_315 : vector<16xi32>
      %parallel_loop3A_317 = arith.constant 255 : i32
      %parallel_loop3A_318 = vector.broadcast %parallel_loop3A_317 : i32 to vector<16xi32>
      %parallel_loop3A_319 = arith.andi %parallel_loop3A_316, %parallel_loop3A_318 : vector<16xi32>
      %parallel_loop3A_320 = arith.addi %mul3A_71, %parallel_loop3A_319 : vector<16xi32>
      tpu.vector_store_idx %arg10[%parallel_loop3A_320], %broadcast_in_dim3A_68 masked %parallel_loop3A_313 {add = true} : memref<4112xi32, #tpu.memory_space<vmem>>[vector<16xi32>], vector<16xi32>, vector<16xi1>
    } {sc.loop_unroll_factor = 8 : i64, sc.parallel_access}
    %sub3A_274 = arith.constant 4915 : i32
    %sub3A_275 = arith.subi %sub3A_274, %add3A_270 : i32
    %scan3A_276 = arith.constant 0 : i32
    %scan3A_277 = arith.constant 0 : i32
    %scan3A_278 = arith.constant 16 : i32
    %scan3A_279 = arith.addi %scan3A_277, %scan3A_278 : i32
    %scan3A_280 = arith.constant 1 : i32
    %scan3A_281:4 = scf.for %scan3A_304 = %scan3A_277 to %scan3A_279 step %scan3A_280 iter_args(%scan3A_305 = %scan3A_276, %scan3A_306 = %broadcast_in_dim3A_66, %scan3A_307 = %broadcast_in_dim3A_66, %scan3A_308 = %broadcast_in_dim3A_66) -> (i32, vector<16xi32>, vector<16xi32>, vector<16xi32>)  : i32 {
      %mul3A_309 = arith.constant 16 : i32
      %mul3A_310 = arith.muli %scan3A_304, %mul3A_309 : i32
      %add3A_311 = arith.constant 0 : i32
      %add3A_312 = arith.addi %add3A_311, %mul3A_310 : i32
      %get3A = arith.index_cast %add3A_312 : i32 to index
      %get3A_313 = tpu.vector_load %arg10[%get3A] {strides = array<i32>} : memref<4112xi32, #tpu.memory_space<vmem>>, vector<16xi32>,
      %add3A_314 = arith.addi %broadcast_in_dim3A_66, %get3A_313 : vector<16xi32>
      %mul3A_315 = arith.constant 16 : i32
      %mul3A_316 = arith.muli %scan3A_304, %mul3A_315 : i32
      %add3A_317 = arith.constant 0 : i32
      %add3A_318 = arith.addi %add3A_317, %mul3A_316 : i32
      %swap3A = arith.index_cast %add3A_318 : i32 to index
      %swap3A_319 = tpu.vector_load %arg10[%swap3A] {strides = array<i32>} : memref<4112xi32, #tpu.memory_space<vmem>>, vector<16xi32>,
      tpu.vector_store %arg10[%swap3A], %broadcast_in_dim3A_66 {strides = array<i32>} : memref<4112xi32, #tpu.memory_space<vmem>>, vector<16xi32>,
      %mul3A_320 = arith.constant 16 : i32
      %mul3A_321 = arith.muli %scan3A_304, %mul3A_320 : i32
      %add3A_322 = arith.constant 257 : i32
      %add3A_323 = arith.addi %add3A_322, %mul3A_321 : i32
      %get3A_324 = arith.index_cast %add3A_323 : i32 to index
      %get3A_325 = tpu.vector_load %arg10[%get3A_324] {strides = array<i32>} : memref<4112xi32, #tpu.memory_space<vmem>>, vector<16xi32>,
      %add3A_326 = arith.addi %add3A_314, %get3A_325 : vector<16xi32>
      %mul3A_327 = arith.constant 16 : i32
      %mul3A_328 = arith.muli %scan3A_304, %mul3A_327 : i32
      %add3A_329 = arith.constant 257 : i32
      %add3A_330 = arith.addi %add3A_329, %mul3A_328 : i32
      %swap3A_331 = arith.index_cast %add3A_330 : i32 to index
      %swap3A_332 = tpu.vector_load %arg10[%swap3A_331] {strides = array<i32>} : memref<4112xi32, #tpu.memory_space<vmem>>, vector<16xi32>,
      tpu.vector_store %arg10[%swap3A_331], %broadcast_in_dim3A_66 {strides = array<i32>} : memref<4112xi32, #tpu.memory_space<vmem>>, vector<16xi32>,
      %mul3A_333 = arith.constant 16 : i32
      %mul3A_334 = arith.muli %scan3A_304, %mul3A_333 : i32
      %add3A_335 = arith.constant 514 : i32
      %add3A_336 = arith.addi %add3A_335, %mul3A_334 : i32
      %get3A_337 = arith.index_cast %add3A_336 : i32 to index
      %get3A_338 = tpu.vector_load %arg10[%get3A_337] {strides = array<i32>} : memref<4112xi32, #tpu.memory_space<vmem>>, vector<16xi32>,
      %add3A_339 = arith.addi %add3A_326, %get3A_338 : vector<16xi32>
      %mul3A_340 = arith.constant 16 : i32
      %mul3A_341 = arith.muli %scan3A_304, %mul3A_340 : i32
      %add3A_342 = arith.constant 514 : i32
      %add3A_343 = arith.addi %add3A_342, %mul3A_341 : i32
      %swap3A_344 = arith.index_cast %add3A_343 : i32 to index
      %swap3A_345 = tpu.vector_load %arg10[%swap3A_344] {strides = array<i32>} : memref<4112xi32, #tpu.memory_space<vmem>>, vector<16xi32>,
      tpu.vector_store %arg10[%swap3A_344], %broadcast_in_dim3A_66 {strides = array<i32>} : memref<4112xi32, #tpu.memory_space<vmem>>, vector<16xi32>,
      %mul3A_346 = arith.constant 16 : i32
      %mul3A_347 = arith.muli %scan3A_304, %mul3A_346 : i32
      %add3A_348 = arith.constant 771 : i32
      %add3A_349 = arith.addi %add3A_348, %mul3A_347 : i32
      %get3A_350 = arith.index_cast %add3A_349 : i32 to index
      %get3A_351 = tpu.vector_load %arg10[%get3A_350] {strides = array<i32>} : memref<4112xi32, #tpu.memory_space<vmem>>, vector<16xi32>,
      %add3A_352 = arith.addi %add3A_339, %get3A_351 : vector<16xi32>
      %mul3A_353 = arith.constant 16 : i32
      %mul3A_354 = arith.muli %scan3A_304, %mul3A_353 : i32
      %add3A_355 = arith.constant 771 : i32
      %add3A_356 = arith.addi %add3A_355, %mul3A_354 : i32
      %swap3A_357 = arith.index_cast %add3A_356 : i32 to index
      %swap3A_358 = tpu.vector_load %arg10[%swap3A_357] {strides = array<i32>} : memref<4112xi32, #tpu.memory_space<vmem>>, vector<16xi32>,
      tpu.vector_store %arg10[%swap3A_357], %broadcast_in_dim3A_66 {strides = array<i32>} : memref<4112xi32, #tpu.memory_space<vmem>>, vector<16xi32>,
      %mul3A_359 = arith.constant 16 : i32
      %mul3A_360 = arith.muli %scan3A_304, %mul3A_359 : i32
      %add3A_361 = arith.constant 1028 : i32
      %add3A_362 = arith.addi %add3A_361, %mul3A_360 : i32
      %get3A_363 = arith.index_cast %add3A_362 : i32 to index
      %get3A_364 = tpu.vector_load %arg10[%get3A_363] {strides = array<i32>} : memref<4112xi32, #tpu.memory_space<vmem>>, vector<16xi32>,
      %add3A_365 = arith.addi %add3A_352, %get3A_364 : vector<16xi32>
      %mul3A_366 = arith.constant 16 : i32
      %mul3A_367 = arith.muli %scan3A_304, %mul3A_366 : i32
      %add3A_368 = arith.constant 1028 : i32
      %add3A_369 = arith.addi %add3A_368, %mul3A_367 : i32
      %swap3A_370 = arith.index_cast %add3A_369 : i32 to index
      %swap3A_371 = tpu.vector_load %arg10[%swap3A_370] {strides = array<i32>} : memref<4112xi32, #tpu.memory_space<vmem>>, vector<16xi32>,
      tpu.vector_store %arg10[%swap3A_370], %broadcast_in_dim3A_66 {strides = array<i32>} : memref<4112xi32, #tpu.memory_space<vmem>>, vector<16xi32>,
      %mul3A_372 = arith.constant 16 : i32
      %mul3A_373 = arith.muli %scan3A_304, %mul3A_372 : i32
      %add3A_374 = arith.constant 1285 : i32
      %add3A_375 = arith.addi %add3A_374, %mul3A_373 : i32
      %get3A_376 = arith.index_cast %add3A_375 : i32 to index
      %get3A_377 = tpu.vector_load %arg10[%get3A_376] {strides = array<i32>} : memref<4112xi32, #tpu.memory_space<vmem>>, vector<16xi32>,
      %add3A_378 = arith.addi %add3A_365, %get3A_377 : vector<16xi32>
      %mul3A_379 = arith.constant 16 : i32
      %mul3A_380 = arith.muli %scan3A_304, %mul3A_379 : i32
      %add3A_381 = arith.constant 1285 : i32
      %add3A_382 = arith.addi %add3A_381, %mul3A_380 : i32
      %swap3A_383 = arith.index_cast %add3A_382 : i32 to index
      %swap3A_384 = tpu.vector_load %arg10[%swap3A_383] {strides = array<i32>} : memref<4112xi32, #tpu.memory_space<vmem>>, vector<16xi32>,
      tpu.vector_store %arg10[%swap3A_383], %broadcast_in_dim3A_66 {strides = array<i32>} : memref<4112xi32, #tpu.memory_space<vmem>>, vector<16xi32>,
      %mul3A_385 = arith.constant 16 : i32
      %mul3A_386 = arith.muli %scan3A_304, %mul3A_385 : i32
      %add3A_387 = arith.constant 1542 : i32
      %add3A_388 = arith.addi %add3A_387, %mul3A_386 : i32
      %get3A_389 = arith.index_cast %add3A_388 : i32 to index
      %get3A_390 = tpu.vector_load %arg10[%get3A_389] {strides = array<i32>} : memref<4112xi32, #tpu.memory_space<vmem>>, vector<16xi32>,
      %add3A_391 = arith.addi %add3A_378, %get3A_390 : vector<16xi32>
      %mul3A_392 = arith.constant 16 : i32
      %mul3A_393 = arith.muli %scan3A_304, %mul3A_392 : i32
      %add3A_394 = arith.constant 1542 : i32
      %add3A_395 = arith.addi %add3A_394, %mul3A_393 : i32
      %swap3A_396 = arith.index_cast %add3A_395 : i32 to index
      %swap3A_397 = tpu.vector_load %arg10[%swap3A_396] {strides = array<i32>} : memref<4112xi32, #tpu.memory_space<vmem>>, vector<16xi32>,
      tpu.vector_store %arg10[%swap3A_396], %broadcast_in_dim3A_66 {strides = array<i32>} : memref<4112xi32, #tpu.memory_space<vmem>>, vector<16xi32>,
      %mul3A_398 = arith.constant 16 : i32
      %mul3A_399 = arith.muli %scan3A_304, %mul3A_398 : i32
      %add3A_400 = arith.constant 1799 : i32
      %add3A_401 = arith.addi %add3A_400, %mul3A_399 : i32
      %get3A_402 = arith.index_cast %add3A_401 : i32 to index
      %get3A_403 = tpu.vector_load %arg10[%get3A_402] {strides = array<i32>} : memref<4112xi32, #tpu.memory_space<vmem>>, vector<16xi32>,
      %add3A_404 = arith.addi %add3A_391, %get3A_403 : vector<16xi32>
      %mul3A_405 = arith.constant 16 : i32
      %mul3A_406 = arith.muli %scan3A_304, %mul3A_405 : i32
      %add3A_407 = arith.constant 1799 : i32
      %add3A_408 = arith.addi %add3A_407, %mul3A_406 : i32
      %swap3A_409 = arith.index_cast %add3A_408 : i32 to index
      %swap3A_410 = tpu.vector_load %arg10[%swap3A_409] {strides = array<i32>} : memref<4112xi32, #tpu.memory_space<vmem>>, vector<16xi32>,
      tpu.vector_store %arg10[%swap3A_409], %broadcast_in_dim3A_66 {strides = array<i32>} : memref<4112xi32, #tpu.memory_space<vmem>>, vector<16xi32>,
      %mul3A_411 = arith.constant 16 : i32
      %mul3A_412 = arith.muli %scan3A_304, %mul3A_411 : i32
      %add3A_413 = arith.constant 2056 : i32
      %add3A_414 = arith.addi %add3A_413, %mul3A_412 : i32
      %get3A_415 = arith.index_cast %add3A_414 : i32 to index
      %get3A_416 = tpu.vector_load %arg10[%get3A_415] {strides = array<i32>} : memref<4112xi32, #tpu.memory_space<vmem>>, vector<16xi32>,
      %add3A_417 = arith.addi %add3A_404, %get3A_416 : vector<16xi32>
      %mul3A_418 = arith.constant 16 : i32
      %mul3A_419 = arith.muli %scan3A_304, %mul3A_418 : i32
      %add3A_420 = arith.constant 2056 : i32
      %add3A_421 = arith.addi %add3A_420, %mul3A_419 : i32
      %swap3A_422 = arith.index_cast %add3A_421 : i32 to index
      %swap3A_423 = tpu.vector_load %arg10[%swap3A_422] {strides = array<i32>} : memref<4112xi32, #tpu.memory_space<vmem>>, vector<16xi32>,
      tpu.vector_store %arg10[%swap3A_422], %broadcast_in_dim3A_66 {strides = array<i32>} : memref<4112xi32, #tpu.memory_space<vmem>>, vector<16xi32>,
      %mul3A_424 = arith.constant 16 : i32
      %mul3A_425 = arith.muli %scan3A_304, %mul3A_424 : i32
      %add3A_426 = arith.constant 2313 : i32
      %add3A_427 = arith.addi %add3A_426, %mul3A_425 : i32
      %get3A_428 = arith.index_cast %add3A_427 : i32 to index
      %get3A_429 = tpu.vector_load %arg10[%get3A_428] {strides = array<i32>} : memref<4112xi32, #tpu.memory_space<vmem>>, vector<16xi32>,
      %add3A_430 = arith.addi %add3A_417, %get3A_429 : vector<16xi32>
      %mul3A_431 = arith.constant 16 : i32
      %mul3A_432 = arith.muli %scan3A_304, %mul3A_431 : i32
      %add3A_433 = arith.constant 2313 : i32
      %add3A_434 = arith.addi %add3A_433, %mul3A_432 : i32
      %swap3A_435 = arith.index_cast %add3A_434 : i32 to index
      %swap3A_436 = tpu.vector_load %arg10[%swap3A_435] {strides = array<i32>} : memref<4112xi32, #tpu.memory_space<vmem>>, vector<16xi32>,
      tpu.vector_store %arg10[%swap3A_435], %broadcast_in_dim3A_66 {strides = array<i32>} : memref<4112xi32, #tpu.memory_space<vmem>>, vector<16xi32>,
      %mul3A_437 = arith.constant 16 : i32
      %mul3A_438 = arith.muli %scan3A_304, %mul3A_437 : i32
      %add3A_439 = arith.constant 2570 : i32
      %add3A_440 = arith.addi %add3A_439, %mul3A_438 : i32
      %get3A_441 = arith.index_cast %add3A_440 : i32 to index
      %get3A_442 = tpu.vector_load %arg10[%get3A_441] {strides = array<i32>} : memref<4112xi32, #tpu.memory_space<vmem>>, vector<16xi32>,
      %add3A_443 = arith.addi %add3A_430, %get3A_442 : vector<16xi32>
      %mul3A_444 = arith.constant 16 : i32
      %mul3A_445 = arith.muli %scan3A_304, %mul3A_444 : i32
      %add3A_446 = arith.constant 2570 : i32
      %add3A_447 = arith.addi %add3A_446, %mul3A_445 : i32
      %swap3A_448 = arith.index_cast %add3A_447 : i32 to index
      %swap3A_449 = tpu.vector_load %arg10[%swap3A_448] {strides = array<i32>} : memref<4112xi32, #tpu.memory_space<vmem>>, vector<16xi32>,
      tpu.vector_store %arg10[%swap3A_448], %broadcast_in_dim3A_66 {strides = array<i32>} : memref<4112xi32, #tpu.memory_space<vmem>>, vector<16xi32>,
      %mul3A_450 = arith.constant 16 : i32
      %mul3A_451 = arith.muli %scan3A_304, %mul3A_450 : i32
      %add3A_452 = arith.constant 2827 : i32
      %add3A_453 = arith.addi %add3A_452, %mul3A_451 : i32
      %get3A_454 = arith.index_cast %add3A_453 : i32 to index
      %get3A_455 = tpu.vector_load %arg10[%get3A_454] {strides = array<i32>} : memref<4112xi32, #tpu.memory_space<vmem>>, vector<16xi32>,
      %add3A_456 = arith.addi %add3A_443, %get3A_455 : vector<16xi32>
      %mul3A_457 = arith.constant 16 : i32
      %mul3A_458 = arith.muli %scan3A_304, %mul3A_457 : i32
      %add3A_459 = arith.constant 2827 : i32
      %add3A_460 = arith.addi %add3A_459, %mul3A_458 : i32
      %swap3A_461 = arith.index_cast %add3A_460 : i32 to index
      %swap3A_462 = tpu.vector_load %arg10[%swap3A_461] {strides = array<i32>} : memref<4112xi32, #tpu.memory_space<vmem>>, vector<16xi32>,
      tpu.vector_store %arg10[%swap3A_461], %broadcast_in_dim3A_66 {strides = array<i32>} : memref<4112xi32, #tpu.memory_space<vmem>>, vector<16xi32>,
      %mul3A_463 = arith.constant 16 : i32
      %mul3A_464 = arith.muli %scan3A_304, %mul3A_463 : i32
      %add3A_465 = arith.constant 3084 : i32
      %add3A_466 = arith.addi %add3A_465, %mul3A_464 : i32
      %get3A_467 = arith.index_cast %add3A_466 : i32 to index
      %get3A_468 = tpu.vector_load %arg10[%get3A_467] {strides = array<i32>} : memref<4112xi32, #tpu.memory_space<vmem>>, vector<16xi32>,
      %add3A_469 = arith.addi %add3A_456, %get3A_468 : vector<16xi32>
      %mul3A_470 = arith.constant 16 : i32
      %mul3A_471 = arith.muli %scan3A_304, %mul3A_470 : i32
      %add3A_472 = arith.constant 3084 : i32
      %add3A_473 = arith.addi %add3A_472, %mul3A_471 : i32
      %swap3A_474 = arith.index_cast %add3A_473 : i32 to index
      %swap3A_475 = tpu.vector_load %arg10[%swap3A_474] {strides = array<i32>} : memref<4112xi32, #tpu.memory_space<vmem>>, vector<16xi32>,
      tpu.vector_store %arg10[%swap3A_474], %broadcast_in_dim3A_66 {strides = array<i32>} : memref<4112xi32, #tpu.memory_space<vmem>>, vector<16xi32>,
      %mul3A_476 = arith.constant 16 : i32
      %mul3A_477 = arith.muli %scan3A_304, %mul3A_476 : i32
      %add3A_478 = arith.constant 3341 : i32
      %add3A_479 = arith.addi %add3A_478, %mul3A_477 : i32
      %get3A_480 = arith.index_cast %add3A_479 : i32 to index
      %get3A_481 = tpu.vector_load %arg10[%get3A_480] {strides = array<i32>} : memref<4112xi32, #tpu.memory_space<vmem>>, vector<16xi32>,
      %add3A_482 = arith.addi %add3A_469, %get3A_481 : vector<16xi32>
      %mul3A_483 = arith.constant 16 : i32
      %mul3A_484 = arith.muli %scan3A_304, %mul3A_483 : i32
      %add3A_485 = arith.constant 3341 : i32
      %add3A_486 = arith.addi %add3A_485, %mul3A_484 : i32
      %swap3A_487 = arith.index_cast %add3A_486 : i32 to index
      %swap3A_488 = tpu.vector_load %arg10[%swap3A_487] {strides = array<i32>} : memref<4112xi32, #tpu.memory_space<vmem>>, vector<16xi32>,
      tpu.vector_store %arg10[%swap3A_487], %broadcast_in_dim3A_66 {strides = array<i32>} : memref<4112xi32, #tpu.memory_space<vmem>>, vector<16xi32>,
      %mul3A_489 = arith.constant 16 : i32
      %mul3A_490 = arith.muli %scan3A_304, %mul3A_489 : i32
      %add3A_491 = arith.constant 3598 : i32
      %add3A_492 = arith.addi %add3A_491, %mul3A_490 : i32
      %get3A_493 = arith.index_cast %add3A_492 : i32 to index
      %get3A_494 = tpu.vector_load %arg10[%get3A_493] {strides = array<i32>} : memref<4112xi32, #tpu.memory_space<vmem>>, vector<16xi32>,
      %add3A_495 = arith.addi %add3A_482, %get3A_494 : vector<16xi32>
      %mul3A_496 = arith.constant 16 : i32
      %mul3A_497 = arith.muli %scan3A_304, %mul3A_496 : i32
      %add3A_498 = arith.constant 3598 : i32
      %add3A_499 = arith.addi %add3A_498, %mul3A_497 : i32
      %swap3A_500 = arith.index_cast %add3A_499 : i32 to index
      %swap3A_501 = tpu.vector_load %arg10[%swap3A_500] {strides = array<i32>} : memref<4112xi32, #tpu.memory_space<vmem>>, vector<16xi32>,
      tpu.vector_store %arg10[%swap3A_500], %broadcast_in_dim3A_66 {strides = array<i32>} : memref<4112xi32, #tpu.memory_space<vmem>>, vector<16xi32>,
      %mul3A_502 = arith.constant 16 : i32
      %mul3A_503 = arith.muli %scan3A_304, %mul3A_502 : i32
      %add3A_504 = arith.constant 3855 : i32
      %add3A_505 = arith.addi %add3A_504, %mul3A_503 : i32
      %get3A_506 = arith.index_cast %add3A_505 : i32 to index
      %get3A_507 = tpu.vector_load %arg10[%get3A_506] {strides = array<i32>} : memref<4112xi32, #tpu.memory_space<vmem>>, vector<16xi32>,
      %add3A_508 = arith.addi %add3A_495, %get3A_507 : vector<16xi32>
      %mul3A_509 = arith.constant 16 : i32
      %mul3A_510 = arith.muli %scan3A_304, %mul3A_509 : i32
      %add3A_511 = arith.constant 3855 : i32
      %add3A_512 = arith.addi %add3A_511, %mul3A_510 : i32
      %swap3A_513 = arith.index_cast %add3A_512 : i32 to index
      %swap3A_514 = tpu.vector_load %arg10[%swap3A_513] {strides = array<i32>} : memref<4112xi32, #tpu.memory_space<vmem>>, vector<16xi32>,
      tpu.vector_store %arg10[%swap3A_513], %broadcast_in_dim3A_66 {strides = array<i32>} : memref<4112xi32, #tpu.memory_space<vmem>>, vector<16xi32>,
      %broadcast_in_dim3A_515 = arith.constant true
      %broadcast_in_dim3A_516 = vector.broadcast %broadcast_in_dim3A_515 : i1 to vector<16xi1>
      %masked_cumsum3A = tpu.scan <sum>, %add3A_508 masked %broadcast_in_dim3A_516 : vector<16xi32>, vector<16xi1> -> vector<16xi32>
      %add3A_517 = vector.broadcast %scan3A_305 : i32 to vector<16xi32>
      %add3A_518 = arith.addi %masked_cumsum3A, %add3A_517 : vector<16xi32>
      %sub3A_519 = arith.subi %add3A_518, %add3A_508 : vector<16xi32>
      %lt3A = vector.broadcast %sub3A_275 : i32 to vector<16xi32>
      %lt3A_520 = arith.cmpi slt, %sub3A_519, %lt3A : vector<16xi32>
      %ge3A = vector.broadcast %sub3A_275 : i32 to vector<16xi32>
      %ge3A_521 = arith.cmpi sge, %add3A_518, %ge3A : vector<16xi32>
      %and3A_522 = arith.andi %lt3A_520, %ge3A_521 : vector<16xi1>
      %mul3A_523 = arith.constant 16 : i32
      %mul3A_524 = arith.muli %scan3A_304, %mul3A_523 : i32
      %add3A_525 = vector.broadcast %mul3A_524 : i32 to vector<16xi32>
      %add3A_526 = arith.addi %add3A_525, %iota3A : vector<16xi32>
      %jit3A_527 = arith.constant 0 : i32
      %broadcast_in_dim3A_528 = vector.broadcast %jit3A_527 : i32 to vector<16xi32>
      %select_n3A_529 = arith.select %and3A_522, %add3A_526, %broadcast_in_dim3A_528 : vector<16xi1>, vector<16xi32>
      %add3A_530 = arith.addi %scan3A_306, %select_n3A_529 : vector<16xi32>
      %jit3A_531 = arith.constant 0 : i32
      %broadcast_in_dim3A_532 = vector.broadcast %jit3A_531 : i32 to vector<16xi32>
      %select_n3A_533 = arith.select %and3A_522, %sub3A_519, %broadcast_in_dim3A_532 : vector<16xi1>, vector<16xi32>
      %add3A_534 = arith.addi %scan3A_307, %select_n3A_533 : vector<16xi32>
      %jit3A_535 = arith.constant 0 : i32
      %broadcast_in_dim3A_536 = vector.broadcast %jit3A_535 : i32 to vector<16xi32>
      %select_n3A_537 = arith.select %and3A_522, %add3A_508, %broadcast_in_dim3A_536 : vector<16xi1>, vector<16xi32>
      %add3A_538 = arith.addi %scan3A_308, %select_n3A_537 : vector<16xi32>
      %reduce_sum3A_539 = arith.constant true
      %reduce_sum3A_540 = vector.broadcast %reduce_sum3A_539 : i1 to vector<16xi1>
      %reduce_sum3A_541 = tpu.scan <sum>, %add3A_508 masked %reduce_sum3A_540 : vector<16xi32>, vector<16xi1> -> vector<16xi32>
      %reduce_sum3A_542 = vector.extract %reduce_sum3A_541[15] : i32 from vector<16xi32>
      %add3A_543 = arith.addi %scan3A_305, %reduce_sum3A_542 : i32
      scf.yield %add3A_543, %add3A_530, %add3A_534, %add3A_538 : i32, vector<16xi32>, vector<16xi32>, vector<16xi32>
    }
    %scan3A_282 = arith.constant 16 : i32
    %reduce_sum3A_283 = arith.constant true
    %reduce_sum3A_284 = vector.broadcast %reduce_sum3A_283 : i1 to vector<16xi1>
    %reduce_sum3A_285 = tpu.scan <sum>, %scan3A_281#1 masked %reduce_sum3A_284 : vector<16xi32>, vector<16xi1> -> vector<16xi32>
    %reduce_sum3A_286 = vector.extract %reduce_sum3A_285[15] : i32 from vector<16xi32>
    %reduce_sum3A_287 = arith.constant true
    %reduce_sum3A_288 = vector.broadcast %reduce_sum3A_287 : i1 to vector<16xi1>
    %reduce_sum3A_289 = tpu.scan <sum>, %scan3A_281#2 masked %reduce_sum3A_288 : vector<16xi32>, vector<16xi1> -> vector<16xi32>
    %reduce_sum3A_290 = vector.extract %reduce_sum3A_289[15] : i32 from vector<16xi32>
    %reduce_sum3A_291 = arith.constant true
    %reduce_sum3A_292 = vector.broadcast %reduce_sum3A_291 : i1 to vector<16xi1>
    %reduce_sum3A_293 = tpu.scan <sum>, %scan3A_281#3 masked %reduce_sum3A_292 : vector<16xi32>, vector<16xi1> -> vector<16xi32>
    %reduce_sum3A_294 = vector.extract %reduce_sum3A_293[15] : i32 from vector<16xi32>
    %shift_left3A_295 = arith.constant 8 : i32
    %shift_left3A_296 = arith.shli %or3A_269, %shift_left3A_295 : i32
    %or3A_297 = arith.ori %shift_left3A_296, %reduce_sum3A_286 : i32
    %add3A_298 = arith.addi %add3A_270, %reduce_sum3A_290 : i32
    %sub3A_299 = arith.constant 4915 : i32
    %sub3A_300 = arith.subi %sub3A_299, %add3A_298 : i32
    %eq3A = arith.cmpi eq, %reduce_sum3A_294, %sub3A_300 : i32
    %convert_element_type3A = arith.extui %eq3A : i1 to i32
    %cond3A = arith.constant 0 : i32
    %cond3A_301 = arith.constant 0 : i32
    %cond3A_302 = arith.cmpi ne, %convert_element_type3A, %cond3A_301 : i32
    %cond3A_303 = scf.if %cond3A_302 -> (i32) {
      %parallel_loop3A_304 = arith.constant 0 : i32
      %parallel_loop3A_305 = arith.constant 512 : i32
      %parallel_loop3A_306 = arith.constant 1 : i32
      scf.for %parallel_loop3A_308 = %parallel_loop3A_304 to %parallel_loop3A_305 step %parallel_loop3A_306  : i32 {
        %parallel_loop3A_309 = arith.constant 16 : i32
        %parallel_loop3A_310 = arith.muli %parallel_loop3A_308, %parallel_loop3A_309 : i32
        %parallel_loop3A_311 = arith.index_cast %parallel_loop3A_310 : i32 to index
        %parallel_loop3A_312 = tpu.vector_load %arg9[%parallel_loop3A_311] {strides = array<i32>} : memref<8192xi32, #tpu.memory_space<vmem>>, vector<16xi32>,
        %parallel_loop3A_313 = vector.broadcast %or3A_297 : i32 to vector<16xi32>
        %parallel_loop3A_314 = arith.cmpi sle, %parallel_loop3A_312, %parallel_loop3A_313 : vector<16xi32>
        %parallel_loop3A_315 = arith.constant 1 : i32
        %parallel_loop3A_316 = arith.constant 0 : i32
        %parallel_loop3A_317 = vector.broadcast %parallel_loop3A_315 : i32 to vector<16xi32>
        %parallel_loop3A_318 = vector.broadcast %parallel_loop3A_316 : i32 to vector<16xi32>
        %parallel_loop3A_319 = arith.select %parallel_loop3A_314, %parallel_loop3A_317, %parallel_loop3A_318 : vector<16xi1>, vector<16xi32>
        %parallel_loop3A_320 = arith.constant 16 : i32
        %parallel_loop3A_321 = arith.muli %parallel_loop3A_308, %parallel_loop3A_320 : i32
        %parallel_loop3A_322 = arith.index_cast %parallel_loop3A_321 : i32 to index
        %parallel_loop3A_323 = tpu.vector_load %arg11[%parallel_loop3A_322] {strides = array<i32>} : memref<8192xi32, #tpu.memory_space<vmem>>, vector<16xi32>,
        tpu.vector_store %arg11[%parallel_loop3A_322], %parallel_loop3A_319 {strides = array<i32>} : memref<8192xi32, #tpu.memory_space<vmem>>, vector<16xi32>,
      } {sc.loop_unroll_factor = 8 : i64, sc.parallel_access}
      %cond3A_307 = arith.constant 0 : i32
      scf.yield %cond3A_307 : i32
    } else {
      %scan3A_304 = arith.constant 0 : i32
      %scan3A_305 = arith.constant 0 : i32
      %scan3A_306 = arith.constant 512 : i32
      %scan3A_307 = arith.addi %scan3A_305, %scan3A_306 : i32
      %scan3A_308 = arith.constant 1 : i32
      %scan3A_309 = scf.for %scan3A_312 = %scan3A_305 to %scan3A_307 step %scan3A_308 iter_args(%scan3A_313 = %scan3A_304) -> (i32)  : i32 {
        %mul3A_314 = arith.constant 16 : i32
        %mul3A_315 = arith.muli %scan3A_312, %mul3A_314 : i32
        %get3A = arith.index_cast %mul3A_315 : i32 to index
        %get3A_316 = tpu.vector_load %arg9[%get3A] {strides = array<i32>} : memref<8192xi32, #tpu.memory_space<vmem>>, vector<16xi32>,
        %lt3A = vector.broadcast %or3A_297 : i32 to vector<16xi32>
        %lt3A_317 = arith.cmpi slt, %get3A_316, %lt3A : vector<16xi32>
        %eq3A_318 = vector.broadcast %or3A_297 : i32 to vector<16xi32>
        %eq3A_319 = arith.cmpi eq, %get3A_316, %eq3A_318 : vector<16xi32>
        %jit3A_320 = arith.constant 1 : i32
        %jit3A_321 = arith.constant 0 : i32
        %broadcast_in_dim3A_322 = vector.broadcast %jit3A_320 : i32 to vector<16xi32>
        %broadcast_in_dim3A_323 = vector.broadcast %jit3A_321 : i32 to vector<16xi32>
        %select_n3A_324 = arith.select %eq3A_319, %broadcast_in_dim3A_322, %broadcast_in_dim3A_323 : vector<16xi1>, vector<16xi32>
        %broadcast_in_dim3A_325 = arith.constant true
        %broadcast_in_dim3A_326 = vector.broadcast %broadcast_in_dim3A_325 : i1 to vector<16xi1>
        %masked_cumsum3A = tpu.scan <sum>, %select_n3A_324 masked %broadcast_in_dim3A_326 : vector<16xi32>, vector<16xi1> -> vector<16xi32>
        %add3A_327 = vector.broadcast %scan3A_313 : i32 to vector<16xi32>
        %add3A_328 = arith.addi %add3A_327, %masked_cumsum3A : vector<16xi32>
        %sub3A_329 = arith.constant 1 : i32
        %sub3A_330 = vector.broadcast %sub3A_329 : i32 to vector<16xi32>
        %sub3A_331 = arith.subi %add3A_328, %sub3A_330 : vector<16xi32>
        %lt3A_332 = vector.broadcast %sub3A_300 : i32 to vector<16xi32>
        %lt3A_333 = arith.cmpi slt, %sub3A_331, %lt3A_332 : vector<16xi32>
        %and3A_334 = arith.andi %eq3A_319, %lt3A_333 : vector<16xi1>
        %or3A_335 = arith.ori %lt3A_317, %and3A_334 : vector<16xi1>
        %jit3A_336 = arith.constant 1 : i32
        %jit3A_337 = arith.constant 0 : i32
        %broadcast_in_dim3A_338 = vector.broadcast %jit3A_336 : i32 to vector<16xi32>
        %broadcast_in_dim3A_339 = vector.broadcast %jit3A_337 : i32 to vector<16xi32>
        %select_n3A_340 = arith.select %or3A_335, %broadcast_in_dim3A_338, %broadcast_in_dim3A_339 : vector<16xi1>, vector<16xi32>
        %mul3A_341 = arith.constant 16 : i32
        %mul3A_342 = arith.muli %scan3A_312, %mul3A_341 : i32
        %swap3A = arith.index_cast %mul3A_342 : i32 to index
        %swap3A_343 = tpu.vector_load %arg11[%swap3A] {strides = array<i32>} : memref<8192xi32, #tpu.memory_space<vmem>>, vector<16xi32>,
        tpu.vector_store %arg11[%swap3A], %select_n3A_340 {strides = array<i32>} : memref<8192xi32, #tpu.memory_space<vmem>>, vector<16xi32>,
        %reduce_sum3A_344 = arith.constant true
        %reduce_sum3A_345 = vector.broadcast %reduce_sum3A_344 : i1 to vector<16xi1>
        %reduce_sum3A_346 = tpu.scan <sum>, %select_n3A_324 masked %reduce_sum3A_345 : vector<16xi32>, vector<16xi1> -> vector<16xi32>
        %reduce_sum3A_347 = vector.extract %reduce_sum3A_346[15] : i32 from vector<16xi32>
        %add3A_348 = arith.addi %scan3A_313, %reduce_sum3A_347 : i32
        scf.yield %add3A_348 : i32
      }
      %scan3A_310 = arith.constant 512 : i32
      %cond3A_311 = arith.constant 0 : i32
      scf.yield %cond3A_311 : i32
    }
    "tpu.region"() ({
      %run_scoped3A = tpu.sem_alloc : memref<!tpu.dma_semaphore, #tpu.memory_space<semaphore_mem>>
      %dma_start3A_304 = arith.constant 0 : i32
      %dma_start3A_305 = tpu.memref_slice %arg4[%add3A, %dma_start3A_304] : memref<32x8192xi32, #tpu.memory_space<hbm>> -> memref<1x8192xi32, #tpu.memory_space<hbm>>
      %dma_start3A_306 = tpu.memref_squeeze %dma_start3A_305 : memref<1x8192xi32, #tpu.memory_space<hbm>> -> memref<8192xi32, #tpu.memory_space<hbm>>
      %dma_start3A_307 = arith.constant 0 : i32
      %dma_start3A_308 = tpu.memref_slice %arg4[%add3A, %dma_start3A_307] : memref<32x8192xi32, #tpu.memory_space<hbm>> -> memref<1x8192xi32, #tpu.memory_space<hbm>>
      %dma_start3A_309 = tpu.memref_squeeze %dma_start3A_308 : memref<1x8192xi32, #tpu.memory_space<hbm>> -> memref<8192xi32, #tpu.memory_space<hbm>>
      tpu.enqueue_dma source(%arg11 : memref<8192xi32, #tpu.memory_space<vmem>>) target(%dma_start3A_309 : memref<8192xi32, #tpu.memory_space<hbm>>) target_semaphore(%run_scoped3A : memref<!tpu.dma_semaphore, #tpu.memory_space<semaphore_mem>>)
      %dma_wait3A_310 = arith.constant 0 : i32
      %dma_wait3A_311 = tpu.memref_slice %arg4[%add3A, %dma_wait3A_310] : memref<32x8192xi32, #tpu.memory_space<hbm>> -> memref<1x8192xi32, #tpu.memory_space<hbm>>
      %dma_wait3A_312 = tpu.memref_squeeze %dma_wait3A_311 : memref<1x8192xi32, #tpu.memory_space<hbm>> -> memref<8192xi32, #tpu.memory_space<hbm>>
      %dma_wait3A_313 = arith.constant 0 : i32
      %dma_wait3A_314 = tpu.memref_slice %arg4[%add3A, %dma_wait3A_313] : memref<32x8192xi32, #tpu.memory_space<hbm>> -> memref<1x8192xi32, #tpu.memory_space<hbm>>
      %dma_wait3A_315 = tpu.memref_squeeze %dma_wait3A_314 : memref<1x8192xi32, #tpu.memory_space<hbm>> -> memref<8192xi32, #tpu.memory_space<hbm>>
      tpu.wait_dma2 semaphore(%run_scoped3A : memref<!tpu.dma_semaphore, #tpu.memory_space<semaphore_mem>>) src(%arg11 : memref<8192xi32, #tpu.memory_space<vmem>>) dst(%dma_wait3A_315 : memref<8192xi32, #tpu.memory_space<hbm>>)
      tpu.yield
    }) : () -> ()
    return
  }
}

</mosaic_0001>

<sc_bundles>
// kernel: kernel.3.cloned.1.call-start
scs
__scs_entry_jumppad:
0x0: {  	(pc) =	sbr.rel $0x88, $3  }
0x1: {  	(tag) =	ssettag $0x0;
	lr =	simm.s32 $0x1  }
0x2: {  	[smem:$0x3F9F] =	sst lr;
	_ =	strace $0xD0000000  }
0x3: {  	_ = 	snop  }
0x4: {  	_ = 	snop  }
0x5: {  	_ = 	snop  }
0x6: {  	_ = 	snop  }
0x7: {  	_ = 	snop  }
__scs_overlays_trampoline_lowered:
0x8: {  	[smem:$0x3FAE] =	sst s0  }
0x9: {  	[smem:$0x3FAF] =	sst s1  }
0xa: {  	[smem:$0x3FB0] =	sst s2  }
0xb: {  	[smem:$0x3FB1] =	sst s3  }
0xc: {  	[smem:$0x3FB2] =	sst s4  }
0xd: {  	[smem:$0x3FB3] =	sst s5  }
0xe: {  	[smem:$0x3FB4] =	sst s6  }
0xf: {  	[smem:$0x3FB5] =	sst s7  }
0x10: {  	[smem:$0x3FB6] =	sst s8  }
0x11: {  	[smem:$0x3FB7] =	sst s9;
	s0 =	simm.s32 @!p0 $0x0  }
0x12: {  	s1 =	sld [smem:$0x3F9D];
	s0 =	simm.s32 @p0 $0x1  }
0x13: {  	[smem:$0x3FB8] =	sst s0;
	s0 =	simm.s32 @!p1 $0x0  }
0x14: {  	s2 =	sld [smem:$0x3F9C];
	s0 =	simm.s32 @p1 $0x1  }
0x15: {  	[smem:$0x3FB9] =	sst s0;
	s0 =	simm.s32 @!p2 $0x0  }
0x16: {  	s3 =	sld [smem:$0x3FDB];
	s0 =	simm.s32 @p2 $0x1  }
0x17: {  	s4 =	simm.s32 $0x1BF5;
	[smem:$0x3FBB] =	sst s0  }
0x18: {  	s0 =	sld [smem:$0x3F9E];
	_ =	swait.ge [sflag:s4], $0x0  }
0x19: {  	s7 =	sld [smem:$0x3F9F]  }
0x1a: {  	s8 =	sadd.s32 $0xFFFFE003, lr  }
0x1b: {  	s9 =	sadd.s32 $0xFFFFFEF7, lr;
	s5 =	simm.s32 $0xFFFFFFFF;
	p2 =	slt.u32 s8, $0xFFFFF086  }
0x1c: {  	p1 =	slt.u32 s9, $0xF7A;
	s5 =	simm.s32 @!p2 $0x0  }
0x1d: {  	s5 =	simm.s32 @p1 $0x1;
	p0 =	seq.s32 s7, s2  }
0x1e: {  	s7 =	smul.u32 @!p0 $0xF7A, s2;
	p2 =	seq.s32 @!p0 s5, $0x0  }
0x1f: {  	s9 =	smul.u32 $0xF7A, s1;
	s8 =	simm.s32 @!p0 $0x1BF5;
	p2 =	por !p2, p0  }
0x20: {  	[sflag:s8] =	ssyncset.s32 @!p0 $0xFFFFF086;
	s6 =	sadd.s32 @!p0 s3, s7;
	s7 =	simm.s32 @!p0 $0x108  }
0x21: {  	s3 =	sadd.s32 s3, s9;
	s6 =	sadd.s32 @!p0 $0x88, s6;
	s7 =	simm.s32 @p2 $0x1082  }
0x22: {  	[simem:s7], [sflag:s8] =	dma.local @!p0 [hbm:s6], $0xF7A  }
0x23: {  	s9 =	sor.u32 $0xD0000000, s2;
	s6 =	simm.s32 $0x108;
	_ =	swait.ge @!p0 [sflag:s8], $0x0  }
0x24: {  	s3 =	sadd.s32 $0x88, s3;
	s6 =	simm.s32 @!p1 $0x1082;
	[sflag:s4] =	ssyncset.s32 $0xFFFFF086  }
0x25: {  	[simem:s6], [sflag:s4] =	dma.local [hbm:s3], $0xF7A  }
0x26: {  	[smem:$0x3F9F] =	sst s1;
	(tag) =	ssettag s2;
	_ =	strace s9  }
0x27: {  	s1 =	sld [smem:$0x3FAF]  }
0x28: {  	s2 =	sld [smem:$0x3FB0]  }
0x29: {  	s4 =	sld [smem:$0x3FB2]  }
0x2a: {  	p0 =	seq.s32 s5, $0x0;
	s5 =	sld [smem:$0x3FB3]  }
0x2b: {  	s6 =	sld [smem:$0x3FB4]  }
0x2c: {  	s7 =	sld [smem:$0x3FB5]  }
0x2d: {  	s3 =	simm.s32 $0x108;
	s8 =	sld [smem:$0x3FB6]  }
0x2e: {  	s3 =	simm.s32 @!p0 $0x1082;
	s9 =	sld [smem:$0x3FB7]  }
0x2f: {  	lr =	sadd.s32 s0, s3;
	s0 =	sld [smem:$0x3FAE]  }
0x30: {  	s3 =	sld [smem:$0x3FB1]  }
0x31: {  	[smem:$0x3FBA] =	sst s10  }
0x32: {  	s10 =	sld [smem:$0x3FB8];
	_ =	sdelay $0x3  }
0x33: {  	p0 =	seq.s32 s10, $0x1;
	s10 =	sld [smem:$0x3FBA];
	_ =	sdelay $0x3  }
0x34: {  	[smem:$0x3FBA] =	sst s10  }
0x35: {  	s10 =	sld [smem:$0x3FB9];
	_ =	sdelay $0x3  }
0x36: {  	p1 =	seq.s32 s10, $0x1;
	s10 =	sld [smem:$0x3FBA];
	_ =	sdelay $0x3  }
0x37: {  	[smem:$0x3FBA] =	sst s10  }
0x38: {  	s10 =	sld [smem:$0x3FBB]  }
0x39: {  	_ = 	snop;
	(pc) =	sbr.ind lr, $3  }
0x3a: {  	_ = 	snop  }
0x3b: {  	_ = 	snop  }
0x3c: {  	p2 =	seq.s32 s10, $0x1;
	s10 =	sld [smem:$0x3FBA]  }
0x3d: {  	_ =	shalt  }
0x3e: {  	_ =	shalt  }
0x3f: {  	_ =	shalt  }
0x40: {  	_ =	shalt  }
0x41: {  	_ =	shalt  }
0x42: {  	_ =	shalt  }
0x43: {  	_ =	shalt  }
0x44: {  	_ =	shalt  }
0x45: {  	_ =	shalt  }
0x46: {  	_ =	shalt  }
0x47: {  	_ =	shalt  }
0x48: {  	_ =	shalt  }
0x49: {  	_ =	shalt  }
0x4a: {  	_ =	shalt  }
0x4b: {  	_ =	shalt  }
0x4c: {  	_ =	shalt  }
0x4d: {  	_ =	shalt  }
0x4e: {  	_ =	shalt  }
0x4f: {  	_ =	shalt  }
0x50: {  	_ =	shalt  }
0x51: {  	_ =	shalt  }
0x52: {  	_ =	shalt  }
0x53: {  	_ =	shalt  }
0x54: {  	_ =	shalt  }
0x55: {  	_ =	shalt  }
0x56: {  	_ =	shalt  }
0x57: {  	_ =	shalt  }
0x58: {  	_ =	shalt  }
0x59: {  	_ =	shalt  }
0x5a: {  	_ =	shalt  }
0x5b: {  	_ =	shalt  }
0x5c: {  	_ =	shalt  }
0x5d: {  	_ =	shalt  }
0x5e: {  	_ =	shalt  }
0x5f: {  	_ =	shalt  }
0x60: {  	_ =	shalt  }
0x61: {  	_ =	shalt  }
0x62: {  	_ =	shalt  }
0x63: {  	_ =	shalt  }
0x64: {  	_ =	shalt  }
0x65: {  	_ =	shalt  }
0x66: {  	_ =	shalt  }
0x67: {  	_ =	shalt  }
0x68: {  	_ =	shalt  }
0x69: {  	_ =	shalt  }
0x6a: {  	_ =	shalt  }
0x6b: {  	_ =	shalt  }
0x6c: {  	_ =	shalt  }
0x6d: {  	_ =	shalt  }
0x6e: {  	_ =	shalt  }
0x6f: {  	_ =	shalt  }
0x70: {  	_ =	shalt  }
0x71: {  	_ =	shalt  }
0x72: {  	_ =	shalt  }
0x73: {  	_ =	shalt  }
0x74: {  	_ =	shalt  }
0x75: {  	_ =	shalt  }
0x76: {  	_ =	shalt  }
0x77: {  	_ =	shalt  }
0x78: {  	_ =	shalt  }
0x79: {  	_ =	shalt  }
0x7a: {  	_ =	shalt  }
0x7b: {  	_ =	shalt  }
0x7c: {  	_ =	shalt  }
0x7d: {  	_ =	shalt  }
0x7e: {  	_ =	shalt  }
0x7f: {  	_ =	shalt  }
0x80: {  	_ =	shalt  }
0x81: {  	_ =	shalt  }
0x82: {  	_ =	shalt  }
0x83: {  	_ =	shalt  }
0x84: {  	_ =	shalt  }
0x85: {  	_ =	shalt  }
0x86: {  	_ =	shalt  }
0x87: {  	_ =	shalt  }
.Lfunc_end0:
.L_simem_size_0:
called_computation_lowered:
.L_overlay_start_0:
0x88: {  	s2 =	sld [smem:$0x3FD9]  }
0x89: {  	s3 =	sld [smem:$0x3FFE];
	_ =	sdelay $0x1  }
0x8a: {  	s1 =	srdreg.scid  }
0x8b: {  	s0 =	sand.u32 $0x1, s1  }
0x8c: {  	s17 =	sshll.u32 s0, $0xA;
	s2 =	sadd.s32 s3, s2  }
0x8d: {  	s2 =	sadd.s32 s2, s17  }
0x8e: {  	[smem:$0x3FC6] =	sst s2  }
0x8f: {  	_ = 	snop  }
0x90: {  	s2 =	sld [smem:$0x3FC9]  }
0x91: {  	s18 =	sld [smem:$0x3FC8];
	(tm) =	ssettm $0x1  }
0x92: {  	s4 =	sld [smem:$0x3FFB];
	_ =	sdelay $0x3  }
0x93: {  	_ =	strace s4  }
0x94: {  	s4 =	sld [smem:$0x3FFC];
	_ =	sdelay $0x3  }
0x95: {  	_ =	strace s4  }
0x96: {  	s4 =	sld [smem:$0x3FFD];
	_ =	sdelay $0x3  }
0x97: {  	_ =	strace s4  }
0x98: {  	_ =	strace $0x8FFFFFFF  }
0x99: {  	s19 =	sld [smem:$0x3FDB];
	_ =	sdelay $0x1  }
0x9a: {  	s5 =	simm.s32 $_scs_section_size  }
0x9b: {  	s6 =	simm.s32 $_size__tile_overlayer_lowered;
	s7 =	simm.s32 $_tile_overlayer_lowered  }
0x9c: {  	s22 =	simm.s32 $0x1BFF;
	s21 =	sshll.u32 s7, $0x1;
	s4 =	sadd.s32 s5, s19  }
0x9d: {  	s8 =	simm.s32 $0x0;
	s20 =	sshll.u32 s6, $0x1;
	s6 =	sadd.s32 s21, s4  }
0x9e: {  	[timem:s8], [sflag:s22] =	dma.local [hbm:s6], s20  }
0x9f: {  	_ =	swait.ge [sflag:s22], s20  }
0xa0: {  	s5 =	ssub.s32 $0x0, s20;
	[sflag:s22] =	ssyncset.done $0x0  }
0xa1: {  	[sflag:s22] =	ssyncadd.s32 s5;
	_ =	sdelay $0x1  }
0xa2: {  	s23 =	simm.s32 $0x1B8B  }
0xa3: {  	_ =	swait.ge [sflag:s23], $0x1  }
0xa4: {  	[sflag:s23] =	ssyncset.done $0x0  }
0xa5: {  	s25 =	simm.s32 $0x1B8E;
	s24 =	sld [smem:$0x3FFE];
	[sflag:s23] =	ssyncadd.s32 $0xFFFFFFFF  }
0xa6: {  	s26 =	simm.s32 $execute0_lowered;
	[smem:$0x3FD2] =	sst s25  }
0xa7: {  	s6 =	sshll.u32 s26, $0x1;
	_ =	strace $0x80000046;
	[dreg:$0x1] =	wrdreg $0xFFFFFFFF  }
0xa8: {  	s28 =	simm.s32 $_size_execute0_lowered;
	s4 =	sadd.s32 s4, s6;
	[dreg:$0x0] =	wrdreg $0x0  }
0xa9: {  	s6 =	sshll.u32 s28, $0x1;
	[dreg:$0x2] =	wrdreg s4  }
0xaa: {  	[dreg:$0x3] =	wrdreg s6  }
0xab: {  	[dreg:$0x4] =	wrdreg $0xC0  }
0xac: {  	_ =	task [dreg:s8], $0x5FFFF  }
0xad: {  	[dreg:$0x1] =	wrdreg $0xFFFFFFFF  }
0xae: {  	[dreg:$0x0] =	wrdreg $0x60  }
0xaf: {  	[dreg:$0x2] =	wrdreg s2  }
0xb0: {  	[dreg:$0x3] =	wrdreg s18  }
0xb1: {  	[dreg:$0x4] =	wrdreg s24  }
0xb2: {  	[dreg:$0x5] =	wrdreg $0x9  }
0xb3: {  	_ =	task.clear_ibuf [dreg:s8], $0x6FFFF;
	_ =	strace $0x90000046  }
0xb4: {  	s29 =	simm.s32 $0x9;
	_ =	strace $0x80000048  }
0xb5: {  	_ =	swait.ge [sflag:s29], $0x1  }
0xb6: {  	[sflag:s29] =	ssyncadd.s32 $0xFFFFFFFF  }
0xb7: {  	_ =	strace $0x90000048  }
0xb8: {  	_ =	sfence  }
0xb9: {  	s30 =	sld [smem:$0x0];
	_ =	sdelay $0x2  }
0xba: {  	s31 =	sshll.u32 s1, $0xD;
	s1 =	sshrl.u32 s1, $0x2  }
0xbb: {  	s3 =	sand.u32 $0x4000, s31;
	s1 =	sadd.s32 s1, s30  }
0xbc: {  	s0 =	sor.u32 s3, s0;
	s1 =	sshll.u32 s1, $0x11  }
0xbd: {  	s0 =	sor.u32 s1, s0  }
0xbe: {  	s0 =	sadd.s32 $0x8F2B, s0  }
0xbf: {  	[sflag:s0] =	ssyncadd.remote.s32 $0x1  }
0xc0: {  	_ =	sfence.sel $0xFFFF  }
0xc1: {  	[dreg:$0x0] =	wrdreg $0xFFFFFFFF;
	(pc) =	sbr.abs _section_cstart, $3  }
0xc2: {  	[dreg:$0x1] =	wrdreg $0xFFFFFFFF  }
0xc3: {  	_ =	task.clear_ibuf [dreg:s8], $0x2FFFF;
	_ =	strace $0x9FFFFFFF  }
0xc4: {  	(tm) =	ssettm $0x7FFFFFFF  }
0xc5: {  	_ =	shalt  }
tec
execute0_lowered:
.L_overlay_start_1:
0x0: {  	(tag) =	ssettag $0x1  }
0x1: {  	s0 =	srdreg.scid;
	s1 =	rddreg [dreg:$0x0]  }
0x2: {  	s4 =	stileid.u32;
	s3 =	rddreg [dreg:$0x2]  }
0x3: {  	s16 =	simm.s32 $0x80;
	s17 =	simm.s32 $0x400;
	s24 =	simm.s32 $0x4  }
0x4: {  	s25 =	simm.s32 $0x1;
	s21 =	simm.s32 $0xB100;
	s22 =	simm.s32 $0xB180  }
0x5: {  	s23 =	simm.s32 $0xB200;
	s30 =	simm.s32 $0x3;
	s31 =	simm.s32 $0x8080  }
0x6: {  	s0 =	sand.u32 $0x1, s0;
	s2 =	sshll.u32 s4, $0x1;
	s5 =	sshll.u32 s4, $0xE  }
0x7: {  	s4 =	simm.s32 $0x0;
	s2 =	sor.u32 s0, s2;
	s0 =	ssub.s32 $0x2, s0  }
0x8: {  	[smem:$0x7FF] =	sst s4;
	s6 =	sshll.u32 s2, $0x7;
	s7 =	sshrl.u32 s0, $0x1  }
0x9: {  	_ =	strace $0x80000047;
	s5 =	sor.u32 s5, s6;
	s0 =	ssub.s32 s0, s7  }
0xa: {  	v0 =	vmov s2;
	s2 =	simm.s32 $0x2;
	s5 =	sand.u32 $0x30380, s5;
	s15 =	smax.u32 s0, $0x1  }
.Ltmp0:
0xb: {  	s8 =	sshrl.u32 s5, $0x3;
	s6 =	sor.u32 $0x40000, s5;
	(pc) =	sbr.rel .LBB2_1-.Ltmp0, $4  }
0xc: {  	s7 =	sor.u32 $0x80000, s5;
	s3 =	sadd.s32 s8, s3;
	s9 =	sshrl.u32 s6, $0x3  }
0xd: {  	v1 =	vlaneseq.u32;
	s8 =	sadd.s32 s1, s8;
	s10 =	sshrl.u32 s7, $0x3;
	s9 =	sadd.s32 s1, s9  }
0xe: {  	v3 =	vmul.u32 $0x101, v1;
	s10 =	sadd.s32 s1, s10;
	s11 =	sadd.s32 $0x1000, s8;
	s12 =	sadd.s32 $0x9000, s8  }
0xf: {  	v2 =	vimm.s32 $0x0;
	v4 =	vimm.s32 $0x1;
	s13 =	sadd.s32 $0x11000, s8;
	s14 =	sadd.s32 $0x400, s3;
	s3 =	simm.s32 $0x0  }
.LBB2_27:
0x10: {  	v13, _, _ =	vpop (xrf0)  }
0x11: {  	(v2sf) =	vpush v13, $0xF;
	_ =	sdelay $0x1  }
0x12: {  	vm8 =	veq.s32 v11, v5  }
0x13: {  	vm9 =	vlt.s32 v11, v5;
	v5 =	vadd.s32 v9, v12;
	v58 =	vsel vm8, $0x1, v2  }
0x14: {  	s26 =	spop (v2sf);
	vm0 =	vmmov vm0;
	vm1 =	vmmov vm1;
	vm6 =	vmmov vm6;
	(xrf0) =	vadd.scan.msk.s32 $0xffff, v58  }
0x15: {  	vm2 =	vmmov vm2;
	vm3 =	vmmov vm3;
	vm4 =	vmmov vm4;
	s23 =	sadd.s32 s23, s26  }
0x16: {  	vm10 =	vlt.s32 v5, v6;
	vm2 =	vmmov vm2;
	v5 =	vmov s23  }
0x17: {  	vm0 =	vmmov vm0;
	vm1 =	vmmov vm1;
	v5 =	vadd.s32 $0xFFFFFFFF, v5  }
0x18: {  	vm13 =	vmmov vm6;
	vm14 =	vmmov vm9;
	v5 =	vbroadcast v5, $0x0  }
0x19: {  	vm3 =	vmmov vm3;
	vm4 =	vmmov vm4;
	vm8 =	vmmov vm8  }
0x1a: {  	vm5 =	vmand vm5, vm10;
	vm3 =	vmmov vm3;
	v5 =	vadd.s32 v7, v5;
	v7, _, _ =	vpop (xrf0)  }
0x1b: {  	s28 =	spop (v2sf);
	vm12 =	vmmov vm1;
	vm13 =	vmmov vm13;
	(v2sf) =	vpush v7, $0xF  }
0x1c: {  	s23 =	sadd.s32 s23, s28;
	vm14 =	vmmov vm14;
	vm4 =	vmmov vm4;
	vm5 =	vmor vm7, vm5  }
0x1d: {  	vm4 =	vmmov vm4;
	vm15 =	vlt.s32 v5, v6;
	v5 =	vmov s23  }
0x1e: {  	vm10 =	vmmov vm13;
	vm11 =	vmmov vm14;
	v5 =	vadd.s32 $0xFFFFFFFF, v5;
	s29 =	spop (v2sf)  }
0x1f: {  	v59 =	vsel vm5, $0x1, v2;
	vm1 =	vmmov vm11;
	v5 =	vbroadcast v5, $0x0;
	s23 =	sadd.s32 s23, s29;
	s28 =	spop (v2sf)  }
0x20: {  	vm2 =	vmand vm2, vm15;
	vm15 =	vmmov vm8;
	v61 =	vmov s23;
	s23 =	sadd.s32 s23, s28  }
0x21: {  	v5 =	vadd.s32 v8, v5;
	v8 =	vadd.s32 $0xFFFFFFFF, v61;
	v62 =	vmov s23  }
0x22: {  	vm9 =	vlt.s32 v5, v6;
	v5 =	vbroadcast v8, $0x0;
	v8 =	vadd.s32 $0xFFFFFFFF, v62  }
0x23: {  	vm0 =	vmor vm0, vm2;
	vm3 =	vmand vm3, vm9;
	v8 =	vbroadcast v8, $0x0  }
0x24: {  	v60 =	vsel vm0, $0x1, v2;
	vm0 =	vmor vm12, vm3;
	v5 =	vadd.s32 v13, v5  }
0x25: {  	[tilespmem:s19+$0x9100] =	vst v10;
	vm12 =	vmmov vm15;
	vm13 =	vlt.s32 v5, v6;
	v5 =	vadd.s32 v7, v8  }
0x26: {  	[tilespmem:s18+$0x9100] =	vst v59;
	vm2 =	vmmov vm12;
	vm3 =	vmand vm4, vm13;
	vm14 =	vlt.s32 v5, v6  }
0x27: {  	[tilespmem:s0+$0x9100] =	vst v60;
	v63 =	vsel vm0, $0x1, v2;
	vm0 =	vmor vm10, vm3;
	vm2 =	vmand vm2, vm14  }
0x28: {  	[tilespmem:s20+$0x9100] =	vst v63;
	v5 =	vsel vm0, $0x1, v2;
	vm15 =	vmor vm1, vm2  }
0x29: {  	s23 =	simm.s32 $0xB200;
	[tilespmem:s21+$0x9100] =	vst v5;
	v5 =	vsel vm15, $0x1, v2  }
0x2a: {  	s29 =	spop (v2sf);
	s21 =	simm.s32 $0xB100;
	[tilespmem:s22+$0x9100] =	vst v5;
	s22 =	simm.s32 $0xB180  }
.LBB2_28:
0x2b: {  	s3 =	sadd.s32 $0x1, s3  }
0x2c: {  	p0 =	sne.s32 s3, s15  }
.Ltmp1:
0x2d: {  	s0 =	simm.s32 $0x9100;
	(pc) =	sbr.rel @!p0 .LBB2_29-.Ltmp1, $4  }
0x2e: {  	[hbm4b:s14+s16] =	stream.strided.scatter [tilespmem:s0], [sflag:$0x4], $0x2000, s17, s16, $0x38;
	[tilespmem:$0xB280] =	vst v63  }
0x2f: {  	_ =	swait.ge [sflag:s24], $0x2000  }
0x30: {  	[sflag:s24] =	ssyncset.done $0x0  }
0x31: {  	[sflag:s24] =	ssyncadd.s32 $0xFFFFE000  }
.LBB2_1:
0x32: {  	[tilespmem:s4], [sflag:$0x1] =	stream.strided.gather [hbm4b:s8+s16], $0x1000, s17, s16, $0x38;
	[tilespmem:$0xB280] =	vst v63  }
0x33: {  	s0 =	simm.s32 $0x2000  }
0x34: {  	[tilespmem:s0], [sflag:$0x1] =	stream.strided.gather [hbm4b:s9+s16], $0x1000, s17, s16, $0x38;
	[tilespmem:$0xB280] =	vst v63  }
0x35: {  	s18 =	simm.s32 $0x4000  }
0x36: {  	[tilespmem:s18], [sflag:$0x1] =	stream.strided.gather [hbm4b:s10+s16], $0x1000, s17, s16, $0x38;
	[tilespmem:$0xB280] =	vst v63  }
0x37: {  	s19 =	simm.s32 $0x1000  }
0x38: {  	[tilespmem:s19], [sflag:$0x2] =	stream.strided.gather [hbm4b:s11+s16], $0x1000, s17, s16, $0x38;
	[tilespmem:$0xB280] =	vst v63  }
0x39: {  	s20 =	simm.s32 $0x3000  }
0x3a: {  	[tilespmem:s20], [sflag:$0x2] =	stream.strided.gather [hbm4b:s12+s16], $0x1000, s17, s16, $0x38;
	[tilespmem:$0xB280] =	vst v63  }
0x3b: {  	s26 =	simm.s32 $0x5000  }
0x3c: {  	[tilespmem:s26], [sflag:$0x2] =	stream.strided.gather [hbm4b:s13+s16], $0x1000, s17, s16, $0x38;
	[tilespmem:$0xB280] =	vst v63  }
0x3d: {  	s28 =	rddreg [dreg:$0x1];
	s18 =	simm.s32 $0x6000  }
0x3e: {  	[tilespmem:s18], [sflag:$0x4] =	stream.linear.gather [hbm4b:s28+s4], $0x80, $0x38;
	[tilespmem:$0xB280] =	vst v63  }
0x3f: {  	_ =	swait.ge [sflag:s24], $0x80  }
0x40: {  	[sflag:s24] =	ssyncset.done $0x0  }
0x41: {  	[sflag:s24] =	ssyncadd.s32 $0xFFFFFF80  }
0x42: {  	v5 =	vld.idx.msk [tilespmem:v0+s18+$0x0], $0xffff;
	_ =	sdelay $0x4  }
0x43: {  	(v2sf) =	vpush v5, $0x0;
	_ =	sdelay $0xe  }
0x44: {  	s29 =	spop (v2sf)  }
0x45: {  	s20 =	sand.u32 $0xF, s29  }
0x46: {  	s19 =	sshra.s32 s29, $0x1F;
	p0 =	slt.s32 s29, $0x1;
	p1 =	sne.s32 s20, $0x0  }
0x47: {  	s26 =	sshrl.u32 s19, $0x1C;
	p0 =	por !p0, !p1  }
0x48: {  	s18 =	simm.s32 $0x1;
	s0 =	sadd.s32 s26, s29;
	p0 =	por !p0, !p0  }
0x49: {  	s0 =	sshra.s32 s0, $0x4;
	s18 =	simm.s32 @!p0 $0x0  }
0x4a: {  	s0 =	ssub.s32 s0, s18  }
0x4b: {  	s18 =	sshll.u32 s0, $0x7  }
0x4c: {  	s0 =	sshll.u32 s0, $0x4;
	s18 =	sand.u32 $0xFFFFFC00, s18  }
0x4d: {  	s28 =	sand.u32 $0x70, s0;
	s20 =	sadd.s32 s5, s18  }
0x4e: {  	s20 =	sor.u32 s28, s20  }
0x4f: {  	s20 =	sshrl.u32 s20, $0x3  }
0x50: {  	s29 =	sadd.s32 s6, s18;
	s20 =	sadd.s32 s1, s20  }
0x51: {  	[tilespmem:s21], [sflag:$0x3] =	stream.linear.gather [hbm4b:s20+s4], $0x10, $0x38;
	[tilespmem:$0xB280] =	vst v63  }
0x52: {  	s18 =	sadd.s32 s7, s18;
	s20 =	sor.u32 s28, s29  }
0x53: {  	s18 =	sor.u32 s28, s18;
	s20 =	sshrl.u32 s20, $0x3  }
0x54: {  	s18 =	sshrl.u32 s18, $0x3;
	s20 =	sadd.s32 s1, s20  }
0x55: {  	[tilespmem:s22], [sflag:$0x3] =	stream.linear.gather [hbm4b:s20+s4], $0x10, $0x38;
	[tilespmem:$0xB280] =	vst v63  }
0x56: {  	s18 =	sadd.s32 s1, s18  }
0x57: {  	[tilespmem:s23], [sflag:$0x3] =	stream.linear.gather [hbm4b:s18+s4], $0x10, $0x38;
	[tilespmem:$0xB280] =	vst v63  }
0x58: {  	s18 =	simm.s32 $0x80C0  }
0x59: {  	[tilespmem:s18+$0xFFFFFFC0] =	vst v2  }
0x5a: {  	[tilespmem:s18+$0x30] =	vst v2  }
0x5b: {  	[tilespmem:s18+$0x20] =	vst v2  }
0x5c: {  	[tilespmem:s18+$0x10] =	vst v2  }
0x5d: {  	[tilespmem:s18+$0x0] =	vst v2  }
0x5e: {  	[tilespmem:s18+$0xFFFFFFF0] =	vst v2  }
0x5f: {  	s19 =	simm.s32 $0x0;
	[tilespmem:s18+$0xFFFFFFE0] =	vst v2  }
.LBB2_2:
0x60: {  	s19 =	sadd.s32 $0x8, s19;
	[tilespmem:s18+$0xFFFFFFD0] =	vst v2;
	s18 =	sadd.s32 $0x80, s18  }
0x61: {  	[tilespmem:s18+$0xFFFFFFC0] =	vst v2;
	p0 =	slt.u32 s19, $0xF8  }
0x62: {  	[tilespmem:s18+$0x30] =	vst v2  }
.Ltmp2:
0x63: {  	[tilespmem:s18+$0x20] =	vst v2;
	(pc) =	sbr.rel @p0 .LBB2_2-.Ltmp2, $4  }
0x64: {  	[tilespmem:s18+$0x10] =	vst v2  }
0x65: {  	[tilespmem:s18+$0x0] =	vst v2  }
0x66: {  	[tilespmem:s18+$0xFFFFFFF0] =	vst v2  }
0x67: {  	[tilespmem:s18+$0xFFFFFFE0] =	vst v2  }
0x68: {  	[tilespmem:s18+$0xFFFFFFD0] =	vst v2  }
0x69: {  	[tilespmem:$0x9080] =	vst v2  }
0x6a: {  	_ =	swait.ge [sflag:s30], $0x10  }
0x6b: {  	[sflag:s30] =	ssyncset.done $0x0  }
0x6c: {  	[sflag:s30] =	ssyncadd.s32 $0xFFFFFFF0  }
0x6d: {  	v6 =	vmov s0;
	_ =	swait.ge [sflag:s30], $0x10  }
0x6e: {  	v5 =	vsub.s32 v5, v6;
	[sflag:s30] =	ssyncset.done $0x0  }
0x6f: {  	[sflag:s30] =	ssyncadd.s32 $0xFFFFFFF0  }
0x70: {  	_ =	swait.ge [sflag:s30], $0x10  }
0x71: {  	[sflag:s30] =	ssyncset.done $0x0  }
0x72: {  	[sflag:s30] =	ssyncadd.s32 $0xFFFFFFF0  }
0x73: {  	v7 =	vld.idx.msk [tilespmem:v5+s21+$0x0], $0xffff  }
0x74: {  	v6 =	vld.idx.msk [tilespmem:v5+s22+$0x0], $0xffff  }
0x75: {  	v5 =	vld.idx.msk [tilespmem:v5+s23+$0x0], $0xffff;
	_ =	swait.ge [sflag:s25], $0x1000  }
0x76: {  	[sflag:s25] =	ssyncset.done $0x0  }
0x77: {  	[sflag:s25] =	ssyncadd.s32 $0xFFFFF000  }
0x78: {  	_ =	swait.ge [sflag:s25], $0x1000  }
0x79: {  	[sflag:s25] =	ssyncset.done $0x0  }
0x7a: {  	[sflag:s25] =	ssyncadd.s32 $0xFFFFF000  }
0x7b: {  	_ =	swait.ge [sflag:s25], $0x1000  }
0x7c: {  	[sflag:s25] =	ssyncset.done $0x0  }
0x7d: {  	s20 =	simm.s32 $0x4040;
	[sflag:s25] =	ssyncadd.s32 $0xFFFFF000  }
0x7e: {  	s19 =	simm.s32 $0x2040;
	v8 =	vld [tilespmem:s20+$0xFFFFFFC0]  }
0x7f: {  	s29 =	simm.s32 $0x40;
	v9 =	vld [tilespmem:s19+$0xFFFFFFC0]  }
0x80: {  	v10 =	vld [tilespmem:s29+$0xFFFFFFD0]  }
0x81: {  	v11 =	vld [tilespmem:s19+$0xFFFFFFE0]  }
0x82: {  	v12 =	vld [tilespmem:s20+$0xFFFFFFD0]  }
0x83: {  	v13 =	vld [tilespmem:s19+$0xFFFFFFD0]  }
0x84: {  	v14 =	vld [tilespmem:s29+$0xFFFFFFE0]  }
0x85: {  	v15 =	vld [tilespmem:s29+$0x10]  }
0x86: {  	v16 =	vld [tilespmem:s20+$0x10]  }
0x87: {  	v17 =	vld [tilespmem:s19+$0x10]  }
0x88: {  	v18 =	vld [tilespmem:s29+$0xFFFFFFF0];
	v12 =	vsub.f32 v12, v5;
	v8 =	vsub.f32 v8, v5  }
0x89: {  	v22 =	vld [tilespmem:s19+$0x0];
	v11 =	vsub.f32 v11, v6;
	v13 =	vsub.f32 v13, v6  }
0x8a: {  	v14 =	vsub.f32 v14, v7;
	v10 =	vsub.f32 v10, v7  }
0x8b: {  	v19 =	vld [tilespmem:s19+$0xFFFFFFF0];
	v9 =	vsub.f32 v9, v6;
	v16 =	vsub.f32 v16, v5  }
0x8c: {  	v20 =	vld [tilespmem:s20+$0xFFFFFFE0];
	v15 =	vsub.f32 v15, v7;
	v17 =	vsub.f32 v17, v6  }
0x8d: {  	v18 =	vsub.f32 v18, v7;
	v13 =	vmul.f32 v13, v13;
	v10 =	vmul.f32 v10, v10  }
0x8e: {  	v21 =	vld [tilespmem:s20+$0xFFFFFFF0];
	v22 =	vsub.f32 v22, v6;
	v11 =	vmul.f32 v11, v11;
	v14 =	vmul.f32 v14, v14  }
0x8f: {  	v12 =	vmul.f32 v12, v12;
	v9 =	vmul.f32 v9, v9;
	v10 =	vadd.f32 v13, v10  }
0x90: {  	v8 =	vmul.f32 v8, v8;
	v23 =	vadd.f32 v11, v14;
	v11 =	vsub.f32 v19, v6;
	v19 =	vld [tilespmem:s29+$0x0]  }
0x91: {  	v15 =	vmul.f32 v15, v15;
	v13 =	vmul.f32 v17, v17;
	v14 =	vsub.f32 v20, v5;
	v20 =	vld [tilespmem:s20+$0x30]  }
0x92: {  	v17 =	vmul.f32 v18, v18;
	v10 =	vadd.f32 v12, v10;
	v12 =	vmul.f32 v11, v11;
	v11 =	vld [tilespmem:s20+$0x0]  }
0x93: {  	v18 =	vsub.f32 v21, v5;
	v21 =	vmul.f32 v14, v14;
	v15 =	vadd.f32 v13, v15;
	v13 =	vld [tilespmem:s19+$0x20]  }
0x94: {  	v24 =	vmul.f32 v16, v16;
	v22 =	vmul.f32 v22, v22;
	v14 =	vld [tilespmem:s29+$0x20];
	v12 =	vadd.f32 v12, v17  }
0x95: {  	s18 =	simm.s32 $0x60C0;
	v18 =	vmul.f32 v18, v18;
	v21 =	vadd.f32 v21, v23;
	v17 =	vld [tilespmem:s20+$0x20];
	v23 =	vsub.f32 v19, v7  }
0x96: {  	v16 =	vshrl.u32 v10, $0x18;
	[tilespmem:s18+$0xFFFFFFD0] =	vst v10;
	v10 =	vadd.f32 v24, v15;
	v19 =	vld [tilespmem:s19+$0x30];
	v63 =	vsub.f32 v20, v5  }
0x97: {  	s0 =	simm.s32 $0x60C0;
	s21 =	simm.s32 $0x20C0;
	[tilespmem:s18+$0xFFFFFFE0] =	vst v21;
	v25 =	vshrl.u32 v21, $0x18;
	v15 =	vadd.f32 v18, v12;
	v21 =	vld [tilespmem:s29+$0x30];
	v23 =	vmul.f32 v23, v23  }
0x98: {  	s22 =	simm.s32 $0x40C0;
	s20 =	simm.s32 $0xC0;
	s19 =	simm.s32 $0x0;
	v20 =	vld [tilespmem:s29+$0xFFFFFFC0];
	[tilespmem:s18+$0x10] =	vst v10;
	v10 =	vshrl.u32 v10, $0x18;
	v18 =	vadd.s32 v3, v25;
	v12 =	vmul.f32 v63, v63  }
.LBB2_4:
0x99: {  	v24 =	vld [tilespmem:s22+$0xFFFFFFC0];
	s19 =	sadd.s32 $0x8, s19;
	v16 =	vadd.s32 v3, v16;
	v22 =	vadd.f32 v22, v23;
	v13 =	vsub.f32 v13, v6;
	s18 =	sadd.s32 $0x80, s18  }
0x9a: {  	v25 =	vshrl.u32 v15, $0x18;
	v14 =	vsub.f32 v14, v7;
	v23 =	vld [tilespmem:s21+$0xFFFFFFC0];
	p0 =	slt.u32 s19, $0xF8;
	v17 =	vsub.f32 v17, v5  }
0x9b: {  	v25 =	vadd.s32 v3, v25;
	v26 =	vld [tilespmem:s20+$0xFFFFFFD0];
	v13 =	vmul.f32 v13, v13;
	v19 =	vsub.f32 v19, v6  }
0x9c: {  	v11 =	vsub.f32 v11, v5;
	v27 =	vld [tilespmem:s21+$0xFFFFFFF0];
	[tilespmem:s0+$0xFFFFFFF0] =	vst v15;
	v15 =	vsub.f32 v21, v7  }
0x9d: {  	v14 =	vmul.f32 v14, v14;
	[tilespmem:v18+s31+$0x0] =	vst.idx.add.s32.msk $0xffff, v4;
	v18 =	vmul.f32 v19, v19  }
0x9e: {  	v11 =	vmul.f32 v11, v11;
	v20 =	vsub.f32 v20, v7;
	v19 =	vld [tilespmem:s21+$0xFFFFFFE0];
	v15 =	vmul.f32 v15, v15  }
0x9f: {  	v13 =	vadd.f32 v13, v14;
	v14 =	vmul.f32 v17, v17;
	[tilespmem:v16+s31+$0x0] =	vst.idx.add.s32.msk $0xffff, v4  }
0xa0: {  	v11 =	vadd.f32 v11, v22;
	v17 =	vmul.f32 v20, v20;
	v16 =	vld [tilespmem:s22+$0xFFFFFFD0];
	v15 =	vadd.f32 v18, v15  }
0xa1: {  	v13 =	vadd.f32 v14, v13;
	[tilespmem:v25+s31+$0x0] =	vst.idx.add.s32.msk $0xffff, v4  }
0xa2: {  	v9 =	vadd.f32 v9, v17;
	v14 =	vld [tilespmem:s20+$0x10];
	[tilespmem:s0+$0x0] =	vst v11;
	v11 =	vshrl.u32 v11, $0x18;
	v12 =	vadd.f32 v12, v15  }
0xa3: {  	v15 =	vld [tilespmem:s21+$0xFFFFFFD0];
	v11 =	vadd.s32 v3, v11;
	[tilespmem:s0+$0x20] =	vst v13;
	v13 =	vshrl.u32 v13, $0x18  }
0xa4: {  	v17 =	vld [tilespmem:s20+$0xFFFFFFE0];
	v13 =	vadd.s32 v3, v13;
	[tilespmem:s0+$0x30] =	vst v12;
	v12 =	vshrl.u32 v12, $0x18  }
0xa5: {  	v8 =	vadd.f32 v8, v9;
	v16 =	vsub.f32 v16, v5;
	v18 =	vld [tilespmem:s21+$0x10];
	v12 =	vadd.s32 v3, v12  }
0xa6: {  	v9 =	vld [tilespmem:s22+$0x10]  }
0xa7: {  	v10 =	vadd.s32 v3, v10;
	v16 =	vmul.f32 v16, v16;
	v20 =	vld [tilespmem:s22+$0xFFFFFFF0];
	[tilespmem:s0+$0xFFFFFFC0] =	vst v8;
	v8 =	vshrl.u32 v8, $0x18;
	s0 =	smov.u32 s18  }
0xa8: {  	v21 =	vsub.f32 v24, v5;
	v19 =	vsub.f32 v19, v6;
	[tilespmem:v11+s31+$0x0] =	vst.idx.add.s32.msk $0xffff, v4  }
0xa9: {  	v11 =	vsub.f32 v15, v6;
	v8 =	vadd.s32 v3, v8;
	v15 =	vsub.f32 v17, v7;
	v17 =	vld [tilespmem:s20+$0xFFFFFFF0]  }
0xaa: {  	v22 =	vsub.f32 v26, v7;
	v19 =	vmul.f32 v19, v19;
	[tilespmem:v13+s31+$0x0] =	vst.idx.add.s32.msk $0xffff, v4  }
0xab: {  	v13 =	vsub.f32 v23, v6;
	v11 =	vmul.f32 v11, v11;
	v23 =	vld [tilespmem:s22+$0xFFFFFFE0];
	v15 =	vmul.f32 v15, v15  }
0xac: {  	v22 =	vmul.f32 v22, v22;
	v24 =	vsub.f32 v9, v5;
	[tilespmem:v10+s31+$0x0] =	vst.idx.add.s32.msk $0xffff, v4  }
0xad: {  	v9 =	vmul.f32 v13, v13;
	v10 =	vsub.f32 v14, v7;
	[tilespmem:v12+s31+$0x0] =	vst.idx.add.s32.msk $0xffff, v4  }
0xae: {  	v13 =	vsub.f32 v18, v6;
	v12 =	vsub.f32 v17, v7;
	[tilespmem:v8+s31+$0x0] =	vst.idx.add.s32.msk $0xffff, v4  }
0xaf: {  	v11 =	vadd.f32 v11, v22;
	v15 =	vadd.f32 v19, v15;
	v8 =	vmul.f32 v21, v21;
	v14 =	vld [tilespmem:s21+$0x0]  }
0xb0: {  	v19 =	vmul.f32 v24, v24;
	v17 =	vsub.f32 v27, v6;
	v13 =	vmul.f32 v13, v13;
	v18 =	vld [tilespmem:s20+$0x0]  }
0xb1: {  	v10 =	vmul.f32 v10, v10;
	v21 =	vsub.f32 v23, v5;
	v12 =	vmul.f32 v12, v12;
	v23 =	vld [tilespmem:s22+$0x30]  }
0xb2: {  	v20 =	vsub.f32 v20, v5;
	v16 =	vadd.f32 v16, v11;
	v17 =	vmul.f32 v17, v17;
	v11 =	vld [tilespmem:s22+$0x0]  }
0xb3: {  	v10 =	vadd.f32 v13, v10;
	v21 =	vmul.f32 v21, v21;
	v13 =	vld [tilespmem:s21+$0x20]  }
.Ltmp3:
0xb4: {  	v12 =	vadd.f32 v17, v12;
	[tilespmem:s18+$0xFFFFFFD0] =	vst v16;
	v16 =	vshrl.u32 v16, $0x18;
	v22 =	vsub.f32 v14, v6;
	v14 =	vld [tilespmem:s20+$0x20];
	(pc) =	sbr.rel @p0 .LBB2_4-.Ltmp3, $4  }
0xb5: {  	v20 =	vmul.f32 v20, v20;
	v15 =	vadd.f32 v21, v15;
	v18 =	vsub.f32 v18, v7;
	v17 =	vld [tilespmem:s22+$0x20]  }
0xb6: {  	v10 =	vadd.f32 v19, v10;
	v22 =	vmul.f32 v22, v22;
	v19 =	vld [tilespmem:s21+$0x30];
	v24 =	vsub.f32 v23, v5  }
0xb7: {  	v25 =	vshrl.u32 v15, $0x18;
	[tilespmem:s18+$0xFFFFFFE0] =	vst v15;
	v15 =	vadd.f32 v20, v12;
	v23 =	vmul.f32 v18, v18;
	v21 =	vld [tilespmem:s20+$0x30]  }
0xb8: {  	s22 =	sadd.s32 $0x80, s22;
	s21 =	sadd.s32 $0x80, s21;
	v18 =	vadd.s32 v3, v25;
	v20 =	vld [tilespmem:s20+$0xFFFFFFC0];
	[tilespmem:s18+$0x10] =	vst v10;
	v10 =	vshrl.u32 v10, $0x18;
	v12 =	vmul.f32 v24, v24;
	s20 =	sadd.s32 $0x80, s20  }
0xb9: {  	v16 =	vadd.s32 v3, v16;
	v22 =	vadd.f32 v22, v23  }
0xba: {  	v13 =	vsub.f32 v13, v6;
	v23 =	vshrl.u32 v15, $0x18;
	v14 =	vsub.f32 v14, v7  }
0xbb: {  	v11 =	vsub.f32 v11, v5;
	v10 =	vadd.s32 v3, v10;
	v17 =	vsub.f32 v17, v5  }
0xbc: {  	v19 =	vsub.f32 v19, v6;
	v13 =	vmul.f32 v13, v13;
	v21 =	vsub.f32 v21, v7  }
0xbd: {  	v14 =	vmul.f32 v14, v14;
	v11 =	vmul.f32 v11, v11;
	v20 =	vsub.f32 v20, v7  }
0xbe: {  	v23 =	vadd.s32 v3, v23;
	v19 =	vmul.f32 v19, v19;
	v21 =	vmul.f32 v21, v21  }
0xbf: {  	[tilespmem:s0+$0xFFFFFFF0] =	vst v15;
	v13 =	vadd.f32 v13, v14;
	v14 =	vmul.f32 v17, v17;
	v15 =	vmul.f32 v20, v20  }
0xc0: {  	[tilespmem:v18+s31+$0x0] =	vst.idx.add.s32.msk $0xffff, v4;
	v11 =	vadd.f32 v11, v22;
	v17 =	vadd.f32 v19, v21  }
0xc1: {  	[tilespmem:v16+s31+$0x0] =	vst.idx.add.s32.msk $0xffff, v4;
	v13 =	vadd.f32 v14, v13;
	v9 =	vadd.f32 v9, v15  }
0xc2: {  	[tilespmem:v10+s31+$0x0] =	vst.idx.add.s32.msk $0xffff, v4;
	v14 =	vshrl.u32 v11, $0x18;
	v12 =	vadd.f32 v12, v17  }
0xc3: {  	[tilespmem:v23+s31+$0x0] =	vst.idx.add.s32.msk $0xffff, v4;
	v14 =	vadd.s32 v3, v14;
	v15 =	vshrl.u32 v13, $0x18;
	v8 =	vadd.f32 v8, v9  }
0xc4: {  	[tilespmem:s0+$0x0] =	vst v11;
	v11 =	vadd.s32 v3, v15;
	v9 =	vshrl.u32 v12, $0x18  }
0xc5: {  	[tilespmem:s0+$0x30] =	vst v12;
	v9 =	vadd.s32 v3, v9;
	v12 =	vshrl.u32 v8, $0x18  }
0xc6: {  	[tilespmem:s0+$0xFFFFFFC0] =	vst v8;
	v8 =	vadd.s32 v3, v12  }
0xc7: {  	[tilespmem:s0+$0x20] =	vst v13  }
0xc8: {  	[tilespmem:v14+s31+$0x0] =	vst.idx.add.s32.msk $0xffff, v4  }
0xc9: {  	[tilespmem:v11+s31+$0x0] =	vst.idx.add.s32.msk $0xffff, v4  }
0xca: {  	[tilespmem:v9+s31+$0x0] =	vst.idx.add.s32.msk $0xffff, v4  }
0xcb: {  	[tilespmem:v8+s31+$0x0] =	vst.idx.add.s32.msk $0xffff, v4  }
0xcc: {  	_ =	swait.ge [sflag:s2], $0x1000  }
0xcd: {  	[sflag:s2] =	ssyncset.done $0x0  }
0xce: {  	[sflag:s2] =	ssyncadd.s32 $0xFFFFF000  }
0xcf: {  	_ =	swait.ge [sflag:s2], $0x1000  }
0xd0: {  	[sflag:s2] =	ssyncset.done $0x0  }
0xd1: {  	[sflag:s2] =	ssyncadd.s32 $0xFFFFF000  }
0xd2: {  	_ =	swait.ge [sflag:s2], $0x1000  }
0xd3: {  	[sflag:s2] =	ssyncset.done $0x0  }
0xd4: {  	s29 =	simm.s32 $0x3070;
	[sflag:s2] =	ssyncadd.s32 $0xFFFFF000  }
0xd5: {  	s18 =	simm.s32 $0x1070;
	v8 =	vld [tilespmem:s29+$0xFFFFFFD0]  }
0xd6: {  	v10 =	vld [tilespmem:s18+$0xFFFFFFB0]  }
0xd7: {  	v11 =	vld [tilespmem:s18+$0xFFFFFF90]  }
0xd8: {  	v12 =	vld [tilespmem:s18+$0xFFFFFFA0]  }
0xd9: {  	v13 =	vld [tilespmem:s29+$0xFFFFFFA0]  }
0xda: {  	v14 =	vld [tilespmem:s29+$0xFFFFFF90]  }
0xdb: {  	v15 =	vld [tilespmem:s29+$0xFFFFFFB0]  }
0xdc: {  	s19 =	simm.s32 $0x5070;
	v16 =	vld [tilespmem:s18+$0xFFFFFFD0]  }
0xdd: {  	v17 =	vld [tilespmem:s19+$0xFFFFFFB0]  }
0xde: {  	v9 =	vld [tilespmem:s19+$0xFFFFFFA0];
	v11 =	vsub.f32 v11, v7;
	v8 =	vsub.f32 v8, v6  }
0xdf: {  	v18 =	vld [tilespmem:s19+$0xFFFFFFE0];
	v10 =	vsub.f32 v10, v7;
	v13 =	vsub.f32 v13, v6  }
0xe0: {  	v19 =	vld [tilespmem:s18+$0xFFFFFFE0];
	v12 =	vsub.f32 v12, v7;
	v14 =	vsub.f32 v14, v6  }
0xe1: {  	v20 =	vld [tilespmem:s19+$0xFFFFFF90];
	v15 =	vsub.f32 v15, v6;
	v16 =	vsub.f32 v16, v7;
	v10 =	vmul.f32 v10, v10  }
0xe2: {  	v21 =	vld [tilespmem:s29+$0xFFFFFFE0];
	v17 =	vsub.f32 v17, v5;
	v11 =	vmul.f32 v11, v11;
	v14 =	vmul.f32 v14, v14  }
0xe3: {  	v22 =	vld [tilespmem:s19+$0xFFFFFFD0];
	v9 =	vsub.f32 v9, v5;
	v13 =	vmul.f32 v13, v13;
	v12 =	vmul.f32 v12, v12  }
0xe4: {  	v15 =	vmul.f32 v15, v15;
	v16 =	vmul.f32 v16, v16;
	v14 =	vadd.f32 v14, v11  }
0xe5: {  	v12 =	vadd.f32 v13, v12;
	v13 =	vmul.f32 v17, v17;
	v17 =	vsub.f32 v19, v7;
	v19 =	vld [tilespmem:s18+$0xFFFFFFF0]  }
0xe6: {  	v23 =	vld [tilespmem:s29+$0xFFFFFFF0];
	v15 =	vadd.f32 v15, v10;
	v10 =	vmul.f32 v8, v8;
	v11 =	vsub.f32 v18, v5  }
0xe7: {  	v24 =	vld [tilespmem:s19+$0xFFFFFFF0];
	v9 =	vmul.f32 v9, v9;
	v18 =	vsub.f32 v20, v5;
	v20 =	vsub.f32 v21, v6  }
0xe8: {  	v8 =	vld [tilespmem:s19+$0x0];
	v21 =	vsub.f32 v22, v5;
	v22 =	vadd.f32 v10, v16;
	v11 =	vmul.f32 v11, v11  }
0xe9: {  	v25 =	vmul.f32 v18, v18;
	v26 =	vadd.f32 v9, v12;
	v10 =	vld [tilespmem:s19+$0xFFFFFFC0];
	v20 =	vmul.f32 v20, v20  }
0xea: {  	v12 =	vld [tilespmem:s29+$0xFFFFFFC0];
	v21 =	vmul.f32 v21, v21;
	v27 =	vmul.f32 v17, v17;
	v17 =	vsub.f32 v19, v7  }
0xeb: {  	s19 =	simm.s32 $0x70F0;
	v18 =	vadd.f32 v13, v15;
	v16 =	vld [tilespmem:s18+$0xFFFFFFC0];
	v15 =	vsub.f32 v23, v6;
	v9 =	vshrl.u32 v26, $0x18  }
0xec: {  	s20 =	simm.s32 $0x100;
	s21 =	simm.s32 $0x10F0;
	s22 =	simm.s32 $0x30F0;
	v14 =	vadd.f32 v25, v14;
	[tilespmem:s19+$0xFFFFFFA0] =	vst v26;
	v13 =	vadd.f32 v21, v22;
	v19 =	vmul.f32 v17, v17;
	v17 =	vld [tilespmem:s18+$0x0]  }
0xed: {  	s23 =	simm.s32 $0x50F0;
	s0 =	simm.s32 $0x70F0;
	[tilespmem:s19+$0xFFFFFFB0] =	vst v18;
	v20 =	vadd.f32 v20, v27;
	v21 =	vsub.f32 v24, v5;
	v22 =	vmul.f32 v15, v15;
	v15 =	vld [tilespmem:s29+$0x0];
	s18 =	simm.s32 $0x8888  }
.LBB2_6:
0xee: {  	v23 =	vld [tilespmem:s22+$0xFFFFFFD0];
	s20 =	sadd.s32 $0x8, s20;
	v24 =	vshrl.u32 v14, $0x18;
	v18 =	vshrl.u32 v18, $0x18;
	s19 =	sadd.s32 $0x80, s19  }
0xef: {  	v25 =	vld [tilespmem:s23+$0xFFFFFFA0];
	p0 =	slt.u32 s20, $0x1F8;
	v24 =	vadd.s32 v3, v24;
	v18 =	vadd.s32 v3, v18;
	v19 =	vadd.f32 v22, v19  }
0xf0: {  	v11 =	vadd.f32 v11, v20;
	v20 =	vmul.f32 v21, v21;
	v22 =	vld [tilespmem:s22+$0xFFFFFFB0];
	v16 =	vsub.f32 v16, v7  }
0xf1: {  	v12 =	vsub.f32 v12, v6;
	v21 =	vld [tilespmem:s21+$0xFFFFFFB0];
	[tilespmem:s0+$0xFFFFFF90] =	vst v14;
	v14 =	vshrl.u32 v13, $0x18;
	v17 =	vsub.f32 v17, v7  }
0xf2: {  	v26 =	vld [tilespmem:s21+$0xFFFFFF90];
	v16 =	vmul.f32 v16, v16;
	[tilespmem:s0+$0xFFFFFFD0] =	vst v13;
	v13 =	vadd.s32 v3, v14;
	v14 =	vadd.f32 v20, v19  }
0xf3: {  	v9 =	vadd.s32 v3, v9;
	v10 =	vsub.f32 v10, v5;
	v19 =	vld [tilespmem:s21+$0xFFFFFFA0];
	[tilespmem:s0+$0xFFFFFFE0] =	vst v11;
	v17 =	vmul.f32 v17, v17  }
0xf4: {  	v12 =	vmul.f32 v12, v12;
	v15 =	vsub.f32 v15, v6;
	[tilespmem:v18+s31+$0x0] =	vst.idx.add.s32.msk $0xffff, v4;
	v18 =	vshrl.u32 v14, $0x18  }
0xf5: {  	v8 =	vsub.f32 v8, v5;
	v11 =	vshrl.u32 v11, $0x18;
	[tilespmem:v24+s31+$0x0] =	vst.idx.add.s32.msk $0xffff, v4;
	v18 =	vadd.s32 v3, v18  }
0xf6: {  	v10 =	vmul.f32 v10, v10;
	v12 =	vadd.f32 v12, v16;
	v20 =	vld [tilespmem:s22+$0xFFFFFFA0];
	[tilespmem:s0+$0xFFFFFFF0] =	vst v14;
	v14 =	vmul.f32 v15, v15  }
0xf7: {  	v8 =	vmul.f32 v8, v8;
	v23 =	vsub.f32 v23, v6;
	v15 =	vsub.f32 v26, v7;
	v16 =	vld [tilespmem:s21+$0xFFFFFFD0]  }
0xf8: {  	v11 =	vadd.s32 v3, v11;
	v10 =	vadd.f32 v10, v12;
	v24 =	vld [tilespmem:s23+$0xFFFFFFD0];
	v12 =	vadd.f32 v14, v17  }
0xf9: {  	v14 =	vld [tilespmem:s22+$0xFFFFFF90]  }
0xfa: {  	v17 =	vshrl.u32 v10, $0x18;
	[tilespmem:v18+s31+$0x0] =	vst.idx.add.s32.msk $0xffff, v4;
	v8 =	vadd.f32 v8, v12  }
0xfb: {  	v12 =	vadd.s32 v3, v17;
	[tilespmem:v13+s31+$0x0] =	vst.idx.add.s32.msk $0xffff, v4  }
0xfc: {  	v13 =	vld [tilespmem:s23+$0xFFFFFFB0];
	[tilespmem:s0+$0x0] =	vst v8;
	v8 =	vshrl.u32 v8, $0x18  }
0xfd: {  	v17 =	vsub.f32 v21, v7;
	[tilespmem:v11+s31+$0x0] =	vst.idx.add.s32.msk $0xffff, v4  }
0xfe: {  	v16 =	vsub.f32 v16, v7;
	v11 =	vsub.f32 v20, v6;
	v8 =	vadd.s32 v3, v8;
	v18 =	vld [tilespmem:s23+$0xFFFFFFE0];
	[tilespmem:s0+$0xFFFFFFC0] =	vst v10;
	s0 =	smov.u32 s19  }
0xff: {  	v17 =	vmul.f32 v17, v17;
	v10 =	vsub.f32 v19, v7;
	[tilespmem:v9+s31+$0x0] =	vst.idx.add.s32.msk $0xffff, v4  }
0x100: {  	v9 =	vsub.f32 v14, v6;
	v11 =	vmul.f32 v11, v11;
	v14 =	vld [tilespmem:s21+$0xFFFFFFE0]  }
0x101: {  	v15 =	vmul.f32 v15, v15;
	v20 =	vsub.f32 v22, v6;
	v10 =	vmul.f32 v10, v10;
	v19 =	vld [tilespmem:s23+$0xFFFFFF90]  }
0x102: {  	v9 =	vmul.f32 v9, v9;
	v13 =	vsub.f32 v13, v5;
	v21 =	vld [tilespmem:s22+$0xFFFFFFE0]  }
0x103: {  	v16 =	vmul.f32 v16, v16;
	v20 =	vmul.f32 v20, v20;
	[tilespmem:v12+s31+$0x0] =	vst.idx.add.s32.msk $0xffff, v4  }
0x104: {  	v15 =	vadd.f32 v9, v15;
	v9 =	vsub.f32 v25, v5;
	[tilespmem:v8+s31+$0x0] =	vst.idx.add.s32.msk $0xffff, v4  }
0x105: {  	v10 =	vadd.f32 v11, v10;
	v13 =	vmul.f32 v13, v13;
	v14 =	vsub.f32 v14, v7;
	v22 =	vld [tilespmem:s21+$0xFFFFFFF0]  }
0x106: {  	v17 =	vadd.f32 v20, v17;
	v11 =	vmul.f32 v23, v23;
	v12 =	vsub.f32 v18, v5;
	v20 =	vld [tilespmem:s22+$0xFFFFFFF0]  }
0x107: {  	v9 =	vmul.f32 v9, v9;
	v18 =	vsub.f32 v19, v5;
	v19 =	vsub.f32 v21, v6;
	v8 =	vld [tilespmem:s23+$0x0]  }
0x108: {  	v23 =	vadd.f32 v11, v16;
	v11 =	vmul.f32 v12, v12;
	v21 =	vsub.f32 v24, v5;
	v24 =	vld [tilespmem:s23+$0xFFFFFFF0]  }
.Ltmp4:
0x109: {  	v26 =	vadd.f32 v9, v10;
	v25 =	vmul.f32 v18, v18;
	v10 =	vld [tilespmem:s23+$0xFFFFFFC0];
	v27 =	vmul.f32 v19, v19;
	(pc) =	sbr.rel @p0 .LBB2_6-.Ltmp4, $4  }
0x10a: {  	v19 =	vmul.f32 v21, v21;
	v21 =	vmul.f32 v14, v14;
	v12 =	vld [tilespmem:s22+$0xFFFFFFC0];
	v22 =	vsub.f32 v22, v7  }
0x10b: {  	v18 =	vadd.f32 v13, v17;
	v9 =	vshrl.u32 v26, $0x18;
	v16 =	vld [tilespmem:s21+$0xFFFFFFC0];
	v28 =	vsub.f32 v20, v6  }
0x10c: {  	v14 =	vadd.f32 v25, v15;
	v13 =	vadd.f32 v19, v23;
	[tilespmem:s19+$0xFFFFFFA0] =	vst v26;
	v19 =	vmul.f32 v22, v22;
	v17 =	vld [tilespmem:s21+$0x0]  }
0x10d: {  	s23 =	sadd.s32 $0x80, s23;
	v20 =	vadd.f32 v27, v21;
	s21 =	sadd.s32 $0x80, s21;
	[tilespmem:s19+$0xFFFFFFB0] =	vst v18;
	v21 =	vsub.f32 v24, v5;
	v22 =	vmul.f32 v28, v28;
	v15 =	vld [tilespmem:s22+$0x0];
	s22 =	sadd.s32 $0x80, s22  }
0x10e: {  	v23 =	vshrl.u32 v14, $0x18;
	v18 =	vshrl.u32 v18, $0x18  }
0x10f: {  	v60 =	vshrl.u32 v13, $0x18;
	v10 =	vsub.f32 v10, v5;
	v5 =	vsub.f32 v8, v5  }
0x110: {  	v23 =	vadd.s32 v3, v23;
	v19 =	vadd.f32 v22, v19;
	v11 =	vadd.f32 v11, v20  }
0x111: {  	v21 =	vmul.f32 v21, v21;
	v12 =	vsub.f32 v12, v6;
	v16 =	vsub.f32 v16, v7  }
0x112: {  	v18 =	vadd.s32 v3, v18;
	v7 =	vsub.f32 v17, v7;
	v6 =	vsub.f32 v15, v6  }
0x113: {  	[tilespmem:s0+$0xFFFFFF90] =	vst v14;
	v8 =	vadd.s32 v3, v60;
	v12 =	vmul.f32 v12, v12;
	v16 =	vmul.f32 v16, v16  }
0x114: {  	[tilespmem:s0+$0xFFFFFFD0] =	vst v13;
	v61 =	vadd.f32 v21, v19;
	v7 =	vmul.f32 v7, v7;
	v6 =	vmul.f32 v6, v6  }
0x115: {  	v10 =	vmul.f32 v10, v10;
	[tilespmem:s0+$0xFFFFFFE0] =	vst v11;
	v12 =	vadd.f32 v12, v16  }
0x116: {  	v5 =	vmul.f32 v5, v5;
	v14 =	vshrl.u32 v61, $0x18;
	[tilespmem:s0+$0xFFFFFFF0] =	vst v61;
	v6 =	vadd.f32 v6, v7  }
0x117: {  	v11 =	vshrl.u32 v11, $0x18;
	v13 =	vadd.s32 v3, v14;
	[tilespmem:v18+s31+$0x0] =	vst.idx.add.s32.msk $0xffff, v4;
	v7 =	vadd.f32 v10, v12  }
0x118: {  	[tilespmem:v23+s31+$0x0] =	vst.idx.add.s32.msk $0xffff, v4;
	v10 =	vadd.s32 v3, v11;
	v5 =	vadd.f32 v5, v6  }
0x119: {  	[tilespmem:v8+s31+$0x0] =	vst.idx.add.s32.msk $0xffff, v4;
	v6 =	vadd.s32 v3, v9;
	v9 =	vshrl.u32 v7, $0x18  }
0x11a: {  	[tilespmem:s0+$0xFFFFFFC0] =	vst v7;
	v9 =	vadd.s32 v3, v9;
	v8 =	vshrl.u32 v5, $0x18  }
0x11b: {  	[tilespmem:s0+$0x0] =	vst v5;
	v5 =	vadd.s32 v3, v8  }
0x11c: {  	[tilespmem:v13+s31+$0x0] =	vst.idx.add.s32.msk $0xffff, v4  }
0x11d: {  	[tilespmem:v10+s31+$0x0] =	vst.idx.add.s32.msk $0xffff, v4  }
0x11e: {  	[tilespmem:v6+s31+$0x0] =	vst.idx.add.s32.msk $0xffff, v4  }
0x11f: {  	[tilespmem:v9+s31+$0x0] =	vst.idx.add.s32.msk $0xffff, v4  }
0x120: {  	[tilespmem:v5+s31+$0x0] =	vst.idx.add.s32.msk $0xffff, v4  }
0x121: {  	v5 =	vld [tilespmem:s18+$0xFFFFF7F8]  }
0x122: {  	v6 =	vld [tilespmem:s18+$0xFFFFF8F9]  }
0x123: {  	v7 =	vld [tilespmem:s18+$0xFFFFF9FA]  }
0x124: {  	[tilespmem:s18+$0xFFFFF7F8] =	vst v2;
	v8 =	vld [tilespmem:s18+$0xFFFFFAFB]  }
0x125: {  	[tilespmem:s18+$0xFFFFF8F9] =	vst v2;
	v9 =	vld [tilespmem:s18+$0xFFFFFBFC]  }
0x126: {  	[tilespmem:s18+$0xFFFFF9FA] =	vst v2;
	v10 =	vld [tilespmem:s18+$0xFFFFFCFD]  }
0x127: {  	[tilespmem:s18+$0xFFFFFAFB] =	vst v2;
	v11 =	vld [tilespmem:s18+$0xFFFFFDFE]  }
0x128: {  	[tilespmem:s18+$0xFFFFFBFC] =	vst v2;
	v12 =	vld [tilespmem:s18+$0xFFFFFEFF]  }
0x129: {  	[tilespmem:s18+$0xFFFFFCFD] =	vst v2;
	v13 =	vld [tilespmem:s18+$0x0]  }
0x12a: {  	[tilespmem:s18+$0xFFFFFDFE] =	vst v2;
	v14 =	vld [tilespmem:s18+$0x101];
	v5 =	vadd.s32 v5, v6  }
0x12b: {  	[tilespmem:s18+$0xFFFFFEFF] =	vst v2;
	v6 =	vld [tilespmem:s18+$0x202];
	v5 =	vadd.s32 v7, v5  }
0x12c: {  	[tilespmem:s18+$0x0] =	vst v2;
	v7 =	vld [tilespmem:s18+$0x303];
	v5 =	vadd.s32 v8, v5  }
0x12d: {  	[tilespmem:s18+$0x101] =	vst v2;
	v8 =	vld [tilespmem:s18+$0x404];
	v5 =	vadd.s32 v9, v5  }
0x12e: {  	[tilespmem:s18+$0x202] =	vst v2;
	v9 =	vld [tilespmem:s18+$0x505];
	v5 =	vadd.s32 v10, v5  }
0x12f: {  	[tilespmem:s18+$0x303] =	vst v2;
	v10 =	vld [tilespmem:s18+$0x606];
	v5 =	vadd.s32 v11, v5  }
0x130: {  	s29 =	simm.s32 $0x8898;
	[tilespmem:s18+$0x606] =	vst v2;
	v11 =	vld [tilespmem:s18+$0x707];
	v5 =	vadd.s32 v12, v5  }
0x131: {  	[tilespmem:s18+$0x404] =	vst v2;
	v15 =	vld [tilespmem:s29+$0x606];
	v5 =	vadd.s32 v13, v5  }
0x132: {  	[tilespmem:s18+$0x707] =	vst v2;
	v12 =	vld [tilespmem:s29+$0xFFFFF7F8];
	v5 =	vadd.s32 v14, v5  }
0x133: {  	[tilespmem:s18+$0x505] =	vst v2;
	v62 =	vld [tilespmem:s29+$0x707];
	v5 =	vadd.s32 v6, v5  }
0x134: {  	[tilespmem:s29+$0x606] =	vst v2;
	v13 =	vld [tilespmem:s29+$0xFFFFF8F9];
	v5 =	vadd.s32 v7, v5  }
0x135: {  	[tilespmem:s29+$0xFFFFF7F8] =	vst v2;
	v14 =	vld [tilespmem:s29+$0xFFFFF9FA];
	v5 =	vadd.s32 v8, v5  }
0x136: {  	[tilespmem:s29+$0x707] =	vst v2;
	v6 =	vld [tilespmem:s29+$0xFFFFFAFB];
	v5 =	vadd.s32 v9, v5  }
0x137: {  	[tilespmem:s29+$0xFFFFF8F9] =	vst v2;
	v7 =	vld [tilespmem:s29+$0xFFFFFBFC];
	v5 =	vadd.s32 v10, v5  }
0x138: {  	[tilespmem:s29+$0xFFFFF9FA] =	vst v2;
	v8 =	vld [tilespmem:s29+$0xFFFFFCFD];
	v5 =	vadd.s32 v11, v5  }
0x139: {  	[tilespmem:s29+$0xFFFFFAFB] =	vst v2;
	v9 =	vld [tilespmem:s29+$0xFFFFFDFE];
	(xrf0) =	vadd.scan.msk.s32 $0xffff, v5  }
0x13a: {  	[tilespmem:s29+$0xFFFFFBFC] =	vst v2;
	v10 =	vadd.s32 v12, v13;
	v12 =	vld [tilespmem:s29+$0xFFFFFEFF]  }
0x13b: {  	[tilespmem:s29+$0xFFFFFCFD] =	vst v2;
	v13 =	vld [tilespmem:s29+$0x303];
	v10 =	vadd.s32 v14, v10  }
0x13c: {  	[tilespmem:s29+$0xFFFFFDFE] =	vst v2;
	v11 =	vld [tilespmem:s29+$0x0];
	v6 =	vadd.s32 v6, v10  }
0x13d: {  	[tilespmem:s29+$0xFFFFFEFF] =	vst v2;
	v10 =	vld [tilespmem:s29+$0x101];
	v6 =	vadd.s32 v7, v6  }
0x13e: {  	[tilespmem:s29+$0x303] =	vst v2;
	v7 =	vld [tilespmem:s29+$0x202];
	v6 =	vadd.s32 v8, v6  }
0x13f: {  	[tilespmem:s29+$0x0] =	vst v2;
	v6 =	vadd.s32 v9, v6;
	v9, _, _ =	vpop (xrf0)  }
0x140: {  	v14 =	vld [tilespmem:s29+$0x404];
	[tilespmem:s29+$0x404] =	vst v2;
	v6 =	vadd.s32 v12, v6;
	(v2sf) =	vpush v9, $0xF  }
0x141: {  	[tilespmem:s29+$0x101] =	vst v2;
	v12 =	vld [tilespmem:s29+$0x505];
	v6 =	vadd.s32 v11, v6  }
0x142: {  	s21 =	simm.s32 $0x0;
	s22 =	simm.s32 $0x88A8;
	[tilespmem:s29+$0x202] =	vst v2;
	v6 =	vadd.s32 v10, v6  }
0x143: {  	v8 =	vld [tilespmem:s22+$0xFFFFF7F8];
	[tilespmem:s22+$0xFFFFF7F8] =	vst v2;
	v10 =	vadd.s32 s21, v9;
	v6 =	vadd.s32 v7, v6  }
0x144: {  	v63 =	vimm.s32 $0x0;
	[tilespmem:s29+$0x505] =	vst v2;
	v11 =	vld [tilespmem:s22+$0xFFFFFAFB];
	v5 =	vsub.s32 v10, v5;
	v6 =	vadd.s32 v13, v6  }
0x145: {  	[tilespmem:s22+$0xFFFFFAFB] =	vst v2;
	v9 =	vld [tilespmem:s22+$0xFFFFF8F9];
	vm0 =	vgt.s32 v10, $0x1332;
	vm1 =	vlt.s32 v5, $0x1333;
	v6 =	vadd.s32 v14, v6  }
0x146: {  	[tilespmem:s22+$0xFFFFF8F9] =	vst v2;
	v7 =	vor.u32 s21, v1;
	v10 =	vld [tilespmem:s22+$0xFFFFF9FA];
	vm0 =	vmand vm0, vm1;
	v6 =	vadd.s32 v12, v6  }
0x147: {  	s19 =	simm.s32 $0x20;
	s20 =	simm.s32 $0x30;
	[tilespmem:s22+$0xFFFFF9FA] =	vst v2;
	v7 =	vnsel vm0, $0x0, v7;
	v5 =	vnsel vm0, $0x0, v5;
	v13 =	vadd.s32 v15, v6  }
0x148: {  	s23 =	simm.s32 $0x50;
	s0 =	simm.s32 $0x10;
	s18 =	simm.s32 $0x40;
	v12 =	vld [tilespmem:s22+$0xFFFFFBFC];
	[tilespmem:s22+$0xFFFFFBFC] =	vst v2;
	v6 =	vadd.s32 v63, v7;
	v5 =	vadd.s32 v63, v5;
	v7 =	vadd.s32 v62, v13  }
.LBB2_8:
0x149: {  	p0 =	sne.s32 s23, $0xF0;
	v13 =	vld [tilespmem:s22+$0xFFFFFCFD];
	[tilespmem:s22+$0xFFFFFCFD] =	vst v2;
	(xrf0) =	vadd.scan.msk.s32 $0xffff, v7  }
0x14a: {  	v8 =	vadd.s32 v8, v9;
	v9 =	vld [tilespmem:s22+$0xFFFFFDFE];
	[tilespmem:s22+$0xFFFFFDFE] =	vst v2  }
0x14b: {  	v8 =	vadd.s32 v10, v8;
	v10 =	vld [tilespmem:s22+$0xFFFFFEFF];
	[tilespmem:s22+$0xFFFFFEFF] =	vst v2  }
0x14c: {  	v8 =	vadd.s32 v11, v8;
	v11 =	vld [tilespmem:s22+$0x0];
	[tilespmem:s22+$0x0] =	vst v2  }
0x14d: {  	v8 =	vadd.s32 v12, v8;
	v12 =	vld [tilespmem:s22+$0x101];
	[tilespmem:s22+$0x101] =	vst v2  }
0x14e: {  	v8 =	vadd.s32 v13, v8;
	v13 =	vld [tilespmem:s22+$0x202];
	[tilespmem:s22+$0x202] =	vst v2  }
0x14f: {  	v8 =	vadd.s32 v9, v8;
	v9 =	vld [tilespmem:s22+$0x303];
	[tilespmem:s22+$0x303] =	vst v2;
	v14, _, _ =	vpop (xrf0);
	s26 =	spop (v2sf)  }
0x150: {  	v8 =	vadd.s32 v10, v8;
	v10 =	vld [tilespmem:s22+$0x404];
	[tilespmem:s22+$0x404] =	vst v2;
	(v2sf) =	vpush v14, $0xF;
	s21 =	sadd.s32 s21, s26  }
0x151: {  	v8 =	vadd.s32 v11, v8;
	v11 =	vld [tilespmem:s22+$0x505];
	[tilespmem:s22+$0x505] =	vst v2;
	v14 =	vadd.s32 s21, v14  }
0x152: {  	v8 =	vadd.s32 v12, v8;
	v12 =	vld [tilespmem:s22+$0x606];
	[tilespmem:s22+$0x606] =	vst v2;
	v7 =	vsub.s32 v14, v7;
	vm0 =	vgt.s32 v14, $0x1332  }
0x153: {  	v13 =	vadd.s32 v13, v8;
	v14 =	vld [tilespmem:s22+$0x707];
	[tilespmem:s22+$0x707] =	vst v2;
	s22 =	sadd.s32 $0x10, s22;
	vm1 =	vlt.s32 v7, $0x1333  }
.Ltmp5:
0x154: {  	v15 =	vor.u32 s0, v1;
	s0 =	smov.u32 s19;
	s19 =	smov.u32 s20;
	v8 =	vld [tilespmem:s22+$0xFFFFF7F8];
	[tilespmem:s22+$0xFFFFF7F8] =	vst v2;
	v13 =	vadd.s32 v9, v13;
	vm0 =	vmand vm0, vm1;
	(pc) =	sbr.rel @p0 .LBB2_8-.Ltmp5, $4  }
0x155: {  	s20 =	smov.u32 s18;
	s18 =	smov.u32 s23;
	v9 =	vld [tilespmem:s22+$0xFFFFF8F9];
	[tilespmem:s22+$0xFFFFF8F9] =	vst v2;
	v13 =	vadd.s32 v10, v13;
	v15 =	vnsel vm0, $0x0, v15;
	v7 =	vnsel vm0, $0x0, v7  }
0x156: {  	v10 =	vld [tilespmem:s22+$0xFFFFF9FA];
	[tilespmem:s22+$0xFFFFF9FA] =	vst v2;
	v13 =	vadd.s32 v11, v13;
	v6 =	vadd.s32 v6, v15;
	v5 =	vadd.s32 v5, v7  }
0x157: {  	v11 =	vld [tilespmem:s22+$0xFFFFFAFB];
	[tilespmem:s22+$0xFFFFFAFB] =	vst v2;
	v7 =	vadd.s32 v12, v13  }
0x158: {  	s23 =	sadd.s32 $0x10, s23;
	v12 =	vld [tilespmem:s22+$0xFFFFFBFC];
	[tilespmem:s22+$0xFFFFFBFC] =	vst v2;
	v7 =	vadd.s32 v14, v7  }
0x159: {  	v13 =	vld [tilespmem:s22+$0xFFFFFCFD]  }
0x15a: {  	v14 =	vld [tilespmem:s22+$0xFFFFFDFE]  }
0x15b: {  	v15 =	vld [tilespmem:s22+$0xFFFFFEFF]  }
0x15c: {  	v16 =	vld [tilespmem:s22+$0x0]  }
0x15d: {  	v17 =	vld [tilespmem:s22+$0x101]  }
0x15e: {  	v18 =	vld [tilespmem:s22+$0x202]  }
0x15f: {  	v19 =	vld [tilespmem:s22+$0x303]  }
0x160: {  	v20 =	vld [tilespmem:s22+$0x404]  }
0x161: {  	v21 =	vld [tilespmem:s22+$0x505]  }
0x162: {  	v22 =	vld [tilespmem:s22+$0x606]  }
0x163: {  	v23 =	vld [tilespmem:s22+$0x707];
	s23 =	sadd.s32 $0x10, s22  }
0x164: {  	v24 =	vld [tilespmem:s23+$0xFFFFF7F8]  }
0x165: {  	v25 =	vld [tilespmem:s23+$0xFFFFF8F9]  }
0x166: {  	v26 =	vld [tilespmem:s23+$0xFFFFF9FA]  }
0x167: {  	v27 =	vld [tilespmem:s23+$0xFFFFFAFB];
	v8 =	vadd.s32 v8, v9  }
0x168: {  	[tilespmem:s22+$0xFFFFFCFD] =	vst v2;
	v28 =	vld [tilespmem:s23+$0xFFFFFBFC];
	v8 =	vadd.s32 v10, v8  }
0x169: {  	[tilespmem:s22+$0xFFFFFDFE] =	vst v2;
	v9 =	vld [tilespmem:s23+$0xFFFFFCFD];
	v8 =	vadd.s32 v11, v8  }
0x16a: {  	[tilespmem:s22+$0xFFFFFEFF] =	vst v2;
	v62 =	vld [tilespmem:s23+$0xFFFFFDFE];
	v8 =	vadd.s32 v12, v8;
	v10 =	vadd.s32 v24, v25  }
0x16b: {  	[tilespmem:s22+$0x0] =	vst v2;
	v11 =	vld [tilespmem:s23+$0xFFFFFEFF];
	v8 =	vadd.s32 v13, v8;
	v10 =	vadd.s32 v26, v10  }
0x16c: {  	[tilespmem:s22+$0x101] =	vst v2;
	v12 =	vld [tilespmem:s23+$0x0];
	v8 =	vadd.s32 v14, v8;
	v10 =	vadd.s32 v27, v10  }
0x16d: {  	[tilespmem:s22+$0x202] =	vst v2;
	v13 =	vld [tilespmem:s23+$0x101];
	v8 =	vadd.s32 v15, v8;
	v10 =	vadd.s32 v28, v10  }
0x16e: {  	[tilespmem:s22+$0x303] =	vst v2;
	v8 =	vadd.s32 v16, v8;
	v9 =	vadd.s32 v9, v10;
	v10 =	vld [tilespmem:s23+$0x202]  }
0x16f: {  	[tilespmem:s22+$0x404] =	vst v2;
	v14 =	vld [tilespmem:s23+$0x303];
	v8 =	vadd.s32 v17, v8;
	v9 =	vadd.s32 v62, v9  }
0x170: {  	[tilespmem:s22+$0x505] =	vst v2;
	v8 =	vadd.s32 v18, v8;
	v9 =	vadd.s32 v11, v9;
	v11 =	vld [tilespmem:s23+$0x404]  }
0x171: {  	[tilespmem:s22+$0x606] =	vst v2;
	v8 =	vadd.s32 v19, v8;
	v9 =	vadd.s32 v12, v9;
	v12 =	vld [tilespmem:s23+$0x505]  }
0x172: {  	[tilespmem:s22+$0x707] =	vst v2;
	v8 =	vadd.s32 v20, v8;
	v9 =	vadd.s32 v13, v9;
	v13 =	vld [tilespmem:s23+$0x606]  }
0x173: {  	v8 =	vadd.s32 v21, v8;
	v9 =	vadd.s32 v10, v9;
	v10 =	vld [tilespmem:s23+$0x707]  }
0x174: {  	(xrf0) =	vadd.scan.msk.s32 $0xffff, v7;
	[tilespmem:s23+$0xFFFFF7F8] =	vst v2;
	s22 =	sadd.s32 $0x10, s23;
	v8 =	vadd.s32 v22, v8;
	v9 =	vadd.s32 v14, v9  }
0x175: {  	[tilespmem:s23+$0xFFFFF8F9] =	vst v2;
	v8 =	vadd.s32 v23, v8;
	v14 =	vld [tilespmem:s22+$0xFFFFF7F8];
	v9 =	vadd.s32 v11, v9  }
0x176: {  	[tilespmem:s23+$0xFFFFF9FA] =	vst v2;
	(xrf0) =	vadd.scan.msk.s32 $0xffff, v8;
	v11 =	vld [tilespmem:s22+$0xFFFFF8F9];
	v9 =	vadd.s32 v12, v9  }
0x177: {  	[tilespmem:s23+$0xFFFFFAFB] =	vst v2;
	v12 =	vld [tilespmem:s22+$0xFFFFF9FA];
	v9 =	vadd.s32 v13, v9  }
0x178: {  	[tilespmem:s23+$0xFFFFFBFC] =	vst v2;
	v13 =	vld [tilespmem:s22+$0xFFFFFAFB];
	v9 =	vadd.s32 v10, v9  }
0x179: {  	[tilespmem:s23+$0xFFFFFCFD] =	vst v2;
	v10 =	vld [tilespmem:s22+$0xFFFFFBFC];
	(xrf0) =	vadd.scan.msk.s32 $0xffff, v9  }
0x17a: {  	[tilespmem:s23+$0xFFFFFDFE] =	vst v2;
	v15 =	vld [tilespmem:s22+$0xFFFFFCFD];
	v16, _, _ =	vpop (xrf0)  }
0x17b: {  	[tilespmem:s23+$0xFFFFFEFF] =	vst v2;
	(v2sf) =	vpush v16, $0xF;
	v11 =	vadd.s32 v14, v11;
	v14 =	vld [tilespmem:s22+$0xFFFFFDFE]  }
0x17c: {  	[tilespmem:s23+$0x0] =	vst v2;
	v17, _, _ =	vpop (xrf0);
	v11 =	vadd.s32 v12, v11;
	v12 =	vld [tilespmem:s22+$0xFFFFFEFF]  }
0x17d: {  	[tilespmem:s23+$0x101] =	vst v2;
	(v2sf) =	vpush v17, $0xF;
	v11 =	vadd.s32 v13, v11;
	v13 =	vld [tilespmem:s22+$0x0]  }
0x17e: {  	[tilespmem:s23+$0x202] =	vst v2;
	v10 =	vadd.s32 v10, v11;
	v11 =	vld [tilespmem:s22+$0x101]  }
0x17f: {  	[tilespmem:s23+$0x303] =	vst v2;
	v10 =	vadd.s32 v15, v10;
	v15 =	vld [tilespmem:s22+$0x202];
	v63, _, _ =	vpop (xrf0)  }
0x180: {  	[tilespmem:s23+$0x404] =	vst v2;
	v10 =	vadd.s32 v14, v10;
	v14 =	vld [tilespmem:s22+$0x303];
	(v2sf) =	vpush v63, $0xF  }
0x181: {  	[tilespmem:s23+$0x505] =	vst v2;
	v10 =	vadd.s32 v12, v10;
	v12 =	vld [tilespmem:s22+$0x404]  }
0x182: {  	[tilespmem:s23+$0x606] =	vst v2;
	v10 =	vadd.s32 v13, v10;
	v13 =	vld [tilespmem:s22+$0x505]  }
0x183: {  	[tilespmem:s23+$0x707] =	vst v2;
	v10 =	vadd.s32 v11, v10;
	v11 =	vld [tilespmem:s22+$0x606]  }
0x184: {  	v10 =	vadd.s32 v15, v10;
	v15 =	vld [tilespmem:s22+$0x707]  }
0x185: {  	v10 =	vadd.s32 v14, v10  }
0x186: {  	v10 =	vadd.s32 v12, v10  }
0x187: {  	v10 =	vadd.s32 v13, v10  }
0x188: {  	s26 =	spop (v2sf);
	v10 =	vadd.s32 v11, v10  }
0x189: {  	s21 =	sadd.s32 s21, s26;
	v10 =	vadd.s32 v15, v10  }
0x18a: {  	[tilespmem:s22+$0xFFFFFCFD] =	vst v2;
	s28 =	spop (v2sf);
	v11 =	vadd.s32 s21, v16;
	(xrf0) =	vadd.scan.msk.s32 $0xffff, v10  }
0x18b: {  	[tilespmem:s22+$0xFFFFF7F8] =	vst v2;
	s21 =	sadd.s32 s21, s28;
	v7 =	vsub.s32 v11, v7  }
0x18c: {  	[tilespmem:s22+$0xFFFFF8F9] =	vst v2;
	vm0 =	vgt.s32 v11, $0x1332;
	v11 =	vadd.s32 s21, v17;
	vm1 =	vlt.s32 v7, $0x1333;
	s29 =	spop (v2sf)  }
0x18d: {  	[tilespmem:s22+$0xFFFFF9FA] =	vst v2;
	v12 =	vor.u32 s0, v1;
	v8 =	vsub.s32 v11, v8;
	vm0 =	vmand vm0, vm1;
	s23 =	sadd.s32 s21, s29  }
0x18e: {  	[tilespmem:s22+$0xFFFFFAFB] =	vst v2;
	vm1 =	vgt.s32 v11, $0x1332;
	vm2 =	vlt.s32 v8, $0x1333;
	v11 =	vadd.s32 s23, v63  }
0x18f: {  	[tilespmem:s22+$0xFFFFFBFC] =	vst v2;
	vm1 =	vmand vm1, vm2;
	v9 =	vsub.s32 v11, v9;
	vm2 =	vgt.s32 v11, $0x1332;
	s26 =	spop (v2sf)  }
0x190: {  	[tilespmem:s22+$0xFFFFFDFE] =	vst v2;
	v11 =	vnsel vm0, $0x0, v12;
	v12 =	vor.u32 s19, v1;
	vm3 =	vlt.s32 v9, $0x1333;
	v13, _, _ =	vpop (xrf0);
	s0 =	sadd.s32 s23, s26  }
0x191: {  	[tilespmem:s22+$0xFFFFFEFF] =	vst v2;
	v6 =	vadd.s32 v6, v11;
	v11 =	vnsel vm1, $0x0, v12;
	v14 =	vadd.s32 s0, v13  }
0x192: {  	[tilespmem:s22+$0x0] =	vst v2;
	v12 =	vor.u32 s20, v1;
	vm3 =	vmand vm2, vm3;
	v10 =	vsub.s32 v14, v10  }
0x193: {  	[tilespmem:s22+$0x101] =	vst v2;
	v6 =	vadd.s32 v6, v11;
	vm2 =	vgt.s32 v14, $0x1332;
	vm4 =	vlt.s32 v10, $0x1333  }
0x194: {  	[tilespmem:s22+$0x202] =	vst v2;
	v11 =	vnsel vm3, $0x0, v12;
	v12 =	vor.u32 s18, v1;
	vm2 =	vmand vm2, vm4  }
0x195: {  	[tilespmem:s22+$0x303] =	vst v2;
	v6 =	vadd.s32 v6, v11;
	v11 =	vnsel vm2, $0x0, v12  }
0x196: {  	[tilespmem:s22+$0x404] =	vst v2;
	v6 =	vadd.s32 v6, v11  }
0x197: {  	[tilespmem:s22+$0x505] =	vst v2;
	(xrf0) =	vadd.scan.msk.s32 $0xffff, v6  }
0x198: {  	[tilespmem:s22+$0x606] =	vst v2;
	(v2sf) =	vpush v13, $0xF  }
0x199: {  	[tilespmem:s22+$0x707] =	vst v2;
	s28 =	simm.s32 $0x60C0  }
0x19a: {  	v6 =	vld [tilespmem:s28+$0xFFFFFFC0];
	_ =	sdelay $0x1  }
0x19b: {  	v7 =	vnsel vm0, $0x0, v7;
	v11 =	vld [tilespmem:s28+$0xFFFFFFF0]  }
0x19c: {  	v7 =	vadd.s32 v5, v7;
	v8 =	vnsel vm1, $0x0, v8;
	v5, _, _ =	vpop (xrf0)  }
0x19d: {  	v8 =	vadd.s32 v7, v8;
	v9 =	vnsel vm3, $0x0, v9;
	v12 =	vld [tilespmem:s28+$0x30];
	v7 =	vbroadcast v5, $0xF  }
0x19e: {  	v8 =	vadd.s32 v8, v9;
	v9 =	vshrl.u32 v6, $0x18  }
0x19f: {  	v15 =	vld [tilespmem:s28+$0x0];
	v10 =	vnsel vm2, $0x0, v10;
	v6 =	vshrl.u32 v6, $0x10;
	vm0 =	veq.s32 v9, v7  }
0x1a0: {  	v14 =	vld [tilespmem:s28+$0xFFFFFFE0];
	v9 =	vand.u32 $0xFF, v6;
	v6 =	vadd.s32 v8, v10;
	v8 =	vshrl.u32 v11, $0x10  }
0x1a1: {  	v16 =	vadd.s32 v3, v9;
	v9 =	vshrl.u32 v11, $0x18;
	v10 =	vand.u32 $0xFF, v8  }
0x1a2: {  	v11 =	vshrl.u32 v12, $0x10;
	v8 =	vld [tilespmem:s28+$0x20];
	v12 =	vshrl.u32 v12, $0x18;
	vm1 =	veq.s32 v9, v7  }
0x1a3: {  	v17 =	vand.u32 $0xFF, v11;
	v9 =	vld [tilespmem:s28+$0xFFFFFFD0];
	v11 =	vadd.s32 v3, v10;
	vm2 =	veq.s32 v12, v7  }
0x1a4: {  	v10 =	vadd.s32 v3, v17  }
0x1a5: {  	v13 =	vshrl.u32 v14, $0x10;
	v12 =	vld [tilespmem:s28+$0x10];
	v17 =	vshrl.u32 v15, $0x18;
	v15 =	vshrl.u32 v15, $0x10  }
0x1a6: {  	s18 =	simm.s32 $0x6140;
	s0 =	simm.s32 $0x0;
	v14 =	vshrl.u32 v14, $0x18;
	s29 =	spop (v2sf);
	v15 =	vand.u32 $0xFF, v15;
	[tilespmem:v16+s31+$0x0] =	vst.idx.add.s32.msk vm0, v4;
	vm0 =	veq.s32 v17, v7  }
.LBB2_10:
0x1a7: {  	v16 =	vld [tilespmem:s18+$0xFFFFFFF0];
	s0 =	sadd.s32 $0x8, s0;
	vm5 =	veq.s32 v14, v7;
	v13 =	vand.u32 $0xFF, v13;
	v14 =	vadd.s32 v3, v15  }
0x1a8: {  	v15 =	vshrl.u32 v9, $0x18;
	p0 =	slt.u32 s0, $0x1F8;
	v13 =	vadd.s32 v3, v13;
	[tilespmem:v11+s31+$0x0] =	vst.idx.add.s32.msk vm1, v4;
	v11 =	vshrl.u32 v8, $0x18  }
0x1a9: {  	vm4 =	veq.s32 v15, v7;
	v8 =	vshrl.u32 v8, $0x10;
	vm3 =	veq.s32 v11, v7;
	[tilespmem:v10+s31+$0x0] =	vst.idx.add.s32.msk vm2, v4  }
0x1aa: {  	v9 =	vshrl.u32 v9, $0x10;
	v8 =	vand.u32 $0xFF, v8;
	v10 =	vld [tilespmem:s18+$0xFFFFFFC0];
	v11 =	vshrl.u32 v12, $0x10  }
0x1ab: {  	v9 =	vand.u32 $0xFF, v9;
	v12 =	vshrl.u32 v12, $0x18;
	v17 =	vadd.s32 v3, v8;
	v15 =	vld [tilespmem:s18+$0x30]  }
0x1ac: {  	vm6 =	veq.s32 v12, v7;
	v11 =	vand.u32 $0xFF, v11;
	v18 =	vshrl.u32 v16, $0x10;
	v8 =	vld [tilespmem:s18+$0x20]  }
0x1ad: {  	v19 =	vadd.s32 v3, v9;
	v20 =	vadd.s32 v3, v11;
	v12 =	vld [tilespmem:s18+$0xFFFFFFE0]  }
0x1ae: {  	[tilespmem:v13+s31+$0x0] =	vst.idx.add.s32.msk vm5, v4  }
0x1af: {  	v9 =	vshrl.u32 v10, $0x18;
	v10 =	vshrl.u32 v10, $0x10;
	[tilespmem:v14+s31+$0x0] =	vst.idx.add.s32.msk vm0, v4  }
0x1b0: {  	vm0 =	veq.s32 v9, v7;
	v9 =	vand.u32 $0xFF, v10;
	v10 =	vshrl.u32 v16, $0x18;
	v16 =	vld [tilespmem:s18+$0x0]  }
0x1b1: {  	v11 =	vand.u32 $0xFF, v18;
	v13 =	vshrl.u32 v15, $0x10;
	v21 =	vadd.s32 v3, v9;
	v9 =	vld [tilespmem:s18+$0xFFFFFFD0]  }
.Ltmp6:
0x1b2: {  	vm1 =	veq.s32 v10, v7;
	v10 =	vshrl.u32 v15, $0x18;
	v14 =	vand.u32 $0xFF, v13;
	[tilespmem:v19+s31+$0x0] =	vst.idx.add.s32.msk vm4, v4;
	(pc) =	sbr.rel @p0 .LBB2_10-.Ltmp6, $4  }
0x1b3: {  	v11 =	vadd.s32 v3, v11;
	vm2 =	veq.s32 v10, v7;
	[tilespmem:v17+s31+$0x0] =	vst.idx.add.s32.msk vm3, v4  }
0x1b4: {  	v13 =	vshrl.u32 v12, $0x10;
	v10 =	vadd.s32 v3, v14;
	[tilespmem:v20+s31+$0x0] =	vst.idx.add.s32.msk vm6, v4  }
0x1b5: {  	v14 =	vshrl.u32 v12, $0x18;
	v15 =	vshrl.u32 v16, $0x18;
	v16 =	vshrl.u32 v16, $0x10;
	v12 =	vld [tilespmem:s18+$0x10]  }
0x1b6: {  	s18 =	sadd.s32 $0x80, s18;
	[tilespmem:v21+s31+$0x0] =	vst.idx.add.s32.msk vm0, v4;
	vm0 =	veq.s32 v15, v7;
	v15 =	vand.u32 $0xFF, v16  }
0x1b7: {  	vm3 =	veq.s32 v14, v7;
	v13 =	vand.u32 $0xFF, v13;
	v14 =	vadd.s32 v3, v15  }
0x1b8: {  	v15 =	vshrl.u32 v9, $0x18;
	v16 =	vshrl.u32 v8, $0x18;
	v9 =	vshrl.u32 v9, $0x10  }
0x1b9: {  	v8 =	vshrl.u32 v8, $0x10;
	v13 =	vadd.s32 v3, v13;
	vm4 =	veq.s32 v15, v7  }
0x1ba: {  	vm5 =	veq.s32 v16, v7;
	v9 =	vand.u32 $0xFF, v9;
	v8 =	vand.u32 $0xFF, v8  }
0x1bb: {  	v9 =	vadd.s32 v3, v9;
	v15 =	vshrl.u32 v12, $0x10;
	v12 =	vshrl.u32 v12, $0x18  }
0x1bc: {  	[tilespmem:v11+s31+$0x0] =	vst.idx.add.s32.msk vm1, v4;
	v8 =	vadd.s32 v3, v8;
	vm13 =	veq.s32 v12, v7;
	v7 =	vand.u32 $0xFF, v15  }
0x1bd: {  	[tilespmem:v10+s31+$0x0] =	vst.idx.add.s32.msk vm2, v4;
	v7 =	vadd.s32 v3, v7  }
0x1be: {  	[tilespmem:v14+s31+$0x0] =	vst.idx.add.s32.msk vm0, v4  }
0x1bf: {  	[tilespmem:v13+s31+$0x0] =	vst.idx.add.s32.msk vm3, v4  }
0x1c0: {  	[tilespmem:v9+s31+$0x0] =	vst.idx.add.s32.msk vm4, v4  }
0x1c1: {  	[tilespmem:v8+s31+$0x0] =	vst.idx.add.s32.msk vm5, v4  }
0x1c2: {  	s0 =	simm.s32 $0x8888;
	[tilespmem:v7+s31+$0x0] =	vst.idx.add.s32.msk vm13, v4  }
0x1c3: {  	v7 =	vld [tilespmem:s0+$0xFFFFF7F8]  }
0x1c4: {  	v8 =	vld [tilespmem:s0+$0xFFFFF8F9]  }
0x1c5: {  	v9 =	vld [tilespmem:s0+$0xFFFFF9FA]  }
0x1c6: {  	v10 =	vld [tilespmem:s0+$0xFFFFFAFB]  }
0x1c7: {  	[tilespmem:s0+$0xFFFFF7F8] =	vst v2;
	v11 =	vld [tilespmem:s0+$0xFFFFFBFC]  }
0x1c8: {  	[tilespmem:s0+$0xFFFFF8F9] =	vst v2;
	v12 =	vld [tilespmem:s0+$0xFFFFFCFD]  }
0x1c9: {  	[tilespmem:s0+$0xFFFFF9FA] =	vst v2;
	v13 =	vld [tilespmem:s0+$0xFFFFFDFE]  }
0x1ca: {  	(xrf0) =	vadd.scan.msk.s32 $0xffff, v6;
	[tilespmem:s0+$0xFFFFFAFB] =	vst v2;
	v6 =	vld [tilespmem:s0+$0xFFFFFEFF]  }
0x1cb: {  	[tilespmem:s0+$0xFFFFFBFC] =	vst v2;
	v14 =	vld [tilespmem:s0+$0x0]  }
0x1cc: {  	[tilespmem:s0+$0xFFFFFCFD] =	vst v2;
	v15 =	vld [tilespmem:s0+$0x101]  }
0x1cd: {  	[tilespmem:s0+$0xFFFFFDFE] =	vst v2;
	v7 =	vadd.s32 v7, v8;
	v8 =	vld [tilespmem:s0+$0x202]  }
0x1ce: {  	[tilespmem:s0+$0xFFFFFEFF] =	vst v2;
	v7 =	vadd.s32 v9, v7;
	v9 =	vld [tilespmem:s0+$0x303]  }
0x1cf: {  	[tilespmem:s0+$0x0] =	vst v2;
	v7 =	vadd.s32 v10, v7;
	v10 =	vld [tilespmem:s0+$0x404]  }
0x1d0: {  	[tilespmem:s0+$0x101] =	vst v2;
	v7 =	vadd.s32 v11, v7;
	v11 =	vld [tilespmem:s0+$0x505]  }
0x1d1: {  	s19 =	simm.s32 $0x8898;
	[tilespmem:s0+$0x505] =	vst v2;
	v7 =	vadd.s32 v12, v7;
	v12 =	vld [tilespmem:s0+$0x606]  }
0x1d2: {  	[tilespmem:s0+$0x202] =	vst v2;
	v63 =	vld [tilespmem:s19+$0x505];
	v7 =	vadd.s32 v13, v7  }
0x1d3: {  	v62, _, _ =	vpop (xrf0);
	[tilespmem:s0+$0x606] =	vst v2;
	v13 =	vld [tilespmem:s0+$0x707];
	v6 =	vadd.s32 v6, v7  }
0x1d4: {  	(v2sf) =	vpush v62, $0xF;
	[tilespmem:s0+$0x303] =	vst v2;
	v17 =	vld [tilespmem:s19+$0x606];
	v6 =	vadd.s32 v14, v6  }
0x1d5: {  	[tilespmem:s0+$0x707] =	vst v2;
	v7 =	vld [tilespmem:s19+$0xFFFFF7F8];
	v6 =	vadd.s32 v15, v6  }
0x1d6: {  	[tilespmem:s0+$0x404] =	vst v2;
	v18 =	vld [tilespmem:s19+$0x707];
	v6 =	vadd.s32 v8, v6  }
0x1d7: {  	[tilespmem:s19+$0x505] =	vst v2;
	v14 =	vld [tilespmem:s19+$0xFFFFF8F9];
	v6 =	vadd.s32 v9, v6  }
0x1d8: {  	[tilespmem:s19+$0x606] =	vst v2;
	v15 =	vld [tilespmem:s19+$0xFFFFF9FA];
	v6 =	vadd.s32 v10, v6  }
0x1d9: {  	[tilespmem:s19+$0xFFFFF7F8] =	vst v2;
	v8 =	vld [tilespmem:s19+$0xFFFFFAFB];
	v6 =	vadd.s32 v11, v6  }
0x1da: {  	[tilespmem:s19+$0x707] =	vst v2;
	v9 =	vld [tilespmem:s19+$0xFFFFFBFC];
	v6 =	vadd.s32 v12, v6  }
0x1db: {  	[tilespmem:s19+$0xFFFFF8F9] =	vst v2;
	v10 =	vld [tilespmem:s19+$0xFFFFFCFD];
	v6 =	vadd.s32 v13, v6  }
0x1dc: {  	[tilespmem:s19+$0xFFFFF9FA] =	vst v2;
	v11 =	vld [tilespmem:s19+$0xFFFFFDFE];
	(xrf0) =	vadd.scan.msk.s32 $0xffff, v6  }
0x1dd: {  	[tilespmem:s19+$0xFFFFFAFB] =	vst v2;
	v7 =	vadd.s32 v7, v14;
	v14 =	vld [tilespmem:s19+$0x303]  }
0x1de: {  	[tilespmem:s19+$0xFFFFFBFC] =	vst v2;
	v12 =	vld [tilespmem:s19+$0xFFFFFEFF];
	v7 =	vadd.s32 v15, v7  }
0x1df: {  	[tilespmem:s19+$0xFFFFFCFD] =	vst v2;
	v13 =	vld [tilespmem:s19+$0x0];
	v7 =	vadd.s32 v8, v7  }
0x1e0: {  	[tilespmem:s19+$0xFFFFFDFE] =	vst v2;
	v8 =	vld [tilespmem:s19+$0x101];
	v7 =	vadd.s32 v9, v7  }
0x1e1: {  	[tilespmem:s19+$0x303] =	vst v2;
	v9 =	vld [tilespmem:s19+$0x202];
	v7 =	vadd.s32 v10, v7  }
0x1e2: {  	[tilespmem:s19+$0xFFFFFEFF] =	vst v2;
	v7 =	vadd.s32 v11, v7;
	v11, _, _ =	vpop (xrf0)  }
0x1e3: {  	s18 =	spop (v2sf);
	v15 =	vld [tilespmem:s19+$0x404];
	[tilespmem:s19+$0x404] =	vst v2;
	v7 =	vadd.s32 v12, v7;
	(v2sf) =	vpush v11, $0xF  }
0x1e4: {  	[tilespmem:s19+$0x0] =	vst v2;
	v10 =	vadd.s32 v13, v7  }
0x1e5: {  	s21 =	simm.s32 $0x0;
	s23 =	simm.s32 $0x88A8;
	s29 =	ssub.s32 $0x1333, s18;
	[tilespmem:s19+$0x101] =	vst v2;
	v8 =	vadd.s32 v8, v10  }
0x1e6: {  	[tilespmem:s19+$0x202] =	vst v2;
	v7 =	vmov s29;
	v13 =	vld [tilespmem:s23+$0xFFFFFAFB];
	v8 =	vadd.s32 v9, v8;
	v12 =	vadd.s32 s21, v11  }
0x1e7: {  	[tilespmem:s23+$0xFFFFFAFB] =	vst v2;
	v10 =	vld [tilespmem:s23+$0xFFFFF7F8];
	v9 =	vimm.s32 $0x0;
	v8 =	vadd.s32 v14, v8;
	v6 =	vsub.s32 v12, v6  }
0x1e8: {  	[tilespmem:s23+$0xFFFFF7F8] =	vst v2;
	v11 =	vld [tilespmem:s23+$0xFFFFF8F9];
	vm14 =	vge.s32 v12, v7;
	v8 =	vadd.s32 v15, v8;
	vm15 =	vlt.s32 v6, v7  }
0x1e9: {  	[tilespmem:s23+$0xFFFFF8F9] =	vst v2;
	v14 =	vor.u32 s21, v1;
	v12 =	vld [tilespmem:s23+$0xFFFFF9FA];
	v8 =	vadd.s32 v63, v8;
	vm0 =	vmand vm14, vm15  }
0x1ea: {  	s22 =	simm.s32 $0x30;
	s20 =	simm.s32 $0x40;
	[tilespmem:s23+$0xFFFFF9FA] =	vst v2;
	v16 =	vadd.s32 v17, v8;
	v15 =	vnsel vm0, $0x0, v14;
	v6 =	vnsel vm0, $0x0, v6  }
0x1eb: {  	s26 =	simm.s32 $0x50;
	s0 =	simm.s32 $0x10;
	s19 =	simm.s32 $0x20;
	v14 =	vld [tilespmem:s23+$0xFFFFFBFC];
	[tilespmem:s23+$0xFFFFFBFC] =	vst v2;
	v8 =	vadd.s32 v9, v15;
	v6 =	vadd.s32 v9, v6;
	v9 =	vadd.s32 v18, v16  }
.LBB2_12:
0x1ec: {  	p0 =	sne.s32 s26, $0xF0;
	v15 =	vld [tilespmem:s23+$0xFFFFFCFD];
	[tilespmem:s23+$0xFFFFFCFD] =	vst v2;
	(xrf0) =	vadd.scan.msk.s32 $0xffff, v9  }
0x1ed: {  	v10 =	vadd.s32 v10, v11;
	v11 =	vld [tilespmem:s23+$0xFFFFFDFE];
	[tilespmem:s23+$0xFFFFFDFE] =	vst v2  }
0x1ee: {  	v10 =	vadd.s32 v12, v10;
	v12 =	vld [tilespmem:s23+$0xFFFFFEFF];
	[tilespmem:s23+$0xFFFFFEFF] =	vst v2  }
0x1ef: {  	v10 =	vadd.s32 v13, v10;
	v13 =	vld [tilespmem:s23+$0x0];
	[tilespmem:s23+$0x0] =	vst v2  }
0x1f0: {  	v10 =	vadd.s32 v14, v10;
	v14 =	vld [tilespmem:s23+$0x101];
	[tilespmem:s23+$0x101] =	vst v2  }
0x1f1: {  	v10 =	vadd.s32 v15, v10;
	v15 =	vld [tilespmem:s23+$0x202];
	[tilespmem:s23+$0x202] =	vst v2  }
0x1f2: {  	v10 =	vadd.s32 v11, v10;
	v11 =	vld [tilespmem:s23+$0x303];
	[tilespmem:s23+$0x303] =	vst v2;
	v16, _, _ =	vpop (xrf0);
	s28 =	spop (v2sf)  }
0x1f3: {  	v10 =	vadd.s32 v12, v10;
	v12 =	vld [tilespmem:s23+$0x404];
	[tilespmem:s23+$0x404] =	vst v2;
	(v2sf) =	vpush v16, $0xF;
	s21 =	sadd.s32 s21, s28  }
0x1f4: {  	v10 =	vadd.s32 v13, v10;
	v13 =	vld [tilespmem:s23+$0x505];
	[tilespmem:s23+$0x505] =	vst v2;
	v16 =	vadd.s32 s21, v16  }
0x1f5: {  	v10 =	vadd.s32 v14, v10;
	v14 =	vld [tilespmem:s23+$0x606];
	[tilespmem:s23+$0x606] =	vst v2;
	v9 =	vsub.s32 v16, v9;
	vm0 =	vge.s32 v16, v7  }
0x1f6: {  	v15 =	vadd.s32 v15, v10;
	v16 =	vld [tilespmem:s23+$0x707];
	[tilespmem:s23+$0x707] =	vst v2;
	s23 =	sadd.s32 $0x10, s23;
	vm1 =	vlt.s32 v9, v7  }
.Ltmp7:
0x1f7: {  	v17 =	vor.u32 s0, v1;
	s0 =	smov.u32 s19;
	s19 =	smov.u32 s22;
	v10 =	vld [tilespmem:s23+$0xFFFFF7F8];
	[tilespmem:s23+$0xFFFFF7F8] =	vst v2;
	v15 =	vadd.s32 v11, v15;
	vm0 =	vmand vm0, vm1;
	(pc) =	sbr.rel @p0 .LBB2_12-.Ltmp7, $4  }
0x1f8: {  	s22 =	smov.u32 s20;
	s20 =	smov.u32 s26;
	v11 =	vld [tilespmem:s23+$0xFFFFF8F9];
	[tilespmem:s23+$0xFFFFF8F9] =	vst v2;
	v15 =	vadd.s32 v12, v15;
	v17 =	vnsel vm0, $0x0, v17;
	v9 =	vnsel vm0, $0x0, v9  }
0x1f9: {  	v12 =	vld [tilespmem:s23+$0xFFFFF9FA];
	[tilespmem:s23+$0xFFFFF9FA] =	vst v2;
	v15 =	vadd.s32 v13, v15;
	v8 =	vadd.s32 v8, v17;
	v6 =	vadd.s32 v6, v9  }
0x1fa: {  	v13 =	vld [tilespmem:s23+$0xFFFFFAFB];
	[tilespmem:s23+$0xFFFFFAFB] =	vst v2;
	v9 =	vadd.s32 v14, v15  }
0x1fb: {  	s26 =	sadd.s32 $0x10, s26;
	v14 =	vld [tilespmem:s23+$0xFFFFFBFC];
	[tilespmem:s23+$0xFFFFFBFC] =	vst v2;
	v9 =	vadd.s32 v16, v9  }
0x1fc: {  	v15 =	vld [tilespmem:s23+$0xFFFFFCFD]  }
0x1fd: {  	v16 =	vld [tilespmem:s23+$0xFFFFFDFE]  }
0x1fe: {  	v17 =	vld [tilespmem:s23+$0xFFFFFEFF]  }
0x1ff: {  	v18 =	vld [tilespmem:s23+$0x0]  }
0x200: {  	v19 =	vld [tilespmem:s23+$0x101]  }
0x201: {  	v20 =	vld [tilespmem:s23+$0x202]  }
0x202: {  	v21 =	vld [tilespmem:s23+$0x303]  }
0x203: {  	v22 =	vld [tilespmem:s23+$0x404]  }
0x204: {  	v23 =	vld [tilespmem:s23+$0x505]  }
0x205: {  	v24 =	vld [tilespmem:s23+$0x606]  }
0x206: {  	v25 =	vld [tilespmem:s23+$0x707];
	s26 =	sadd.s32 $0x10, s23  }
0x207: {  	v26 =	vld [tilespmem:s26+$0xFFFFF7F8]  }
0x208: {  	v27 =	vld [tilespmem:s26+$0xFFFFF8F9]  }
0x209: {  	v28 =	vld [tilespmem:s26+$0xFFFFF9FA]  }
0x20a: {  	v29 =	vld [tilespmem:s26+$0xFFFFFAFB]  }
0x20b: {  	[tilespmem:s23+$0xFFFFFCFD] =	vst v2;
	v30 =	vld [tilespmem:s26+$0xFFFFFBFC]  }
0x20c: {  	[tilespmem:s23+$0xFFFFFDFE] =	vst v2;
	v10 =	vadd.s32 v10, v11;
	v11 =	vld [tilespmem:s26+$0xFFFFFCFD]  }
0x20d: {  	[tilespmem:s23+$0xFFFFFEFF] =	vst v2;
	v51 =	vld [tilespmem:s26+$0xFFFFFDFE];
	v10 =	vadd.s32 v12, v10;
	v12 =	vadd.s32 v26, v27  }
0x20e: {  	[tilespmem:s23+$0x0] =	vst v2;
	v10 =	vadd.s32 v13, v10;
	v13 =	vld [tilespmem:s26+$0xFFFFFEFF];
	v12 =	vadd.s32 v28, v12  }
0x20f: {  	[tilespmem:s23+$0x101] =	vst v2;
	v10 =	vadd.s32 v14, v10;
	v14 =	vld [tilespmem:s26+$0x0];
	v12 =	vadd.s32 v29, v12  }
0x210: {  	[tilespmem:s23+$0x202] =	vst v2;
	v10 =	vadd.s32 v15, v10;
	v15 =	vld [tilespmem:s26+$0x101];
	v12 =	vadd.s32 v30, v12  }
0x211: {  	[tilespmem:s23+$0x303] =	vst v2;
	v10 =	vadd.s32 v16, v10;
	v11 =	vadd.s32 v11, v12;
	v12 =	vld [tilespmem:s26+$0x202]  }
0x212: {  	[tilespmem:s23+$0x404] =	vst v2;
	v52 =	vld [tilespmem:s26+$0x303];
	v10 =	vadd.s32 v17, v10;
	v11 =	vadd.s32 v51, v11  }
0x213: {  	[tilespmem:s23+$0x505] =	vst v2;
	v10 =	vadd.s32 v18, v10;
	v11 =	vadd.s32 v13, v11;
	v13 =	vld [tilespmem:s26+$0x404]  }
0x214: {  	[tilespmem:s23+$0x606] =	vst v2;
	v10 =	vadd.s32 v19, v10;
	v11 =	vadd.s32 v14, v11;
	v14 =	vld [tilespmem:s26+$0x505]  }
0x215: {  	[tilespmem:s23+$0x707] =	vst v2;
	v10 =	vadd.s32 v20, v10;
	v11 =	vadd.s32 v15, v11;
	v15 =	vld [tilespmem:s26+$0x606]  }
0x216: {  	v10 =	vadd.s32 v21, v10;
	v11 =	vadd.s32 v12, v11;
	v12 =	vld [tilespmem:s26+$0x707]  }
0x217: {  	[tilespmem:s26+$0xFFFFF7F8] =	vst v2;
	s23 =	sadd.s32 $0x10, s26;
	v10 =	vadd.s32 v22, v10;
	v11 =	vadd.s32 v52, v11  }
0x218: {  	[tilespmem:s26+$0xFFFFF8F9] =	vst v2;
	v53 =	vld [tilespmem:s23+$0xFFFFF7F8];
	v10 =	vadd.s32 v23, v10;
	v11 =	vadd.s32 v13, v11  }
0x219: {  	(xrf0) =	vadd.scan.msk.s32 $0xffff, v9;
	[tilespmem:s26+$0xFFFFF9FA] =	vst v2;
	v10 =	vadd.s32 v24, v10;
	v13 =	vld [tilespmem:s23+$0xFFFFF8F9];
	v11 =	vadd.s32 v14, v11  }
0x21a: {  	[tilespmem:s26+$0xFFFFFAFB] =	vst v2;
	v10 =	vadd.s32 v25, v10;
	v14 =	vld [tilespmem:s23+$0xFFFFF9FA];
	v11 =	vadd.s32 v15, v11  }
0x21b: {  	[tilespmem:s26+$0xFFFFFBFC] =	vst v2;
	(xrf0) =	vadd.scan.msk.s32 $0xffff, v10;
	v15 =	vld [tilespmem:s23+$0xFFFFFAFB];
	v11 =	vadd.s32 v12, v11  }
0x21c: {  	[tilespmem:s26+$0xFFFFFCFD] =	vst v2;
	v12 =	vld [tilespmem:s23+$0xFFFFFBFC];
	(xrf0) =	vadd.scan.msk.s32 $0xffff, v11  }
0x21d: {  	[tilespmem:s26+$0xFFFFFDFE] =	vst v2;
	v54 =	vld [tilespmem:s23+$0xFFFFFCFD]  }
0x21e: {  	v55 =	vld [tilespmem:s23+$0xFFFFFDFE];
	[tilespmem:s26+$0xFFFFFEFF] =	vst v2;
	v13 =	vadd.s32 v53, v13  }
0x21f: {  	[tilespmem:s26+$0x0] =	vst v2;
	v56, _, _ =	vpop (xrf0);
	v13 =	vadd.s32 v14, v13;
	v14 =	vld [tilespmem:s23+$0xFFFFFEFF]  }
0x220: {  	[tilespmem:s26+$0x101] =	vst v2;
	(v2sf) =	vpush v56, $0xF;
	v13 =	vadd.s32 v15, v13;
	v15 =	vld [tilespmem:s23+$0x0]  }
0x221: {  	[tilespmem:s26+$0x202] =	vst v2;
	v57, _, _ =	vpop (xrf0);
	v12 =	vadd.s32 v12, v13;
	v13 =	vld [tilespmem:s23+$0x101]  }
0x222: {  	[tilespmem:s26+$0x303] =	vst v2;
	v58 =	vld [tilespmem:s23+$0x202];
	(v2sf) =	vpush v57, $0xF;
	v12 =	vadd.s32 v54, v12;
	v59, _, _ =	vpop (xrf0)  }
0x223: {  	v60 =	vld [tilespmem:s23+$0x303];
	[tilespmem:s26+$0x404] =	vst v2;
	v12 =	vadd.s32 v55, v12;
	(v2sf) =	vpush v59, $0xF  }
0x224: {  	[tilespmem:s26+$0x505] =	vst v2;
	v12 =	vadd.s32 v14, v12;
	v14 =	vld [tilespmem:s23+$0x404]  }
0x225: {  	[tilespmem:s26+$0x606] =	vst v2;
	v12 =	vadd.s32 v15, v12;
	v15 =	vld [tilespmem:s23+$0x505]  }
0x226: {  	[tilespmem:s26+$0x707] =	vst v2;
	v12 =	vadd.s32 v13, v12;
	v13 =	vld [tilespmem:s23+$0x606]  }
0x227: {  	v61 =	vld [tilespmem:s23+$0x707];
	v12 =	vadd.s32 v58, v12  }
0x228: {  	v12 =	vadd.s32 v60, v12  }
0x229: {  	v12 =	vadd.s32 v14, v12  }
0x22a: {  	v12 =	vadd.s32 v15, v12  }
0x22b: {  	v12 =	vadd.s32 v13, v12  }
0x22c: {  	v12 =	vadd.s32 v61, v12  }
0x22d: {  	s29 =	spop (v2sf);
	(xrf0) =	vadd.scan.msk.s32 $0xffff, v12  }
0x22e: {  	s21 =	sadd.s32 s21, s29  }
0x22f: {  	s28 =	spop (v2sf);
	v13 =	vadd.s32 s21, v56  }
0x230: {  	s21 =	sadd.s32 s21, s28;
	v9 =	vsub.s32 v13, v9  }
0x231: {  	vm0 =	vge.s32 v13, v7;
	v13 =	vadd.s32 s21, v57;
	vm1 =	vlt.s32 v9, v7;
	s29 =	spop (v2sf)  }
0x232: {  	v14 =	vor.u32 s0, v1;
	v10 =	vsub.s32 v13, v10;
	vm0 =	vmand vm0, vm1;
	s28 =	sadd.s32 s21, s29;
	s29 =	spop (v2sf)  }
0x233: {  	vm1 =	vge.s32 v13, v7;
	vm2 =	vlt.s32 v10, v7;
	v13 =	vadd.s32 s28, v59;
	v15, _, _ =	vpop (xrf0);
	s0 =	sadd.s32 s28, s29  }
0x234: {  	vm2 =	vmand vm1, vm2;
	v11 =	vsub.s32 v13, v11;
	v62 =	vadd.s32 s0, v15  }
0x235: {  	vm1 =	vge.s32 v13, v7;
	vm3 =	vlt.s32 v11, v7;
	v12 =	vsub.s32 v62, v12  }
0x236: {  	vm3 =	vmand vm1, vm3;
	vm1 =	vge.s32 v62, v7;
	vm4 =	vlt.s32 v12, v7  }
0x237: {  	v13 =	vor.u32 s19, v1;
	v7 =	vnsel vm0, $0x0, v14;
	vm1 =	vmand vm1, vm4  }
0x238: {  	v7 =	vadd.s32 v8, v7;
	v8 =	vnsel vm2, $0x0, v13;
	v13 =	vor.u32 s22, v1  }
0x239: {  	v7 =	vadd.s32 v7, v8;
	v8 =	vnsel vm3, $0x0, v13;
	v13 =	vor.u32 s20, v1  }
0x23a: {  	v7 =	vadd.s32 v7, v8;
	v8 =	vnsel vm1, $0x0, v13  }
0x23b: {  	v7 =	vadd.s32 v7, v8  }
0x23c: {  	(xrf0) =	vadd.scan.msk.s32 $0xffff, v7;
	_ =	sdelay $0x2  }
0x23d: {  	[tilespmem:s23+$0xFFFFF7F8] =	vst v2  }
0x23e: {  	[tilespmem:s23+$0xFFFFFCFD] =	vst v2  }
0x23f: {  	[tilespmem:s23+$0xFFFFFDFE] =	vst v2;
	(v2sf) =	vpush v15, $0xF  }
0x240: {  	[tilespmem:s23+$0x303] =	vst v2;
	(v2sf) =	vpush v5, $0xF;
	v5, _, _ =	vpop (xrf0)  }
0x241: {  	[tilespmem:s23+$0x202] =	vst v2;
	(v2sf) =	vpush v5, $0xF  }
0x242: {  	[tilespmem:s23+$0x707] =	vst v2  }
0x243: {  	[tilespmem:s23+$0xFFFFF8F9] =	vst v2  }
0x244: {  	[tilespmem:s23+$0xFFFFF9FA] =	vst v2  }
0x245: {  	[tilespmem:s23+$0xFFFFFAFB] =	vst v2  }
0x246: {  	[tilespmem:s23+$0xFFFFFBFC] =	vst v2  }
0x247: {  	[tilespmem:s23+$0xFFFFFEFF] =	vst v2  }
0x248: {  	[tilespmem:s23+$0x0] =	vst v2  }
0x249: {  	[tilespmem:s23+$0x101] =	vst v2  }
0x24a: {  	[tilespmem:s23+$0x404] =	vst v2  }
0x24b: {  	[tilespmem:s23+$0x505] =	vst v2  }
0x24c: {  	s26 =	simm.s32 $0x60C0;
	[tilespmem:s23+$0x606] =	vst v2  }
0x24d: {  	v5 =	vld [tilespmem:s26+$0xFFFFFFC0]  }
0x24e: {  	s28 =	spop (v2sf)  }
0x24f: {  	v8 =	vld [tilespmem:s26+$0xFFFFFFF0];
	v7 =	vnsel vm0, $0x0, v9;
	s19 =	spop (v2sf)  }
0x250: {  	v9 =	vld [tilespmem:s26+$0x30];
	v6 =	vadd.s32 v6, v7;
	v7 =	vnsel vm2, $0x0, v10;
	s19 =	sshll.u32 s19, $0x8;
	s29 =	spop (v2sf)  }
0x251: {  	v6 =	vadd.s32 v6, v7;
	v7 =	vnsel vm3, $0x0, v11;
	s19 =	sor.u32 s19, s29  }
0x252: {  	v7 =	vadd.s32 v6, v7;
	v10 =	vshrl.u32 v5, $0x10;
	v6 =	vmov s19  }
0x253: {  	v14 =	vld [tilespmem:s26+$0x0];
	v11 =	vnsel vm1, $0x0, v12;
	v5 =	vshrl.u32 v5, $0x8;
	vm0 =	veq.s32 v10, v6  }
0x254: {  	v10 =	vand.u32 $0xFF, v5;
	v5 =	vadd.s32 v7, v11;
	v7 =	vshrl.u32 v8, $0x8  }
0x255: {  	v13 =	vld [tilespmem:s26+$0xFFFFFFE0];
	v8 =	vshrl.u32 v8, $0x10;
	v11 =	vshrl.u32 v9, $0x8;
	v15 =	vadd.s32 v3, v10  }
0x256: {  	v9 =	vshrl.u32 v9, $0x10;
	v10 =	vand.u32 $0xFF, v7;
	v7 =	vld [tilespmem:s26+$0x20];
	vm1 =	veq.s32 v8, v6  }
0x257: {  	v11 =	vand.u32 $0xFF, v11;
	v8 =	vld [tilespmem:s26+$0xFFFFFFD0];
	vm2 =	veq.s32 v9, v6;
	v10 =	vadd.s32 v3, v10  }
0x258: {  	v63 =	vshrl.u32 v14, $0x10;
	v14 =	vshrl.u32 v14, $0x8;
	v9 =	vadd.s32 v3, v11  }
0x259: {  	v14 =	vand.u32 $0xFF, v14;
	v11 =	vld [tilespmem:s26+$0x10]  }
0x25a: {  	s0 =	simm.s32 $0x0;
	s20 =	simm.s32 $0x6140;
	v12 =	vshrl.u32 v13, $0x8;
	v13 =	vshrl.u32 v13, $0x10;
	[tilespmem:v15+s31+$0x0] =	vst.idx.add.s32.msk vm0, v4;
	vm0 =	veq.s32 v63, v6  }
.LBB2_14:
0x25b: {  	v15 =	vld [tilespmem:s20+$0xFFFFFFF0];
	s0 =	sadd.s32 $0x8, s0;
	vm5 =	veq.s32 v13, v6;
	v12 =	vand.u32 $0xFF, v12;
	v13 =	vadd.s32 v3, v14  }
0x25c: {  	v14 =	vshrl.u32 v8, $0x10;
	p0 =	slt.u32 s0, $0x1F8;
	v12 =	vadd.s32 v3, v12;
	[tilespmem:v10+s31+$0x0] =	vst.idx.add.s32.msk vm1, v4;
	v10 =	vshrl.u32 v7, $0x10  }
0x25d: {  	vm4 =	veq.s32 v14, v6;
	v7 =	vshrl.u32 v7, $0x8;
	vm3 =	veq.s32 v10, v6;
	[tilespmem:v9+s31+$0x0] =	vst.idx.add.s32.msk vm2, v4  }
0x25e: {  	v8 =	vshrl.u32 v8, $0x8;
	v7 =	vand.u32 $0xFF, v7;
	v9 =	vld [tilespmem:s20+$0xFFFFFFC0];
	v10 =	vshrl.u32 v11, $0x8  }
0x25f: {  	v8 =	vand.u32 $0xFF, v8;
	v11 =	vshrl.u32 v11, $0x10;
	v16 =	vadd.s32 v3, v7;
	v14 =	vld [tilespmem:s20+$0x30]  }
0x260: {  	vm6 =	veq.s32 v11, v6;
	v10 =	vand.u32 $0xFF, v10;
	v17 =	vshrl.u32 v15, $0x8;
	v7 =	vld [tilespmem:s20+$0x20]  }
0x261: {  	v18 =	vadd.s32 v3, v8;
	v19 =	vadd.s32 v3, v10;
	v11 =	vld [tilespmem:s20+$0xFFFFFFE0]  }
0x262: {  	[tilespmem:v12+s31+$0x0] =	vst.idx.add.s32.msk vm5, v4  }
0x263: {  	v8 =	vshrl.u32 v9, $0x10;
	v9 =	vshrl.u32 v9, $0x8;
	[tilespmem:v13+s31+$0x0] =	vst.idx.add.s32.msk vm0, v4  }
0x264: {  	vm0 =	veq.s32 v8, v6;
	v8 =	vand.u32 $0xFF, v9;
	v9 =	vshrl.u32 v15, $0x10;
	v15 =	vld [tilespmem:s20+$0x0]  }
0x265: {  	v10 =	vand.u32 $0xFF, v17;
	v12 =	vshrl.u32 v14, $0x8;
	v20 =	vadd.s32 v3, v8;
	v8 =	vld [tilespmem:s20+$0xFFFFFFD0]  }
.Ltmp8:
0x266: {  	vm1 =	veq.s32 v9, v6;
	v9 =	vshrl.u32 v14, $0x10;
	v13 =	vand.u32 $0xFF, v12;
	[tilespmem:v18+s31+$0x0] =	vst.idx.add.s32.msk vm4, v4;
	(pc) =	sbr.rel @p0 .LBB2_14-.Ltmp8, $4  }
0x267: {  	v10 =	vadd.s32 v3, v10;
	vm2 =	veq.s32 v9, v6;
	[tilespmem:v16+s31+$0x0] =	vst.idx.add.s32.msk vm3, v4  }
0x268: {  	v12 =	vshrl.u32 v11, $0x8;
	v9 =	vadd.s32 v3, v13;
	[tilespmem:v19+s31+$0x0] =	vst.idx.add.s32.msk vm6, v4  }
0x269: {  	v13 =	vshrl.u32 v11, $0x10;
	v14 =	vshrl.u32 v15, $0x10;
	v15 =	vshrl.u32 v15, $0x8;
	v11 =	vld [tilespmem:s20+$0x10]  }
0x26a: {  	s20 =	sadd.s32 $0x80, s20;
	[tilespmem:v20+s31+$0x0] =	vst.idx.add.s32.msk vm0, v4;
	vm0 =	veq.s32 v14, v6;
	v14 =	vand.u32 $0xFF, v15  }
0x26b: {  	vm3 =	veq.s32 v13, v6;
	v12 =	vand.u32 $0xFF, v12;
	v13 =	vadd.s32 v3, v14  }
0x26c: {  	v14 =	vshrl.u32 v8, $0x10;
	v15 =	vshrl.u32 v7, $0x10;
	v8 =	vshrl.u32 v8, $0x8  }
0x26d: {  	v7 =	vshrl.u32 v7, $0x8;
	v12 =	vadd.s32 v3, v12;
	vm4 =	veq.s32 v14, v6  }
0x26e: {  	vm5 =	veq.s32 v15, v6;
	v8 =	vand.u32 $0xFF, v8;
	v7 =	vand.u32 $0xFF, v7  }
0x26f: {  	v8 =	vadd.s32 v3, v8;
	v14 =	vshrl.u32 v11, $0x8;
	v11 =	vshrl.u32 v11, $0x10  }
0x270: {  	[tilespmem:v10+s31+$0x0] =	vst.idx.add.s32.msk vm1, v4;
	v7 =	vadd.s32 v3, v7;
	vm13 =	veq.s32 v11, v6;
	v6 =	vand.u32 $0xFF, v14  }
0x271: {  	[tilespmem:v9+s31+$0x0] =	vst.idx.add.s32.msk vm2, v4;
	v6 =	vadd.s32 v3, v6  }
0x272: {  	[tilespmem:v13+s31+$0x0] =	vst.idx.add.s32.msk vm0, v4  }
0x273: {  	[tilespmem:v12+s31+$0x0] =	vst.idx.add.s32.msk vm3, v4  }
0x274: {  	[tilespmem:v8+s31+$0x0] =	vst.idx.add.s32.msk vm4, v4  }
0x275: {  	[tilespmem:v7+s31+$0x0] =	vst.idx.add.s32.msk vm5, v4  }
0x276: {  	s0 =	simm.s32 $0x8888;
	[tilespmem:v6+s31+$0x0] =	vst.idx.add.s32.msk vm13, v4  }
0x277: {  	v6 =	vld [tilespmem:s0+$0xFFFFF7F8]  }
0x278: {  	v7 =	vld [tilespmem:s0+$0xFFFFF8F9]  }
0x279: {  	v8 =	vld [tilespmem:s0+$0xFFFFF9FA]  }
0x27a: {  	[tilespmem:s0+$0xFFFFF7F8] =	vst v2;
	v9 =	vld [tilespmem:s0+$0xFFFFFAFB]  }
0x27b: {  	[tilespmem:s0+$0xFFFFF8F9] =	vst v2;
	v10 =	vld [tilespmem:s0+$0xFFFFFBFC]  }
0x27c: {  	[tilespmem:s0+$0xFFFFF9FA] =	vst v2;
	v11 =	vld [tilespmem:s0+$0xFFFFFCFD]  }
0x27d: {  	(xrf0) =	vadd.scan.msk.s32 $0xffff, v5;
	[tilespmem:s0+$0xFFFFFAFB] =	vst v2;
	v5 =	vld [tilespmem:s0+$0xFFFFFDFE]  }
0x27e: {  	[tilespmem:s0+$0xFFFFFBFC] =	vst v2;
	v12 =	vld [tilespmem:s0+$0xFFFFFEFF]  }
0x27f: {  	[tilespmem:s0+$0xFFFFFCFD] =	vst v2;
	v13 =	vld [tilespmem:s0+$0x0]  }
0x280: {  	[tilespmem:s0+$0xFFFFFDFE] =	vst v2;
	v14 =	vld [tilespmem:s0+$0x101];
	v6 =	vadd.s32 v6, v7  }
0x281: {  	[tilespmem:s0+$0xFFFFFEFF] =	vst v2;
	v7 =	vld [tilespmem:s0+$0x202];
	v6 =	vadd.s32 v8, v6  }
0x282: {  	[tilespmem:s0+$0x0] =	vst v2;
	v8 =	vld [tilespmem:s0+$0x303];
	v6 =	vadd.s32 v9, v6  }
0x283: {  	[tilespmem:s0+$0x101] =	vst v2;
	v9 =	vld [tilespmem:s0+$0x404];
	v6 =	vadd.s32 v10, v6  }
0x284: {  	[tilespmem:s0+$0x202] =	vst v2;
	v10 =	vld [tilespmem:s0+$0x505];
	v6 =	vadd.s32 v11, v6  }
0x285: {  	[tilespmem:s0+$0x303] =	vst v2;
	v11 =	vld [tilespmem:s0+$0x606];
	v5 =	vadd.s32 v5, v6  }
0x286: {  	s21 =	simm.s32 $0x8898;
	v15, _, _ =	vpop (xrf0);
	[tilespmem:s0+$0x606] =	vst v2;
	v6 =	vld [tilespmem:s0+$0x707];
	v5 =	vadd.s32 v12, v5  }
0x287: {  	(v2sf) =	vpush v15, $0xF;
	[tilespmem:s0+$0x404] =	vst v2;
	v15 =	vld [tilespmem:s21+$0x606];
	v5 =	vadd.s32 v13, v5  }
0x288: {  	[tilespmem:s0+$0x707] =	vst v2;
	v12 =	vld [tilespmem:s21+$0xFFFFF7F8];
	v5 =	vadd.s32 v14, v5  }
0x289: {  	[tilespmem:s0+$0x505] =	vst v2;
	v16 =	vld [tilespmem:s21+$0x707];
	v5 =	vadd.s32 v7, v5  }
0x28a: {  	[tilespmem:s21+$0x606] =	vst v2;
	v13 =	vld [tilespmem:s21+$0xFFFFF8F9];
	v5 =	vadd.s32 v8, v5  }
0x28b: {  	[tilespmem:s21+$0xFFFFF7F8] =	vst v2;
	v14 =	vld [tilespmem:s21+$0xFFFFF9FA];
	v5 =	vadd.s32 v9, v5  }
0x28c: {  	[tilespmem:s21+$0x707] =	vst v2;
	v7 =	vld [tilespmem:s21+$0xFFFFFAFB];
	v5 =	vadd.s32 v10, v5  }
0x28d: {  	[tilespmem:s21+$0xFFFFF8F9] =	vst v2;
	v8 =	vld [tilespmem:s21+$0xFFFFFBFC];
	v5 =	vadd.s32 v11, v5  }
0x28e: {  	[tilespmem:s21+$0xFFFFF9FA] =	vst v2;
	v9 =	vld [tilespmem:s21+$0xFFFFFCFD];
	v5 =	vadd.s32 v6, v5  }
0x28f: {  	[tilespmem:s21+$0xFFFFFAFB] =	vst v2;
	v10 =	vld [tilespmem:s21+$0xFFFFFDFE];
	(xrf0) =	vadd.scan.msk.s32 $0xffff, v5  }
0x290: {  	[tilespmem:s21+$0xFFFFFBFC] =	vst v2;
	v11 =	vadd.s32 v12, v13;
	v12 =	vld [tilespmem:s21+$0xFFFFFEFF]  }
0x291: {  	[tilespmem:s21+$0xFFFFFCFD] =	vst v2;
	v13 =	vld [tilespmem:s21+$0x303];
	v6 =	vadd.s32 v14, v11  }
0x292: {  	[tilespmem:s21+$0xFFFFFDFE] =	vst v2;
	v11 =	vld [tilespmem:s21+$0x0];
	v6 =	vadd.s32 v7, v6  }
0x293: {  	[tilespmem:s21+$0xFFFFFEFF] =	vst v2;
	v7 =	vld [tilespmem:s21+$0x101];
	v6 =	vadd.s32 v8, v6  }
0x294: {  	[tilespmem:s21+$0x303] =	vst v2;
	v8 =	vld [tilespmem:s21+$0x202];
	v6 =	vadd.s32 v9, v6  }
0x295: {  	[tilespmem:s21+$0x0] =	vst v2;
	v6 =	vadd.s32 v10, v6;
	v10, _, _ =	vpop (xrf0)  }
0x296: {  	s29 =	spop (v2sf);
	v14 =	vld [tilespmem:s21+$0x404];
	[tilespmem:s21+$0x404] =	vst v2;
	v6 =	vadd.s32 v12, v6;
	(v2sf) =	vpush v10, $0xF  }
0x297: {  	s20 =	sadd.s32 s18, s29;
	[tilespmem:s21+$0x101] =	vst v2;
	v12 =	vld [tilespmem:s21+$0x505];
	v9 =	vadd.s32 v11, v6  }
0x298: {  	s22 =	simm.s32 $0x0;
	s0 =	ssub.s32 $0x1333, s20;
	[tilespmem:s21+$0x202] =	vst v2;
	v7 =	vadd.s32 v7, v9  }
0x299: {  	s26 =	simm.s32 $0x88A8;
	[tilespmem:s21+$0x505] =	vst v2;
	v6 =	vmov s0;
	v11 =	vadd.s32 s22, v10;
	v7 =	vadd.s32 v8, v7  }
0x29a: {  	v9 =	vld [tilespmem:s26+$0xFFFFF7F8];
	[tilespmem:s26+$0xFFFFF7F8] =	vst v2;
	v8 =	vimm.s32 $0x0;
	v5 =	vsub.s32 v11, v5;
	v7 =	vadd.s32 v13, v7  }
0x29b: {  	v10 =	vld [tilespmem:s26+$0xFFFFF8F9];
	[tilespmem:s26+$0xFFFFF8F9] =	vst v2;
	vm14 =	vge.s32 v11, v6;
	vm15 =	vlt.s32 v5, v6;
	v7 =	vadd.s32 v14, v7  }
0x29c: {  	v11 =	vld [tilespmem:s26+$0xFFFFF9FA];
	v13 =	vor.u32 s22, v1;
	[tilespmem:s26+$0xFFFFF9FA] =	vst v2;
	vm0 =	vmand vm14, vm15;
	v7 =	vadd.s32 v12, v7  }
0x29d: {  	s23 =	simm.s32 $0x10;
	s28 =	simm.s32 $0x50;
	v12 =	vld [tilespmem:s26+$0xFFFFFAFB];
	[tilespmem:s26+$0xFFFFFAFB] =	vst v2;
	v14 =	vnsel vm0, $0x0, v13;
	v5 =	vnsel vm0, $0x0, v5;
	v15 =	vadd.s32 v15, v7  }
0x29e: {  	s18 =	simm.s32 $0x20;
	s21 =	simm.s32 $0x40;
	s0 =	simm.s32 $0x30;
	v13 =	vld [tilespmem:s26+$0xFFFFFBFC];
	[tilespmem:s26+$0xFFFFFBFC] =	vst v2;
	v7 =	vadd.s32 v8, v14;
	v5 =	vadd.s32 v8, v5;
	v8 =	vadd.s32 v16, v15  }
.LBB2_16:
0x29f: {  	p0 =	sne.s32 s28, $0xF0;
	v14 =	vld [tilespmem:s26+$0xFFFFFCFD];
	[tilespmem:s26+$0xFFFFFCFD] =	vst v2;
	(xrf0) =	vadd.scan.msk.s32 $0xffff, v8  }
0x2a0: {  	v9 =	vadd.s32 v9, v10;
	v10 =	vld [tilespmem:s26+$0xFFFFFDFE];
	[tilespmem:s26+$0xFFFFFDFE] =	vst v2  }
0x2a1: {  	v9 =	vadd.s32 v11, v9;
	v11 =	vld [tilespmem:s26+$0xFFFFFEFF];
	[tilespmem:s26+$0xFFFFFEFF] =	vst v2  }
0x2a2: {  	v9 =	vadd.s32 v12, v9;
	v12 =	vld [tilespmem:s26+$0x0];
	[tilespmem:s26+$0x0] =	vst v2  }
0x2a3: {  	v9 =	vadd.s32 v13, v9;
	v13 =	vld [tilespmem:s26+$0x101];
	[tilespmem:s26+$0x101] =	vst v2  }
0x2a4: {  	v9 =	vadd.s32 v14, v9;
	v14 =	vld [tilespmem:s26+$0x202];
	[tilespmem:s26+$0x202] =	vst v2  }
0x2a5: {  	v9 =	vadd.s32 v10, v9;
	v10 =	vld [tilespmem:s26+$0x303];
	[tilespmem:s26+$0x303] =	vst v2;
	v15, _, _ =	vpop (xrf0);
	s29 =	spop (v2sf)  }
0x2a6: {  	v9 =	vadd.s32 v11, v9;
	v11 =	vld [tilespmem:s26+$0x404];
	[tilespmem:s26+$0x404] =	vst v2;
	(v2sf) =	vpush v15, $0xF;
	s22 =	sadd.s32 s22, s29  }
0x2a7: {  	v9 =	vadd.s32 v12, v9;
	v12 =	vld [tilespmem:s26+$0x505];
	[tilespmem:s26+$0x505] =	vst v2;
	v15 =	vadd.s32 s22, v15  }
0x2a8: {  	v9 =	vadd.s32 v13, v9;
	v13 =	vld [tilespmem:s26+$0x606];
	[tilespmem:s26+$0x606] =	vst v2;
	v8 =	vsub.s32 v15, v8;
	vm0 =	vge.s32 v15, v6  }
0x2a9: {  	v14 =	vadd.s32 v14, v9;
	v15 =	vld [tilespmem:s26+$0x707];
	[tilespmem:s26+$0x707] =	vst v2;
	s26 =	sadd.s32 $0x10, s26;
	vm1 =	vlt.s32 v8, v6  }
.Ltmp9:
0x2aa: {  	v16 =	vor.u32 s23, v1;
	s23 =	smov.u32 s18;
	s18 =	smov.u32 s0;
	v9 =	vld [tilespmem:s26+$0xFFFFF7F8];
	[tilespmem:s26+$0xFFFFF7F8] =	vst v2;
	v14 =	vadd.s32 v10, v14;
	vm0 =	vmand vm0, vm1;
	(pc) =	sbr.rel @p0 .LBB2_16-.Ltmp9, $4  }
0x2ab: {  	s0 =	smov.u32 s21;
	s21 =	smov.u32 s28;
	v10 =	vld [tilespmem:s26+$0xFFFFF8F9];
	[tilespmem:s26+$0xFFFFF8F9] =	vst v2;
	v14 =	vadd.s32 v11, v14;
	v16 =	vnsel vm0, $0x0, v16;
	v8 =	vnsel vm0, $0x0, v8  }
0x2ac: {  	v11 =	vld [tilespmem:s26+$0xFFFFF9FA];
	[tilespmem:s26+$0xFFFFF9FA] =	vst v2;
	v14 =	vadd.s32 v12, v14;
	v7 =	vadd.s32 v7, v16;
	v5 =	vadd.s32 v5, v8  }
0x2ad: {  	v12 =	vld [tilespmem:s26+$0xFFFFFAFB];
	[tilespmem:s26+$0xFFFFFAFB] =	vst v2;
	v8 =	vadd.s32 v13, v14  }
0x2ae: {  	s28 =	sadd.s32 $0x10, s28;
	v13 =	vld [tilespmem:s26+$0xFFFFFBFC];
	[tilespmem:s26+$0xFFFFFBFC] =	vst v2;
	v8 =	vadd.s32 v15, v8  }
0x2af: {  	v14 =	vld [tilespmem:s26+$0xFFFFFCFD]  }
0x2b0: {  	v15 =	vld [tilespmem:s26+$0xFFFFFDFE]  }
0x2b1: {  	v16 =	vld [tilespmem:s26+$0xFFFFFEFF]  }
0x2b2: {  	v17 =	vld [tilespmem:s26+$0x0]  }
0x2b3: {  	v18 =	vld [tilespmem:s26+$0x101]  }
0x2b4: {  	v19 =	vld [tilespmem:s26+$0x202]  }
0x2b5: {  	v20 =	vld [tilespmem:s26+$0x303]  }
0x2b6: {  	v21 =	vld [tilespmem:s26+$0x404]  }
0x2b7: {  	v22 =	vld [tilespmem:s26+$0x505]  }
0x2b8: {  	v23 =	vld [tilespmem:s26+$0x606]  }
0x2b9: {  	v24 =	vld [tilespmem:s26+$0x707];
	s28 =	sadd.s32 $0x10, s26  }
0x2ba: {  	v25 =	vld [tilespmem:s28+$0xFFFFF7F8]  }
0x2bb: {  	v26 =	vld [tilespmem:s28+$0xFFFFF8F9]  }
0x2bc: {  	v27 =	vld [tilespmem:s28+$0xFFFFF9FA]  }
0x2bd: {  	v28 =	vld [tilespmem:s28+$0xFFFFFAFB]  }
0x2be: {  	[tilespmem:s26+$0xFFFFFCFD] =	vst v2;
	v29 =	vld [tilespmem:s28+$0xFFFFFBFC]  }
0x2bf: {  	[tilespmem:s26+$0xFFFFFDFE] =	vst v2;
	v9 =	vadd.s32 v9, v10;
	v10 =	vld [tilespmem:s28+$0xFFFFFCFD]  }
0x2c0: {  	[tilespmem:s26+$0xFFFFFEFF] =	vst v2;
	v56 =	vld [tilespmem:s28+$0xFFFFFDFE];
	v9 =	vadd.s32 v11, v9;
	v11 =	vadd.s32 v25, v26  }
0x2c1: {  	[tilespmem:s26+$0x0] =	vst v2;
	v9 =	vadd.s32 v12, v9;
	v12 =	vld [tilespmem:s28+$0xFFFFFEFF];
	v11 =	vadd.s32 v27, v11  }
0x2c2: {  	[tilespmem:s26+$0x101] =	vst v2;
	v9 =	vadd.s32 v13, v9;
	v13 =	vld [tilespmem:s28+$0x0];
	v11 =	vadd.s32 v28, v11  }
0x2c3: {  	[tilespmem:s26+$0x202] =	vst v2;
	v9 =	vadd.s32 v14, v9;
	v14 =	vld [tilespmem:s28+$0x101];
	v11 =	vadd.s32 v29, v11  }
0x2c4: {  	[tilespmem:s26+$0x303] =	vst v2;
	v9 =	vadd.s32 v15, v9;
	v10 =	vadd.s32 v10, v11;
	v11 =	vld [tilespmem:s28+$0x202]  }
0x2c5: {  	[tilespmem:s26+$0x404] =	vst v2;
	v15 =	vld [tilespmem:s28+$0x303];
	v9 =	vadd.s32 v16, v9;
	v10 =	vadd.s32 v56, v10  }
0x2c6: {  	[tilespmem:s26+$0x505] =	vst v2;
	v9 =	vadd.s32 v17, v9;
	v10 =	vadd.s32 v12, v10;
	v12 =	vld [tilespmem:s28+$0x404]  }
0x2c7: {  	[tilespmem:s26+$0x606] =	vst v2;
	v9 =	vadd.s32 v18, v9;
	v10 =	vadd.s32 v13, v10;
	v13 =	vld [tilespmem:s28+$0x505]  }
0x2c8: {  	[tilespmem:s26+$0x707] =	vst v2;
	v9 =	vadd.s32 v19, v9;
	v10 =	vadd.s32 v14, v10;
	v14 =	vld [tilespmem:s28+$0x606]  }
0x2c9: {  	v9 =	vadd.s32 v20, v9;
	v10 =	vadd.s32 v11, v10;
	v11 =	vld [tilespmem:s28+$0x707]  }
0x2ca: {  	[tilespmem:s28+$0xFFFFF7F8] =	vst v2;
	s26 =	sadd.s32 $0x10, s28;
	v9 =	vadd.s32 v21, v9;
	v10 =	vadd.s32 v15, v10  }
0x2cb: {  	[tilespmem:s28+$0xFFFFF8F9] =	vst v2;
	v9 =	vadd.s32 v22, v9;
	v15 =	vld [tilespmem:s26+$0xFFFFF7F8];
	v10 =	vadd.s32 v12, v10  }
0x2cc: {  	(xrf0) =	vadd.scan.msk.s32 $0xffff, v8;
	[tilespmem:s28+$0xFFFFF9FA] =	vst v2;
	v9 =	vadd.s32 v23, v9;
	v12 =	vld [tilespmem:s26+$0xFFFFF8F9];
	v10 =	vadd.s32 v13, v10  }
0x2cd: {  	[tilespmem:s28+$0xFFFFFAFB] =	vst v2;
	v9 =	vadd.s32 v24, v9;
	v13 =	vld [tilespmem:s26+$0xFFFFF9FA];
	v10 =	vadd.s32 v14, v10  }
0x2ce: {  	[tilespmem:s28+$0xFFFFFBFC] =	vst v2;
	(xrf0) =	vadd.scan.msk.s32 $0xffff, v9;
	v14 =	vld [tilespmem:s26+$0xFFFFFAFB];
	v10 =	vadd.s32 v11, v10  }
0x2cf: {  	[tilespmem:s28+$0xFFFFFCFD] =	vst v2;
	v11 =	vld [tilespmem:s26+$0xFFFFFBFC];
	(xrf0) =	vadd.scan.msk.s32 $0xffff, v10  }
0x2d0: {  	[tilespmem:s28+$0xFFFFFDFE] =	vst v2;
	v57 =	vld [tilespmem:s26+$0xFFFFFCFD]  }
0x2d1: {  	[tilespmem:s28+$0xFFFFFEFF] =	vst v2;
	v12 =	vadd.s32 v15, v12;
	v15 =	vld [tilespmem:s26+$0xFFFFFDFE]  }
0x2d2: {  	[tilespmem:s28+$0x0] =	vst v2;
	v58, _, _ =	vpop (xrf0);
	v12 =	vadd.s32 v13, v12;
	v13 =	vld [tilespmem:s26+$0xFFFFFEFF]  }
0x2d3: {  	[tilespmem:s28+$0x101] =	vst v2;
	(v2sf) =	vpush v58, $0xF;
	v12 =	vadd.s32 v14, v12;
	v14 =	vld [tilespmem:s26+$0x0]  }
0x2d4: {  	[tilespmem:s28+$0x202] =	vst v2;
	v59, _, _ =	vpop (xrf0);
	v11 =	vadd.s32 v11, v12;
	v12 =	vld [tilespmem:s26+$0x101]  }
0x2d5: {  	[tilespmem:s28+$0x303] =	vst v2;
	v60 =	vld [tilespmem:s26+$0x202];
	(v2sf) =	vpush v59, $0xF;
	v11 =	vadd.s32 v57, v11;
	v61, _, _ =	vpop (xrf0)  }
0x2d6: {  	[tilespmem:s28+$0x404] =	vst v2;
	v11 =	vadd.s32 v15, v11;
	v15 =	vld [tilespmem:s26+$0x303];
	(v2sf) =	vpush v61, $0xF  }
0x2d7: {  	[tilespmem:s28+$0x505] =	vst v2;
	v11 =	vadd.s32 v13, v11;
	v13 =	vld [tilespmem:s26+$0x404]  }
0x2d8: {  	[tilespmem:s28+$0x606] =	vst v2;
	v11 =	vadd.s32 v14, v11;
	v14 =	vld [tilespmem:s26+$0x505]  }
0x2d9: {  	[tilespmem:s28+$0x707] =	vst v2;
	v11 =	vadd.s32 v12, v11;
	v12 =	vld [tilespmem:s26+$0x606]  }
0x2da: {  	v62 =	vld [tilespmem:s26+$0x707];
	v11 =	vadd.s32 v60, v11  }
0x2db: {  	v11 =	vadd.s32 v15, v11  }
0x2dc: {  	v11 =	vadd.s32 v13, v11  }
0x2dd: {  	v11 =	vadd.s32 v14, v11  }
0x2de: {  	v11 =	vadd.s32 v12, v11  }
0x2df: {  	v11 =	vadd.s32 v62, v11  }
0x2e0: {  	s29 =	spop (v2sf);
	(xrf0) =	vadd.scan.msk.s32 $0xffff, v11  }
0x2e1: {  	s22 =	sadd.s32 s22, s29  }
0x2e2: {  	s29 =	spop (v2sf);
	v12 =	vadd.s32 s22, v58  }
0x2e3: {  	s22 =	sadd.s32 s22, s29;
	v8 =	vsub.s32 v12, v8  }
0x2e4: {  	vm0 =	vge.s32 v12, v6;
	v12 =	vadd.s32 s22, v59;
	vm1 =	vlt.s32 v8, v6;
	s29 =	spop (v2sf)  }
0x2e5: {  	v13 =	vor.u32 s23, v1;
	v9 =	vsub.s32 v12, v9;
	vm0 =	vmand vm0, vm1;
	s22 =	sadd.s32 s22, s29;
	s29 =	spop (v2sf)  }
0x2e6: {  	vm1 =	vge.s32 v12, v6;
	vm2 =	vlt.s32 v9, v6;
	v12 =	vadd.s32 s22, v61;
	v14, _, _ =	vpop (xrf0);
	s22 =	sadd.s32 s22, s29  }
0x2e7: {  	vm3 =	vmand vm1, vm2;
	v10 =	vsub.s32 v12, v10;
	v15 =	vadd.s32 s22, v14  }
0x2e8: {  	vm1 =	vge.s32 v12, v6;
	vm2 =	vlt.s32 v10, v6;
	v11 =	vsub.s32 v15, v11  }
0x2e9: {  	vm2 =	vmand vm1, vm2;
	vm1 =	vge.s32 v15, v6;
	vm4 =	vlt.s32 v11, v6  }
0x2ea: {  	v12 =	vor.u32 s18, v1;
	v6 =	vnsel vm0, $0x0, v13;
	vm1 =	vmand vm1, vm4  }
0x2eb: {  	v6 =	vadd.s32 v7, v6;
	v7 =	vnsel vm3, $0x0, v12;
	v12 =	vor.u32 s0, v1  }
0x2ec: {  	v6 =	vadd.s32 v6, v7;
	v7 =	vnsel vm2, $0x0, v12;
	v12 =	vor.u32 s21, v1  }
0x2ed: {  	v6 =	vadd.s32 v6, v7;
	v7 =	vnsel vm1, $0x0, v12  }
0x2ee: {  	v6 =	vadd.s32 v6, v7  }
0x2ef: {  	(xrf0) =	vadd.scan.msk.s32 $0xffff, v6  }
0x2f0: {  	[tilespmem:s26+$0xFFFFFCFD] =	vst v2  }
0x2f1: {  	[tilespmem:s26+$0x202] =	vst v2  }
0x2f2: {  	[tilespmem:s26+$0xFFFFF7F8] =	vst v2  }
0x2f3: {  	[tilespmem:s26+$0x707] =	vst v2  }
0x2f4: {  	[tilespmem:s26+$0xFFFFF8F9] =	vst v2  }
0x2f5: {  	[tilespmem:s26+$0xFFFFF9FA] =	vst v2;
	(v2sf) =	vpush v14, $0xF;
	v6, _, _ =	vpop (xrf0)  }
0x2f6: {  	[tilespmem:s26+$0xFFFFFAFB] =	vst v2;
	(v2sf) =	vpush v6, $0xF  }
0x2f7: {  	[tilespmem:s26+$0xFFFFFBFC] =	vst v2  }
0x2f8: {  	[tilespmem:s26+$0xFFFFFDFE] =	vst v2  }
0x2f9: {  	[tilespmem:s26+$0xFFFFFEFF] =	vst v2  }
0x2fa: {  	[tilespmem:s26+$0x0] =	vst v2  }
0x2fb: {  	[tilespmem:s26+$0x101] =	vst v2  }
0x2fc: {  	[tilespmem:s26+$0x303] =	vst v2  }
0x2fd: {  	[tilespmem:s26+$0x404] =	vst v2  }
0x2fe: {  	[tilespmem:s26+$0x505] =	vst v2  }
0x2ff: {  	s28 =	simm.s32 $0x60C0;
	[tilespmem:s26+$0x606] =	vst v2  }
0x300: {  	v7 =	vld [tilespmem:s28+$0xFFFFFFC0];
	_ =	sdelay $0x2  }
0x301: {  	v12 =	vld [tilespmem:s28+$0xFFFFFFE0]  }
0x302: {  	s29 =	spop (v2sf)  }
0x303: {  	s19 =	sshll.u32 s19, $0x8;
	v10 =	vnsel vm2, $0x0, v10;
	v6 =	vnsel vm0, $0x0, v8;
	v8 =	vshrl.u32 v7, $0x8;
	s18 =	spop (v2sf)  }
0x304: {  	v13 =	vld [tilespmem:s28+$0x20];
	v7 =	vand.u32 $0xFF, v7;
	v5 =	vadd.s32 v5, v6;
	v6 =	vnsel vm3, $0x0, v9;
	s18 =	sor.u32 s19, s18  }
0x305: {  	v9 =	vld [tilespmem:s28+$0xFFFFFFF0];
	v14 =	vadd.s32 v3, v7;
	v5 =	vadd.s32 v5, v6;
	v6 =	vmov s18  }
0x306: {  	v5 =	vadd.s32 v5, v10;
	v10 =	vshrl.u32 v12, $0x8;
	vm3 =	veq.s32 v8, v6  }
0x307: {  	v15 =	vld [tilespmem:s28+$0x30];
	v8 =	vnsel vm1, $0x0, v11;
	v11 =	vand.u32 $0xFF, v12;
	vm2 =	veq.s32 v10, v6  }
0x308: {  	v7 =	vld [tilespmem:s28+$0xFFFFFFD0];
	v10 =	vadd.s32 v3, v11  }
0x309: {  	v63 =	vshrl.u32 v13, $0x8  }
0x30a: {  	v5 =	vadd.s32 v5, v8;
	v8 =	vand.u32 $0xFF, v9;
	v9 =	vshrl.u32 v9, $0x8;
	v11 =	vld [tilespmem:s28+$0x10]  }
0x30b: {  	v12 =	vld [tilespmem:s28+$0x0];
	vm1 =	veq.s32 v63, v6;
	vm0 =	veq.s32 v9, v6;
	v9 =	vand.u32 $0xFF, v13  }
0x30c: {  	s0 =	simm.s32 $0x0;
	s19 =	simm.s32 $0x6140;
	v13 =	vand.u32 $0xFF, v15;
	v9 =	vadd.s32 v3, v9;
	[tilespmem:v14+s31+$0x0] =	vst.idx.add.s32.msk vm3, v4;
	v14 =	vshrl.u32 v15, $0x8  }
.LBB2_18:
0x30d: {  	s0 =	sadd.s32 $0x8, s0;
	v15 =	vshrl.u32 v7, $0x8;
	[tilespmem:v10+s31+$0x0] =	vst.idx.add.s32.msk vm2, v4;
	vm3 =	veq.s32 v14, v6  }
0x30e: {  	v7 =	vand.u32 $0xFF, v7;
	v10 =	vadd.s32 v3, v8;
	v14 =	vld [tilespmem:s19+$0xFFFFFFF0];
	p0 =	slt.u32 s0, $0x1F8;
	vm4 =	veq.s32 v15, v6  }
0x30f: {  	v13 =	vadd.s32 v3, v13;
	v16 =	vadd.s32 v3, v7;
	v15 =	vld [tilespmem:s19+$0xFFFFFFE0];
	v7 =	vshrl.u32 v11, $0x8  }
0x310: {  	v17 =	vld [tilespmem:s19+$0xFFFFFFC0];
	v8 =	vshrl.u32 v12, $0x8;
	vm5 =	veq.s32 v7, v6;
	v7 =	vand.u32 $0xFF, v11  }
0x311: {  	v18 =	vld [tilespmem:s19+$0x30];
	vm6 =	veq.s32 v8, v6;
	v8 =	vand.u32 $0xFF, v12;
	v11 =	vadd.s32 v3, v7  }
0x312: {  	v19 =	vld [tilespmem:s19+$0x20];
	v12 =	vadd.s32 v3, v8  }
0x313: {  	v7 =	vld [tilespmem:s19+$0xFFFFFFD0];
	v8 =	vand.u32 $0xFF, v14  }
0x314: {  	[tilespmem:v10+s31+$0x0] =	vst.idx.add.s32.msk vm0, v4  }
0x315: {  	v20 =	vshrl.u32 v15, $0x8;
	v15 =	vand.u32 $0xFF, v15;
	v10 =	vshrl.u32 v17, $0x8;
	[tilespmem:v9+s31+$0x0] =	vst.idx.add.s32.msk vm1, v4  }
0x316: {  	v9 =	vand.u32 $0xFF, v17;
	vm2 =	veq.s32 v20, v6;
	vm7 =	veq.s32 v10, v6;
	[tilespmem:v11+s31+$0x0] =	vst.idx.add.s32.msk vm5, v4  }
0x317: {  	v9 =	vadd.s32 v3, v9;
	v10 =	vadd.s32 v3, v15;
	[tilespmem:v12+s31+$0x0] =	vst.idx.add.s32.msk vm6, v4  }
.Ltmp10:
0x318: {  	v11 =	vshrl.u32 v14, $0x8;
	[tilespmem:v13+s31+$0x0] =	vst.idx.add.s32.msk vm3, v4;
	(pc) =	sbr.rel @p0 .LBB2_18-.Ltmp10, $4  }
0x319: {  	vm0 =	veq.s32 v11, v6;
	[tilespmem:v16+s31+$0x0] =	vst.idx.add.s32.msk vm4, v4  }
0x31a: {  	v13 =	vshrl.u32 v19, $0x8;
	v11 =	vld [tilespmem:s19+$0x10]  }
0x31b: {  	vm1 =	veq.s32 v13, v6;
	v13 =	vand.u32 $0xFF, v19;
	v12 =	vld [tilespmem:s19+$0x0]  }
0x31c: {  	v14 =	vshrl.u32 v18, $0x8;
	s19 =	sadd.s32 $0x80, s19;
	[tilespmem:v9+s31+$0x0] =	vst.idx.add.s32.msk vm7, v4;
	v9 =	vadd.s32 v3, v13;
	v13 =	vand.u32 $0xFF, v18  }
0x31d: {  	_ = 	snop  }
0x31e: {  	v8 =	vadd.s32 v3, v8  }
0x31f: {  	vm5 =	veq.s32 v14, v6;
	v15 =	vshrl.u32 v11, $0x8;
	v11 =	vand.u32 $0xFF, v11  }
0x320: {  	v16 =	vshrl.u32 v12, $0x8;
	vm3 =	veq.s32 v15, v6;
	v12 =	vand.u32 $0xFF, v12  }
0x321: {  	v11 =	vadd.s32 v3, v11;
	v15 =	vshrl.u32 v7, $0x8;
	vm4 =	veq.s32 v16, v6  }
0x322: {  	vm13 =	veq.s32 v15, v6;
	v6 =	vand.u32 $0xFF, v7;
	v7 =	vadd.s32 v3, v13  }
0x323: {  	[tilespmem:v10+s31+$0x0] =	vst.idx.add.s32.msk vm2, v4;
	v12 =	vadd.s32 v3, v12  }
0x324: {  	[tilespmem:v9+s31+$0x0] =	vst.idx.add.s32.msk vm1, v4;
	v6 =	vadd.s32 v3, v6  }
0x325: {  	[tilespmem:v8+s31+$0x0] =	vst.idx.add.s32.msk vm0, v4  }
0x326: {  	[tilespmem:v11+s31+$0x0] =	vst.idx.add.s32.msk vm3, v4  }
0x327: {  	[tilespmem:v7+s31+$0x0] =	vst.idx.add.s32.msk vm5, v4  }
0x328: {  	[tilespmem:v12+s31+$0x0] =	vst.idx.add.s32.msk vm4, v4  }
0x329: {  	s19 =	simm.s32 $0x8888;
	[tilespmem:v6+s31+$0x0] =	vst.idx.add.s32.msk vm13, v4  }
0x32a: {  	v6 =	vld [tilespmem:s19+$0xFFFFF7F8]  }
0x32b: {  	v7 =	vld [tilespmem:s19+$0xFFFFF8F9]  }
0x32c: {  	[tilespmem:s19+$0xFFFFF7F8] =	vst v2;
	v8 =	vld [tilespmem:s19+$0xFFFFF9FA]  }
0x32d: {  	[tilespmem:s19+$0xFFFFF8F9] =	vst v2;
	v9 =	vld [tilespmem:s19+$0xFFFFFAFB]  }
0x32e: {  	[tilespmem:s19+$0xFFFFF9FA] =	vst v2;
	v10 =	vld [tilespmem:s19+$0xFFFFFBFC]  }
0x32f: {  	(xrf0) =	vadd.scan.msk.s32 $0xffff, v5;
	[tilespmem:s19+$0xFFFFFAFB] =	vst v2;
	v5 =	vld [tilespmem:s19+$0xFFFFFCFD]  }
0x330: {  	[tilespmem:s19+$0xFFFFFBFC] =	vst v2;
	v11 =	vld [tilespmem:s19+$0xFFFFFDFE]  }
0x331: {  	[tilespmem:s19+$0xFFFFFCFD] =	vst v2;
	v12 =	vld [tilespmem:s19+$0xFFFFFEFF]  }
0x332: {  	[tilespmem:s19+$0xFFFFFDFE] =	vst v2;
	v13 =	vld [tilespmem:s19+$0x0];
	v6 =	vadd.s32 v6, v7  }
0x333: {  	[tilespmem:s19+$0xFFFFFEFF] =	vst v2;
	v7 =	vld [tilespmem:s19+$0x101];
	v6 =	vadd.s32 v8, v6  }
0x334: {  	[tilespmem:s19+$0x0] =	vst v2;
	v8 =	vld [tilespmem:s19+$0x202];
	v6 =	vadd.s32 v9, v6  }
0x335: {  	[tilespmem:s19+$0x101] =	vst v2;
	v9 =	vld [tilespmem:s19+$0x303];
	v6 =	vadd.s32 v10, v6  }
0x336: {  	[tilespmem:s19+$0x202] =	vst v2;
	v10 =	vld [tilespmem:s19+$0x404];
	v5 =	vadd.s32 v5, v6  }
0x337: {  	[tilespmem:s19+$0x303] =	vst v2;
	v6 =	vld [tilespmem:s19+$0x505];
	v5 =	vadd.s32 v11, v5  }
0x338: {  	v14, _, _ =	vpop (xrf0);
	[tilespmem:s19+$0x404] =	vst v2;
	v11 =	vld [tilespmem:s19+$0x606];
	v5 =	vadd.s32 v12, v5  }
0x339: {  	s0 =	simm.s32 $0x8898;
	(v2sf) =	vpush v14, $0xF;
	[tilespmem:s19+$0x505] =	vst v2;
	v12 =	vld [tilespmem:s19+$0x707];
	v5 =	vadd.s32 v13, v5  }
0x33a: {  	[tilespmem:s19+$0x606] =	vst v2;
	v13 =	vld [tilespmem:s0+$0xFFFFF7F8];
	v5 =	vadd.s32 v7, v5  }
0x33b: {  	[tilespmem:s19+$0x707] =	vst v2;
	v7 =	vld [tilespmem:s0+$0xFFFFF8F9];
	v5 =	vadd.s32 v8, v5  }
0x33c: {  	[tilespmem:s0+$0xFFFFF7F8] =	vst v2;
	v8 =	vld [tilespmem:s0+$0xFFFFF9FA];
	v5 =	vadd.s32 v9, v5  }
0x33d: {  	[tilespmem:s0+$0xFFFFF8F9] =	vst v2;
	v9 =	vld [tilespmem:s0+$0xFFFFFAFB];
	v5 =	vadd.s32 v10, v5  }
0x33e: {  	[tilespmem:s0+$0xFFFFF9FA] =	vst v2;
	v10 =	vld [tilespmem:s0+$0xFFFFFBFC];
	v5 =	vadd.s32 v6, v5  }
0x33f: {  	[tilespmem:s0+$0xFFFFFAFB] =	vst v2;
	v6 =	vld [tilespmem:s0+$0xFFFFFCFD];
	v5 =	vadd.s32 v11, v5  }
0x340: {  	[tilespmem:s0+$0xFFFFFBFC] =	vst v2;
	v11 =	vld [tilespmem:s0+$0xFFFFFDFE];
	v14 =	vadd.s32 v12, v5  }
0x341: {  	[tilespmem:s0+$0xFFFFFCFD] =	vst v2;
	v5 =	vadd.s32 v13, v7;
	v7 =	vld [tilespmem:s0+$0xFFFFFEFF];
	(xrf0) =	vadd.scan.msk.s32 $0xffff, v14  }
0x342: {  	[tilespmem:s0+$0xFFFFFDFE] =	vst v2;
	v12 =	vld [tilespmem:s0+$0x404]  }
0x343: {  	[tilespmem:s0+$0xFFFFFEFF] =	vst v2;
	v13 =	vld [tilespmem:s0+$0x505];
	v5 =	vadd.s32 v8, v5  }
0x344: {  	[tilespmem:s0+$0x404] =	vst v2;
	v8 =	vld [tilespmem:s0+$0x0];
	v5 =	vadd.s32 v9, v5  }
0x345: {  	[tilespmem:s0+$0x505] =	vst v2;
	v9 =	vld [tilespmem:s0+$0x101];
	v5 =	vadd.s32 v10, v5  }
0x346: {  	[tilespmem:s0+$0x0] =	vst v2;
	v10 =	vld [tilespmem:s0+$0x202];
	v5 =	vadd.s32 v6, v5  }
0x347: {  	[tilespmem:s0+$0x101] =	vst v2;
	v6 =	vld [tilespmem:s0+$0x303];
	v5 =	vadd.s32 v11, v5;
	v11, _, _ =	vpop (xrf0)  }
0x348: {  	s29 =	spop (v2sf);
	[tilespmem:s0+$0x202] =	vst v2;
	v7 =	vadd.s32 v7, v5;
	(v2sf) =	vpush v11, $0xF  }
0x349: {  	s21 =	simm.s32 $0x0;
	s19 =	sadd.s32 s20, s29;
	[tilespmem:s0+$0x303] =	vst v2;
	v7 =	vadd.s32 v8, v7  }
0x34a: {  	v15 =	vimm.s32 $0x0;
	s20 =	ssub.s32 $0x1333, s19;
	v8 =	vld [tilespmem:s0+$0x606];
	[tilespmem:s0+$0x606] =	vst v2;
	v61 =	vadd.s32 s21, v11;
	v7 =	vadd.s32 v9, v7  }
0x34b: {  	s26 =	simm.s32 $0x88A8;
	v5 =	vmov s20;
	v9 =	vld [tilespmem:s0+$0x707];
	[tilespmem:s0+$0x707] =	vst v2;
	v17 =	vsub.s32 v61, v14;
	v7 =	vadd.s32 v10, v7  }
0x34c: {  	v11 =	vld [tilespmem:s26+$0xFFFFF8F9];
	[tilespmem:s26+$0xFFFFF8F9] =	vst v2;
	vm14 =	vge.s32 v61, v5;
	vm15 =	vlt.s32 v17, v5;
	v6 =	vadd.s32 v6, v7  }
0x34d: {  	v10 =	vld [tilespmem:s26+$0xFFFFF7F8];
	[tilespmem:s26+$0xFFFFF7F8] =	vst v2;
	v7 =	vor.u32 s21, v1;
	vm0 =	vmand vm14, vm15;
	v6 =	vadd.s32 v12, v6  }
0x34e: {  	v12 =	vld [tilespmem:s26+$0xFFFFF9FA];
	[tilespmem:s26+$0xFFFFF9FA] =	vst v2;
	v7 =	vnsel vm0, $0x0, v7;
	v62 =	vnsel vm0, $0x0, v17;
	v63 =	vadd.s32 v13, v6  }
0x34f: {  	s23 =	simm.s32 $0x10;
	s22 =	simm.s32 $0x30;
	v13 =	vld [tilespmem:s26+$0xFFFFFAFB];
	v18 =	vnsel vm0, $0x0, v14;
	[tilespmem:s26+$0xFFFFFAFB] =	vst v2;
	v6 =	vadd.s32 v15, v7;
	v17 =	vadd.s32 v8, v63  }
0x350: {  	s28 =	simm.s32 $0x50;
	s20 =	simm.s32 $0x40;
	s0 =	simm.s32 $0x20;
	v14 =	vld [tilespmem:s26+$0xFFFFFBFC];
	[tilespmem:s26+$0xFFFFFBFC] =	vst v2;
	v7 =	vadd.s32 v15, v62;
	v8 =	vadd.s32 v15, v18;
	v9 =	vadd.s32 v9, v17  }
.LBB2_20:
0x351: {  	p0 =	sne.s32 s28, $0xF0;
	v15 =	vld [tilespmem:s26+$0xFFFFFCFD];
	[tilespmem:s26+$0xFFFFFCFD] =	vst v2;
	(xrf0) =	vadd.scan.msk.s32 $0xffff, v9  }
0x352: {  	v10 =	vadd.s32 v10, v11;
	v11 =	vld [tilespmem:s26+$0xFFFFFDFE];
	[tilespmem:s26+$0xFFFFFDFE] =	vst v2  }
0x353: {  	v10 =	vadd.s32 v12, v10;
	v12 =	vld [tilespmem:s26+$0xFFFFFEFF];
	[tilespmem:s26+$0xFFFFFEFF] =	vst v2  }
0x354: {  	v10 =	vadd.s32 v13, v10;
	v13 =	vld [tilespmem:s26+$0x0];
	[tilespmem:s26+$0x0] =	vst v2  }
0x355: {  	v10 =	vadd.s32 v14, v10;
	v14 =	vld [tilespmem:s26+$0x101];
	[tilespmem:s26+$0x101] =	vst v2  }
0x356: {  	v10 =	vadd.s32 v15, v10;
	v15 =	vld [tilespmem:s26+$0x202];
	[tilespmem:s26+$0x202] =	vst v2  }
0x357: {  	v10 =	vadd.s32 v11, v10;
	v11 =	vld [tilespmem:s26+$0x303];
	[tilespmem:s26+$0x303] =	vst v2;
	v16, _, _ =	vpop (xrf0);
	s29 =	spop (v2sf)  }
0x358: {  	v10 =	vadd.s32 v12, v10;
	v12 =	vld [tilespmem:s26+$0x404];
	[tilespmem:s26+$0x404] =	vst v2;
	(v2sf) =	vpush v16, $0xF;
	s21 =	sadd.s32 s21, s29  }
0x359: {  	v10 =	vadd.s32 v13, v10;
	v13 =	vld [tilespmem:s26+$0x505];
	[tilespmem:s26+$0x505] =	vst v2;
	v16 =	vadd.s32 s21, v16  }
0x35a: {  	v10 =	vadd.s32 v14, v10;
	v14 =	vld [tilespmem:s26+$0x606];
	[tilespmem:s26+$0x606] =	vst v2;
	v17 =	vsub.s32 v16, v9;
	vm0 =	vge.s32 v16, v5  }
0x35b: {  	v15 =	vadd.s32 v15, v10;
	v16 =	vld [tilespmem:s26+$0x707];
	[tilespmem:s26+$0x707] =	vst v2;
	s26 =	sadd.s32 $0x10, s26;
	vm1 =	vlt.s32 v17, v5  }
.Ltmp11:
0x35c: {  	v18 =	vor.u32 s23, v1;
	s23 =	smov.u32 s0;
	s0 =	smov.u32 s22;
	v10 =	vld [tilespmem:s26+$0xFFFFF7F8];
	[tilespmem:s26+$0xFFFFF7F8] =	vst v2;
	v15 =	vadd.s32 v11, v15;
	vm0 =	vmand vm0, vm1;
	(pc) =	sbr.rel @p0 .LBB2_20-.Ltmp11, $4  }
0x35d: {  	s22 =	smov.u32 s20;
	s20 =	smov.u32 s28;
	v11 =	vld [tilespmem:s26+$0xFFFFF8F9];
	[tilespmem:s26+$0xFFFFF8F9] =	vst v2;
	v15 =	vadd.s32 v12, v15;
	v18 =	vnsel vm0, $0x0, v18;
	v17 =	vnsel vm0, $0x0, v17  }
0x35e: {  	v9 =	vnsel vm0, $0x0, v9;
	v12 =	vld [tilespmem:s26+$0xFFFFF9FA];
	[tilespmem:s26+$0xFFFFF9FA] =	vst v2;
	v15 =	vadd.s32 v13, v15;
	v6 =	vadd.s32 v6, v18  }
0x35f: {  	v7 =	vadd.s32 v7, v17;
	v8 =	vadd.s32 v8, v9;
	v13 =	vld [tilespmem:s26+$0xFFFFFAFB];
	[tilespmem:s26+$0xFFFFFAFB] =	vst v2;
	v15 =	vadd.s32 v14, v15  }
0x360: {  	s28 =	sadd.s32 $0x10, s28;
	v14 =	vld [tilespmem:s26+$0xFFFFFBFC];
	[tilespmem:s26+$0xFFFFFBFC] =	vst v2;
	v9 =	vadd.s32 v16, v15  }
0x361: {  	v15 =	vld [tilespmem:s26+$0xFFFFFCFD]  }
0x362: {  	v16 =	vld [tilespmem:s26+$0xFFFFFDFE]  }
0x363: {  	v17 =	vld [tilespmem:s26+$0xFFFFFEFF]  }
0x364: {  	v18 =	vld [tilespmem:s26+$0x0]  }
0x365: {  	v19 =	vld [tilespmem:s26+$0x101]  }
0x366: {  	v20 =	vld [tilespmem:s26+$0x202]  }
0x367: {  	v21 =	vld [tilespmem:s26+$0x303]  }
0x368: {  	v22 =	vld [tilespmem:s26+$0x404]  }
0x369: {  	v23 =	vld [tilespmem:s26+$0x505]  }
0x36a: {  	v24 =	vld [tilespmem:s26+$0x606]  }
0x36b: {  	v25 =	vld [tilespmem:s26+$0x707];
	s28 =	sadd.s32 $0x10, s26  }
0x36c: {  	v26 =	vld [tilespmem:s28+$0xFFFFF7F8]  }
0x36d: {  	v27 =	vld [tilespmem:s28+$0xFFFFF8F9]  }
0x36e: {  	v28 =	vld [tilespmem:s28+$0xFFFFF9FA]  }
0x36f: {  	v29 =	vld [tilespmem:s28+$0xFFFFFAFB]  }
0x370: {  	[tilespmem:s26+$0xFFFFFCFD] =	vst v2;
	v30 =	vld [tilespmem:s28+$0xFFFFFBFC];
	v10 =	vadd.s32 v10, v11  }
0x371: {  	[tilespmem:s26+$0xFFFFFDFE] =	vst v2;
	v54 =	vld [tilespmem:s28+$0xFFFFFCFD];
	v10 =	vadd.s32 v12, v10  }
0x372: {  	[tilespmem:s26+$0xFFFFFEFF] =	vst v2;
	v56 =	vld [tilespmem:s28+$0xFFFFFDFE];
	v10 =	vadd.s32 v13, v10;
	v55 =	vadd.s32 v26, v27  }
0x373: {  	[tilespmem:s26+$0x0] =	vst v2;
	v57 =	vld [tilespmem:s28+$0xFFFFFEFF];
	v10 =	vadd.s32 v14, v10;
	v12 =	vadd.s32 v28, v55  }
0x374: {  	[tilespmem:s26+$0x101] =	vst v2;
	v58 =	vld [tilespmem:s28+$0x0];
	v10 =	vadd.s32 v15, v10;
	v12 =	vadd.s32 v29, v12  }
0x375: {  	[tilespmem:s26+$0x202] =	vst v2;
	v59 =	vld [tilespmem:s28+$0x101];
	v10 =	vadd.s32 v16, v10;
	v12 =	vadd.s32 v30, v12  }
0x376: {  	[tilespmem:s26+$0x303] =	vst v2;
	v60 =	vld [tilespmem:s28+$0x202];
	v10 =	vadd.s32 v17, v10;
	v11 =	vadd.s32 v54, v12  }
0x377: {  	[tilespmem:s26+$0x404] =	vst v2;
	v61 =	vld [tilespmem:s28+$0x303];
	v10 =	vadd.s32 v18, v10;
	v11 =	vadd.s32 v56, v11  }
0x378: {  	[tilespmem:s26+$0x505] =	vst v2;
	v62 =	vld [tilespmem:s28+$0x404];
	v10 =	vadd.s32 v19, v10;
	v11 =	vadd.s32 v57, v11  }
0x379: {  	[tilespmem:s26+$0x606] =	vst v2;
	v63 =	vld [tilespmem:s28+$0x505];
	v10 =	vadd.s32 v20, v10;
	v11 =	vadd.s32 v58, v11  }
0x37a: {  	[tilespmem:s26+$0x707] =	vst v2;
	v20 =	vld [tilespmem:s28+$0x606];
	v10 =	vadd.s32 v21, v10;
	v11 =	vadd.s32 v59, v11  }
0x37b: {  	v26 =	vld [tilespmem:s28+$0x707];
	v10 =	vadd.s32 v22, v10;
	v11 =	vadd.s32 v60, v11  }
0x37c: {  	(xrf0) =	vadd.scan.msk.s32 $0xffff, v9;
	[tilespmem:s28+$0xFFFFF7F8] =	vst v2;
	s26 =	sadd.s32 $0x10, s28;
	v10 =	vadd.s32 v23, v10;
	v11 =	vadd.s32 v61, v11  }
0x37d: {  	[tilespmem:s28+$0xFFFFF8F9] =	vst v2;
	v27 =	vld [tilespmem:s26+$0xFFFFF7F8];
	v10 =	vadd.s32 v24, v10;
	v11 =	vadd.s32 v62, v11  }
0x37e: {  	[tilespmem:s28+$0xFFFFF9FA] =	vst v2;
	v28 =	vld [tilespmem:s26+$0xFFFFF8F9];
	v10 =	vadd.s32 v25, v10;
	v11 =	vadd.s32 v63, v11  }
0x37f: {  	[tilespmem:s28+$0xFFFFFAFB] =	vst v2;
	v29 =	vld [tilespmem:s26+$0xFFFFF9FA];
	(xrf0) =	vadd.scan.msk.s32 $0xffff, v10;
	v11 =	vadd.s32 v20, v11  }
0x380: {  	[tilespmem:s28+$0xFFFFFBFC] =	vst v2;
	v30 =	vld [tilespmem:s26+$0xFFFFFAFB];
	v11 =	vadd.s32 v26, v11  }
0x381: {  	[tilespmem:s28+$0xFFFFFCFD] =	vst v2;
	v31 =	vld [tilespmem:s26+$0xFFFFFBFC];
	(xrf0) =	vadd.scan.msk.s32 $0xffff, v11  }
0x382: {  	[tilespmem:s28+$0xFFFFFDFE] =	vst v2;
	v33 =	vld [tilespmem:s26+$0xFFFFFCFD];
	v32, _, _ =	vpop (xrf0)  }
0x383: {  	[tilespmem:s28+$0xFFFFFEFF] =	vst v2;
	v34 =	vld [tilespmem:s26+$0xFFFFFDFE];
	(v2sf) =	vpush v32, $0xF;
	v13 =	vadd.s32 v27, v28  }
0x384: {  	[tilespmem:s28+$0x0] =	vst v2;
	v35 =	vld [tilespmem:s26+$0xFFFFFEFF];
	v13 =	vadd.s32 v29, v13  }
0x385: {  	[tilespmem:s28+$0x101] =	vst v2;
	v36 =	vld [tilespmem:s26+$0x0];
	v13 =	vadd.s32 v30, v13;
	v37, _, _ =	vpop (xrf0)  }
0x386: {  	[tilespmem:s28+$0x202] =	vst v2;
	v38 =	vld [tilespmem:s26+$0x101];
	v12 =	vadd.s32 v31, v13;
	(v2sf) =	vpush v37, $0xF  }
0x387: {  	[tilespmem:s28+$0x303] =	vst v2;
	v39 =	vld [tilespmem:s26+$0x202];
	v12 =	vadd.s32 v33, v12;
	v40, _, _ =	vpop (xrf0)  }
0x388: {  	[tilespmem:s28+$0x404] =	vst v2;
	v41 =	vld [tilespmem:s26+$0x303];
	v12 =	vadd.s32 v34, v12;
	(v2sf) =	vpush v40, $0xF  }
0x389: {  	[tilespmem:s28+$0x505] =	vst v2;
	v42 =	vld [tilespmem:s26+$0x404];
	v12 =	vadd.s32 v35, v12  }
0x38a: {  	v43 =	vld [tilespmem:s26+$0x505];
	[tilespmem:s28+$0x606] =	vst v2;
	v12 =	vadd.s32 v36, v12  }
0x38b: {  	[tilespmem:s28+$0x707] =	vst v2;
	v44 =	vld [tilespmem:s26+$0x606];
	v12 =	vadd.s32 v38, v12  }
0x38c: {  	v45 =	vld [tilespmem:s26+$0x707];
	v12 =	vadd.s32 v39, v12  }
0x38d: {  	v12 =	vadd.s32 v41, v12  }
0x38e: {  	s29 =	spop (v2sf);
	v12 =	vadd.s32 v42, v12  }
0x38f: {  	s21 =	sadd.s32 s21, s29;
	v12 =	vadd.s32 v43, v12  }
0x390: {  	v46 =	vadd.s32 s21, v32;
	v12 =	vadd.s32 v44, v12  }
0x391: {  	v47 =	vsub.s32 v46, v9;
	v12 =	vadd.s32 v45, v12  }
0x392: {  	vm0 =	vge.s32 v46, v5;
	vm1 =	vlt.s32 v47, v5;
	s29 =	spop (v2sf);
	(xrf0) =	vadd.scan.msk.s32 $0xffff, v12  }
0x393: {  	v48 =	vor.u32 s23, v1;
	vm0 =	vmand vm0, vm1;
	s21 =	sadd.s32 s21, s29  }
0x394: {  	v52 =	vor.u32 s0, v1;
	v14 =	vnsel vm0, $0x0, v47;
	v49 =	vadd.s32 s21, v37  }
0x395: {  	v51 =	vnsel vm0, $0x0, v9;
	v58 =	vor.u32 s22, v1;
	v50 =	vsub.s32 v49, v10;
	s29 =	spop (v2sf)  }
0x396: {  	v59 =	vor.u32 s20, v1;
	vm10 =	vge.s32 v49, v5;
	vm2 =	vlt.s32 v50, v5;
	s28 =	sadd.s32 s21, s29  }
0x397: {  	v13 =	vnsel vm0, $0x0, v48;
	vm11 =	vmand vm10, vm2;
	v53 =	vadd.s32 s28, v40;
	s29 =	spop (v2sf)  }
0x398: {  	v15 =	vnsel vm11, $0x0, v52;
	v16 =	vnsel vm11, $0x0, v50;
	v54, _, _ =	vpop (xrf0);
	v55 =	vsub.s32 v53, v11;
	s0 =	sadd.s32 s28, s29  }
0x399: {  	vm12 =	vge.s32 v53, v5;
	vm13 =	vlt.s32 v55, v5;
	v56 =	vadd.s32 s0, v54  }
0x39a: {  	v10 =	vnsel vm11, $0x0, v10;
	vm0 =	vmand vm12, vm13;
	v57 =	vsub.s32 v56, v12  }
0x39b: {  	v60 =	vnsel vm0, $0x0, v55;
	vm14 =	vge.s32 v56, v5;
	vm15 =	vlt.s32 v57, v5  }
0x39c: {  	v5 =	vadd.s32 v6, v13;
	v6 =	vadd.s32 v7, v14;
	v7 =	vadd.s32 v8, v51  }
0x39d: {  	v8 =	vnsel vm0, $0x0, v58;
	vm1 =	vmand vm14, vm15;
	v5 =	vadd.s32 v5, v15  }
0x39e: {  	v6 =	vadd.s32 v6, v16;
	v5 =	vadd.s32 v5, v8;
	v61 =	vnsel vm1, $0x0, v59  }
0x39f: {  	v6 =	vadd.s32 v6, v60;
	v62 =	vnsel vm1, $0x0, v57;
	v5 =	vadd.s32 v5, v61  }
0x3a0: {  	v63 =	vnsel vm0, $0x0, v11;
	v7 =	vadd.s32 v7, v10;
	v6 =	vadd.s32 v6, v62;
	(xrf0) =	vadd.scan.msk.s32 $0xffff, v5  }
0x3a1: {  	v5 =	vadd.s32 v7, v63;
	v7 =	vnsel vm1, $0x0, v12;
	(xrf0) =	vadd.scan.msk.s32 $0xffff, v6  }
0x3a2: {  	v5 =	vadd.s32 v5, v7  }
0x3a3: {  	(xrf0) =	vadd.scan.msk.s32 $0xffff, v5;
	_ =	sdelay $0x2  }
0x3a4: {  	(v2sf) =	vpush v54, $0xF;
	v5, _, _ =	vpop (xrf0)  }
0x3a5: {  	v6, _, _ =	vpop (xrf0);
	(v2sf) =	vpush v5, $0xF  }
0x3a6: {  	(v2sf) =	vpush v6, $0xF  }
0x3a7: {  	v5, _, _ =	vpop (xrf0)  }
0x3a8: {  	(v2sf) =	vpush v5, $0xF;
	_ =	sdelay $0x5  }
0x3a9: {  	[tilespmem:s26+$0xFFFFFBFC] =	vst v2  }
0x3aa: {  	[tilespmem:s26+$0xFFFFFCFD] =	vst v2  }
0x3ab: {  	[tilespmem:s26+$0xFFFFFDFE] =	vst v2  }
0x3ac: {  	[tilespmem:s26+$0xFFFFFEFF] =	vst v2  }
0x3ad: {  	[tilespmem:s26+$0x0] =	vst v2  }
0x3ae: {  	[tilespmem:s26+$0x101] =	vst v2;
	s23 =	spop (v2sf)  }
0x3af: {  	[tilespmem:s26+$0x202] =	vst v2;
	s28 =	spop (v2sf)  }
0x3b0: {  	[tilespmem:s26+$0x303] =	vst v2;
	s0 =	spop (v2sf)  }
0x3b1: {  	[tilespmem:s26+$0x404] =	vst v2;
	s0 =	sadd.s32 s0, s19  }
0x3b2: {  	[tilespmem:s26+$0x505] =	vst v2;
	s29 =	spop (v2sf);
	s0 =	ssub.s32 $0x1333, s0  }
0x3b3: {  	[tilespmem:s26+$0xFFFFF7F8] =	vst v2;
	p0 =	seq.s32 s29, s0  }
.Ltmp12:
0x3b4: {  	[tilespmem:s26+$0xFFFFF8F9] =	vst v2;
	(pc) =	sbr.rel @!p0 .LBB2_25-.Ltmp12, $4  }
0x3b5: {  	[tilespmem:s26+$0x707] =	vst v2  }
0x3b6: {  	s18 =	sshll.u32 s18, $0x8;
	[tilespmem:s26+$0xFFFFF9FA] =	vst v2  }
0x3b7: {  	[tilespmem:s26+$0xFFFFFAFB] =	vst v2;
	s18 =	sor.u32 s18, s28  }
0x3b8: {  	[tilespmem:s26+$0x606] =	vst v2;
	v5 =	vmov s18  }
0x3b9: {  	s19 =	simm.s32 $0x60C0  }
0x3ba: {  	v7 =	vld [tilespmem:s19+$0x30]  }
0x3bb: {  	v10 =	vld [tilespmem:s19+$0xFFFFFFD0]  }
0x3bc: {  	v12 =	vld [tilespmem:s19+$0xFFFFFFE0]  }
0x3bd: {  	v9 =	vld [tilespmem:s19+$0xFFFFFFF0]  }
0x3be: {  	v8 =	vld [tilespmem:s19+$0x0]  }
0x3bf: {  	v6 =	vld [tilespmem:s19+$0x10];
	vm0 =	vle.s32 v7, v5  }
0x3c0: {  	s0 =	simm.s32 $0x9140;
	s21 =	simm.s32 $0xB100;
	s23 =	simm.s32 $0xB200;
	vm1 =	vle.s32 v10, v5;
	v7 =	vld [tilespmem:s19+$0x20];
	v13 =	vsel vm0, $0x1, v2  }
0x3c1: {  	s18 =	simm.s32 $0x0;
	s22 =	simm.s32 $0xB180;
	v10 =	vld [tilespmem:s19+$0xFFFFFFC0];
	s19 =	simm.s32 $0x6140;
	v11 =	vsel vm1, $0x1, v2;
	vm0 =	vle.s32 v12, v5;
	[tilespmem:s0+$0x30] =	vst v13  }
.LBB2_23:
0x3c2: {  	v12 =	vld [tilespmem:s19+$0x30];
	s18 =	sadd.s32 $0x8, s18;
	[tilespmem:s0+$0xFFFFFFD0] =	vst v11;
	v11 =	vsel vm0, $0x1, v2;
	vm0 =	vle.s32 v9, v5  }
0x3c3: {  	v13 =	vld [tilespmem:s19+$0xFFFFFFD0];
	p0 =	slt.u32 s18, $0x1F8;
	[tilespmem:s0+$0xFFFFFFE0] =	vst v11;
	v9 =	vsel vm0, $0x1, v2;
	vm0 =	vle.s32 v8, v5  }
0x3c4: {  	v14 =	vld [tilespmem:s19+$0xFFFFFFE0];
	[tilespmem:s0+$0xFFFFFFF0] =	vst v9;
	v8 =	vsel vm0, $0x1, v2;
	vm0 =	vle.s32 v6, v5  }
.Ltmp13:
0x3c5: {  	v9 =	vld [tilespmem:s19+$0xFFFFFFF0];
	[tilespmem:s0+$0x0] =	vst v8;
	v6 =	vsel vm0, $0x1, v2;
	vm0 =	vle.s32 v7, v5;
	(pc) =	sbr.rel @p0 .LBB2_23-.Ltmp13, $4  }
0x3c6: {  	v8 =	vld [tilespmem:s19+$0x0];
	vm1 =	vle.s32 v10, v5;
	[tilespmem:s0+$0x10] =	vst v6;
	v7 =	vsel vm0, $0x1, v2  }
0x3c7: {  	v6 =	vld [tilespmem:s19+$0x10];
	vm0 =	vle.s32 v12, v5;
	v10 =	vsel vm1, $0x1, v2;
	[tilespmem:s0+$0x20] =	vst v7  }
0x3c8: {  	vm1 =	vle.s32 v13, v5;
	v7 =	vld [tilespmem:s19+$0x20];
	v12 =	vsel vm0, $0x1, v2;
	[tilespmem:s0+$0xFFFFFFC0] =	vst v10;
	s0 =	sadd.s32 $0x80, s0  }
0x3c9: {  	v10 =	vld [tilespmem:s19+$0xFFFFFFC0];
	v11 =	vsel vm1, $0x1, v2;
	vm0 =	vle.s32 v14, v5;
	[tilespmem:s0+$0x30] =	vst v12;
	s19 =	sadd.s32 $0x80, s19  }
0x3ca: {  	[tilespmem:s0+$0xFFFFFFD0] =	vst v11;
	v63 =	vsel vm0, $0x1, v2;
	vm12 =	vle.s32 v9, v5  }
0x3cb: {  	[tilespmem:s0+$0xFFFFFFE0] =	vst v63;
	v9 =	vsel vm12, $0x1, v2;
	vm13 =	vle.s32 v8, v5  }
.Ltmp14:
0x3cc: {  	[tilespmem:s0+$0xFFFFFFF0] =	vst v9;
	v8 =	vsel vm13, $0x1, v2;
	vm14 =	vle.s32 v6, v5;
	(pc) =	sbr.rel .LBB2_28-.Ltmp14, $4  }
0x3cd: {  	[tilespmem:s0+$0x0] =	vst v8;
	v6 =	vsel vm14, $0x1, v2;
	vm15 =	vle.s32 v7, v5  }
0x3ce: {  	vm1 =	vle.s32 v10, v5;
	[tilespmem:s0+$0x10] =	vst v6;
	v5 =	vsel vm15, $0x1, v2  }
0x3cf: {  	v6 =	vsel vm1, $0x1, v2;
	[tilespmem:s0+$0x20] =	vst v5  }
0x3d0: {  	[tilespmem:s0+$0xFFFFFFC0] =	vst v6  }
.LBB2_25:
0x3d1: {  	s19 =	simm.s32 $0x0  }
0x3d2: {  	v7 =	vld [tilespmem:s19+$0x6080];
	_ =	sdelay $0x4  }
0x3d3: {  	vm0 =	veq.s32 v7, v5  }
0x3d4: {  	s18 =	simm.s32 $0x10;
	v8 =	vsel vm0, $0x1, v2  }
0x3d5: {  	(xrf0) =	vadd.scan.msk.s32 $0xffff, v8;
	v8 =	vld [tilespmem:s18+$0x6080];
	_ =	sdelay $0x4  }
0x3d6: {  	vm1 =	veq.s32 v8, v5  }
0x3d7: {  	v6 =	vmov s0;
	s0 =	simm.s32 $0x20;
	v10, _, _ =	vpop (xrf0);
	v11 =	vsel vm1, $0x1, v2  }
0x3d8: {  	v9 =	vld [tilespmem:s0+$0x6080];
	(v2sf) =	vpush v10, $0xF;
	(xrf0) =	vadd.scan.msk.s32 $0xffff, v11  }
0x3d9: {  	s20 =	simm.s32 $0x30  }
0x3da: {  	vm3 =	vlt.s32 v7, v5;
	v7 =	vld [tilespmem:s20+$0x6080]  }
0x3db: {  	s22 =	simm.s32 $0x0  }
0x3dc: {  	v12 =	vmov s22  }
0x3dd: {  	vm2 =	veq.s32 v9, v5;
	vm5 =	vlt.s32 v9, v5;
	vm0 =	vmmov vm0  }
0x3de: {  	vm3 =	vmmov vm3;
	vm5 =	vmmov vm5;
	vm0 =	vmmov vm0;
	v9, _, _ =	vpop (xrf0)  }
0x3df: {  	vm6 =	veq.s32 v7, v5;
	v11 =	vsel vm2, $0x1, v2;
	(v2sf) =	vpush v9, $0xF  }
0x3e0: {  	s21 =	simm.s32 $0x40;
	vm3 =	vmmov vm3;
	vm0 =	vmmov vm0;
	(xrf0) =	vadd.scan.msk.s32 $0xffff, v11;
	v11 =	vsel vm6, $0x1, v2  }
0x3e1: {  	vm3 =	vmmov vm3;
	vm8 =	vmmov vm0;
	vm4 =	vlt.s32 v8, v5;
	v8 =	vld [tilespmem:s21+$0x6080];
	(xrf0) =	vadd.scan.msk.s32 $0xffff, v11  }
0x3e2: {  	vm9 =	vmmov vm3;
	vm0 =	vmmov vm5;
	vm4 =	vmmov vm4  }
0x3e3: {  	vm3 =	vmmov vm6;
	vm1 =	vmmov vm1;
	vm4 =	vmmov vm4  }
0x3e4: {  	vm7 =	vmmov vm1;
	vm2 =	vmmov vm2;
	v11 =	vadd.s32 $0xFFFFFFFF, v12  }
0x3e5: {  	vm1 =	vlt.s32 v7, v5;
	vm10 =	vmmov vm4;
	v11 =	vbroadcast v11, $0x0  }
0x3e6: {  	vm1 =	vmmov vm1;
	vm5 =	vmmov vm7;
	vm4 =	veq.s32 v8, v5;
	v7, _, _ =	vpop (xrf0)  }
0x3e7: {  	vm6 =	vlt.s32 v8, v5;
	(v2sf) =	vpush v7, $0xF;
	v10 =	vadd.s32 v10, v11;
	v8, _, _ =	vpop (xrf0);
	s29 =	spop (v2sf)  }
0x3e8: {  	s22 =	simm.s32 $0x50;
	vm2 =	vmmov vm2;
	vm7 =	vlt.s32 v10, v6;
	(v2sf) =	vpush v8, $0xF;
	s23 =	sadd.s32 $0x0, s29  }
0x3e9: {  	v12 =	vsel vm4, $0x1, v2;
	v11 =	vld [tilespmem:s22+$0x6080];
	vm7 =	vmand vm8, vm7;
	v10 =	vmov s23  }
0x3ea: {  	vm5 =	vmmov vm5;
	vm7 =	vmor vm9, vm7;
	(xrf0) =	vadd.scan.msk.s32 $0xffff, v12;
	v10 =	vadd.s32 $0xFFFFFFFF, v10  }
0x3eb: {  	s26 =	simm.s32 $0x180;
	v12 =	vbroadcast v10, $0x0;
	v10 =	vsel vm7, $0x1, v2;
	vm7 =	vmmov vm10  }
.LBB2_26:
0x3ec: {  	s28 =	sshra.s32 s26, $0x2;
	[tilespmem:s19+$0x9100] =	vst v10;
	vm8 =	vmmov vm0;
	vm0 =	vmmov vm1;
	vm1 =	vmmov vm6;
	s19 =	smov.u32 s18  }
0x3ed: {  	vm9 =	vmmov vm2;
	vm2 =	vmmov vm3;
	vm3 =	vmmov vm4;
	s18 =	smov.u32 s0;
	s0 =	smov.u32 s20;
	p0 =	sne.s32 s26, $0x7FC0  }
.Ltmp15:
0x3ee: {  	s26 =	sadd.s32 $0x40, s26;
	vm6 =	vlt.s32 v11, v5;
	vm4 =	veq.s32 v11, v5;
	v12 =	vadd.s32 v9, v12;
	s20 =	spop (v2sf);
	(pc) =	sbr.rel @p0 .LBB2_26-.Ltmp15, $4  }
0x3ef: {  	v9 =	vmovc v7;
	v7 =	vmov v8;
	v10 =	vsel vm4, $0x1, v2;
	vm10 =	vlt.s32 v12, v6;
	v11 =	vld [tilespmem:s28+$0x6080];
	s23 =	sadd.s32 s23, s20;
	s20 =	smov.u32 s21;
	s21 =	smov.u32 s22  }
0x3f0: {  	vm10 =	vmand vm5, vm10;
	vm5 =	vmmov vm9;
	s22 =	smov.u32 s28;
	(xrf0) =	vadd.scan.msk.s32 $0xffff, v10;
	v8, _, _ =	vpop (xrf0);
	v10 =	vmov s23  }
0x3f1: {  	vm7 =	vmor vm7, vm10;
	(v2sf) =	vpush v8, $0xF;
	v10 =	vadd.s32 $0xFFFFFFFF, v10  }
0x3f2: {  	v12 =	vbroadcast v10, $0x0;
	v10 =	vsel vm7, $0x1, v2;
	vm7 =	vmmov vm8  }
.Ltmp16:
0x3f3: {  	_ = 	snop;
	(pc) =	sbr.rel .LBB2_27-.Ltmp16, $1  }
0x3f4: {  	_ =	sdelay $0x3  }
.LBB2_29:
0x3f5: {  	_ =	sfence.sel $0x180000  }
0x3f6: {  	[bflag:$0x0] =	sbarrier.arrive $0xFFFF  }
0x3f7: {  	_ =	strace $0x90000047  }
0x3f8: {  	s0 =	stileid.u32;
	[bflag:$0x2] =	sbarrier.arrive $0xFFFF  }
0x3f9: {  	p0 =	sne.s32 s0, $0x0;
	s0 =	rddreg [dreg:$0x3]  }
0x3fa: {  	s0 =	sadd.s32 @!p0 $0x100000, s0  }
0x3fb: {  	[sflag:s0] =	ssyncadd.tile.s32 @!p0 $0x1;
	_ =	shalt  }
.Lfunc_end2:
_tile_overlayer_lowered:
.L_overlay_start_2:
0x3fc: {  	(tag) =	ssettag $0x2  }
0x3fd: {  	s0 =	rddreg [dreg:$0x0];
	s2 =	stileid.u32  }
0x3fe: {  	s1 =	rddreg [dreg:$0x1];
	p0 =	sne.s32 s2, $0x0  }
0x3ff: {  	s3 =	rddreg [dreg:$0x2];
	[bflag:$0x3] =	sbarrier.arrive $0xFFFF;
	s2 =	simm.s32 @!p0 $0x1C04  }
0x400: {  	[timem:s3], [sflag:s2] =	dma.local @!p0 [hbm:s0], s1  }
0x401: {  	s0 =	simm.s32 @!p0 $0x4  }
0x402: {  	_ =	swait.ge @!p0 [sflag:s0], s1  }
0x403: {  	s1 =	ssub.s32 @!p0 $0x0, s1;
	[sflag:s0] =	ssyncset.done @!p0 $0x0  }
0x404: {  	[sflag:s0] =	ssyncadd.s32 @!p0 s1  }
0x405: {  	[bflag:$0x3] =	sbarrier.arrive $0xFFFF  }
0x406: {  	_ =	shalt  }

</sc_bundles>
